<compile_context>
chip_gen: v7x
topology: tpu7x:2x2x1
jax: 0.10.2.dev20260603
libtpu: 0.0.44.dev20260713+nightly
codegen_flags: <defaults>
</compile_context>

<pallas_src>
import functools

import jax
import jax.numpy as jnp
from jax import lax
from jax.experimental import pallas as pl
from jax.experimental.pallas import tpu as pltpu
from jax.experimental.pallas import tpu_sc as plsc

_B, _C, _N, _L = 2, 3, 4, 64
_BCN = _B * _C * _N
_SCB = 4
_NQ = 8
_QW = _L // _NQ
_SLAB = 4
_NSLAB = _QW // _SLAB
_F32 = jnp.float32



def _sc_body(l_hbm, m_hbm, o_dp, o_hp, o_wp,
             lbuf, mbuf, s_dp, s_hp, s_wp):
    wid = lax.axis_index("s") * 2 + lax.axis_index("c")
    box = wid // _NQ
    wsplit = wid % _NQ
    b = box // (_C * _N)
    c = (box // _N) % _C
    n = box % _N
    zero = jnp.zeros((16,), _F32)

    for dc in range(4):
        s_dp[pl.ds(dc * 16, 16)] = zero

    def zero_h(h, _):
        s_hp[pl.ds(h * 16, 16)] = zero
        return 0

    lax.fori_loop(0, _L, zero_h, 0)

    def slab_body(slab, _):
        w0 = pl.multiple_of(wsplit * _QW + slab * _SLAB, _SLAB)
        pltpu.sync_copy(l_hbm.at[b, c, pl.ds(w0, _SLAB)], lbuf)
        pltpu.sync_copy(m_hbm.at[b, c, n, pl.ds(w0, _SLAB)], mbuf)

        def h_body(h, carry):
            acc = list(carry)
            hacc = [zero] * 4
            for w in range(_SLAB):
                for dc in range(4):
                    lv = lbuf[w, h, pl.ds(dc * 16, 16)]
                    mv = mbuf[w, h, pl.ds(dc * 16, 16)]
                    pv = lv * mv
                    acc[dc] = acc[dc] + pv
                    hacc[dc] = hacc[dc] + pv
                    acc[4 + w] = acc[4 + w] + pv
            hsum = (hacc[0] + hacc[1]) + (hacc[2] + hacc[3])
            plsc.addupdate(s_hp.at[pl.ds(h * 16, 16)], hsum)
            return tuple(acc)

        acc = lax.fori_loop(0, _L, h_body, (zero,) * (4 + _SLAB))
        for dc in range(4):
            plsc.addupdate(s_dp.at[pl.ds(dc * 16, 16)], acc[dc])
        for w in range(_SLAB):
            s_wp[pl.ds((slab * _SLAB + w) * 16, 16)] = acc[4 + w]
        return 0

    lax.fori_loop(0, _NSLAB, slab_body, 0)

    pltpu.sync_copy(s_dp, o_dp.at[wid])
    pltpu.sync_copy(s_hp, o_hp.at[wid])
    pltpu.sync_copy(s_wp, o_wp.at[wid])


_sc_profiles = functools.partial(
    pl.kernel,
    out_type=(
        jax.ShapeDtypeStruct((_SCB * _NQ, 64), _F32),
        jax.ShapeDtypeStruct((_SCB * _NQ, 1024), _F32),
        jax.ShapeDtypeStruct((_SCB * _NQ, _QW * 16), _F32),
    ),
    mesh=plsc.VectorSubcoreMesh(core_axis_name="c", subcore_axis_name="s"),
    scratch_types=[
        pltpu.VMEM((_SLAB, _L, _L), _F32),
        pltpu.VMEM((_SLAB, _L, _L), _F32),
        pltpu.VMEM((64,), _F32),
        pltpu.VMEM((1024,), _F32),
        pltpu.VMEM((_QW * 16,), _F32),
    ],
    compiler_params=pltpu.CompilerParams(use_tc_tiling_on_sc=True),
)(_sc_body)



_TCB = _BCN - _SCB
_TCG = _TCB // _N


def _tc_body(l_ref, m_ref, dp_ref, hp_ref, wp_ref):
    lg = l_ref[0, 0]
    for n in range(_N):
        p = lg * m_ref[0, 0, n]
        a = p.sum(axis=0)
        dp_ref[0, n] = a.sum(axis=0)
        hp_ref[0, n] = a.sum(axis=1)
        wp_ref[0, n] = p.sum(axis=(1, 2))


def _tc_index_l(g):
    return (g + _SCB // _N) // _C, (g + _SCB // _N) % _C, 0, 0, 0


def _tc_index_m(g):
    return (g + _SCB // _N) // _C, (g + _SCB // _N) % _C, 0, 0, 0, 0


_tc_profiles = functools.partial(
    pl.pallas_call,
    grid=(_TCG,),
    in_specs=[
        pl.BlockSpec((1, 1, _L, _L, _L), _tc_index_l),
        pl.BlockSpec((1, 1, _N, _L, _L, _L), _tc_index_m),
    ],
    out_specs=[
        pl.BlockSpec((1, _N, _L), lambda g: (g, 0, 0)),
        pl.BlockSpec((1, _N, _L), lambda g: (g, 0, 0)),
        pl.BlockSpec((1, _N, _L), lambda g: (g, 0, 0)),
    ],
    out_shape=[
        jax.ShapeDtypeStruct((_TCG, _N, _L), _F32),
        jax.ShapeDtypeStruct((_TCG, _N, _L), _F32),
        jax.ShapeDtypeStruct((_TCG, _N, _L), _F32),
    ],
    compiler_params=pltpu.CompilerParams(
        dimension_semantics=("arbitrary",),
    ),
)(_tc_body)



def _axis_err(s):
    m = (s > 0).astype(_F32)
    cnt = m.sum(-1)
    valid = cnt > 0
    mean = jnp.where(valid, s.sum(-1) / jnp.maximum(cnt, 1.0), 0.0)
    return jnp.maximum(jnp.where(valid, 1.0 - mean, 0.0), 0.0)


def _lane_sel(rows, cols):
    r = lax.broadcasted_iota(jnp.int32, (rows, cols), 0)
    c = lax.broadcasted_iota(jnp.int32, (rows, cols), 1)
    return (r // 16 == c).astype(_F32)


def _win_errs(mat):
    tot = _axis_err(mat[:, 0:8])
    for win in range(1, 8):
        tot = tot + _axis_err(mat[:, win * 8:(win + 1) * 8])
    return tot


def _epi_body(sdp, shp, swp, tdp, thp, twp, out):
    hi = jax.lax.Precision.HIGHEST
    sdp3 = sdp[...].reshape(_SCB, _NQ, 64).sum(axis=1)
    shp_h = jnp.dot(shp[...].reshape(_SCB, _NQ, 1024).sum(axis=1),
                    _lane_sel(1024, 64), precision=hi)
    swp_w = jnp.dot(swp[...], _lane_sel(_QW * 16, _QW), precision=hi)
    e_w = _axis_err(swp_w).reshape(_SCB, _NQ).sum(axis=1)
    tot_sc = (_win_errs(sdp3) + _win_errs(shp_h) + e_w) * 8.0
    tdp2 = tdp[...].reshape(_TCB, 64)
    thp2 = thp[...].reshape(_TCB, 64)
    twp2 = twp[...].reshape(_TCB, 64)
    tot_tc = (_win_errs(tdp2) + _win_errs(thp2) + _win_errs(twp2)) * 8.0
    out[0, 0] = jnp.sum(tot_sc * tot_sc) + jnp.sum(tot_tc * tot_tc)


def kernel(logits, box_masks):
    sdp, shp, swp = _sc_profiles(logits, box_masks)
    tdp, thp, twp = _tc_profiles(logits, box_masks)
    loss = pl.pallas_call(
        _epi_body,
        out_shape=jax.ShapeDtypeStruct((1, 1), _F32),
        out_specs=pl.BlockSpec(memory_space=pltpu.SMEM),
    )(sdp, shp, swp, tdp, thp, twp)
    return loss[0, 0]

# --- scband reference (transcript-rebuilt; emitter-appended) ---
"""Pipeline reference for scband-box-tightness-prior-loss-63814624084548 (READ-ONLY COPY).

The authoritative reference and input builder live on the scoring server;
editing this copy changes nothing except your own understanding.
"""

import jax, jax.numpy as jnp
import numpy as np

B, C, N, W, H, D = 2, 3, 4, 64, 64, 64
SLICES_WIDTH = 8


def _make_box_masks():
    rng = np.random.RandomState(0)
    masks = np.zeros((B, C, N, W, H, D), dtype=np.float32)
    for b in range(B):
        for c in range(C):
            for n in range(N):
                if rng.rand() < 0.2:
                    continue  # some empty box slots
                bounds = []
                for L in (W, H, D):
                    s = rng.randint(0, L - SLICES_WIDTH)
                    length = rng.randint(SLICES_WIDTH, L - s + 1)
                    bounds.append((s, s + length))
                (w0, w1), (h0, h1), (d0, d1) = bounds
                masks[b, c, n, w0:w1, h0:h1, d0:d1] = 1.0
    return jnp.asarray(masks)


def setup_inputs(seed: int = 0) -> dict:
    key = jax.random.key(seed)
    # 'softmax logits' -> per-class probabilities
    raw = jax.random.normal(key, (B, C, W, H, D), dtype=jnp.float32)
    logits = jax.nn.softmax(raw, axis=1)
    box_masks = _make_box_masks()
    return {"logits": logits, "box_masks": box_masks}


def reference(logits, box_masks):
    # Dense translation of BoxTightnessPriorLoss.forward (mode=3D, reduction='original',
    # penalty=InequalityL2Penalty). Dim mapping for [B,C,N,W,H,D]: W=3, H=4, D=5.
    slices_width = SLICES_WIDTH
    # _mask_logits: broadcast logits over the box dim and multiply by the box masks
    predicted_boxes = logits[:, :, None, :, :, :] * box_masks
    slice_dims = [(4, 3), (3, 5), (4, 5)]  # (H,W), (W,D), (H,D)
    errors = []
    segment_counts = []
    for dims in slice_dims:
        slices = predicted_boxes.sum(axis=dims)          # [B,C,N,rem]
        mask = box_masks.sum(axis=dims) > 0              # valid positions along remaining dim
        rem = slices.shape[-1]
        n_seg = rem // slices_width
        s = slices[..., : n_seg * slices_width].reshape(slices.shape[:-1] + (n_seg, slices_width))
        m = mask[..., : n_seg * slices_width].reshape(mask.shape[:-1] + (n_seg, slices_width))
        cnt = m.sum(axis=-1)                             # valid elements per window
        window_valid = cnt > 0
        # masked mean over each unfolded window
        slices_mean = jnp.where(window_valid,
                                (s * m).sum(axis=-1) / jnp.maximum(cnt, 1),
                                0.0)
        segment_counts.append(window_valid.sum(axis=-1))
        slices_error = jnp.where(window_valid, 1.0 - slices_mean, 0.0)  # to_tensor(0)
        slices_error = jnp.maximum(slices_error, 0.0)
        errors.append(slices_error.sum(axis=-1))
    error = jnp.stack(errors, axis=-1).sum(axis=-1) * slices_width   # [B,C,N]
    # InequalityL2Penalty
    error = jnp.where(error >= 0, jnp.square(error), 0.0)
    # Reduction.ORIGINAL
    return jnp.sum(error)

if __name__ == "__main__":
    import jax
    _d = setup_inputs()
    print(jax.jit(kernel)(*tuple(_d.values())))

</pallas_src>

<mosaic_0001>
#map = affine_map<(d0, d1) -> (0, 0, 0, 0, 0)>
#map1 = affine_map<(d0, d1) -> (0, 0, 0, 0, 0, 0)>
#map2 = affine_map<(d0, d1) -> (0, 0)>
module attributes {stable_mosaic.version = 14 : i64} {
  func.func @_sc_body(%arg0: i32, %arg1: i32, %arg2: memref<2x3x64x64x64xf32, #tpu.memory_space<hbm>>, %arg3: memref<2x3x4x64x64x64xf32, #tpu.memory_space<hbm>>, %arg4: memref<32x64xf32, #tpu.memory_space<hbm>>, %arg5: memref<32x1024xf32, #tpu.memory_space<hbm>>, %arg6: memref<32x128xf32, #tpu.memory_space<hbm>>, %arg7: memref<4x64x64xf32, #tpu.memory_space<vmem>>, %arg8: memref<4x64x64xf32, #tpu.memory_space<vmem>>, %arg9: memref<64xf32, #tpu.memory_space<vmem>>, %arg10: memref<1024xf32, #tpu.memory_space<vmem>>, %arg11: memref<128xf32, #tpu.memory_space<vmem>>) attributes {dimension_semantics = [#tpu.dimension_semantics<core_parallel>, #tpu.dimension_semantics<subcore_parallel>], iteration_bounds = array<i64: 2, 16>, scalar_prefetch = 0 : i64, scratch_operands = 5 : i64, tpu.core_type = #tpu.core_type<sc_vector_subcore>, window_params = [{transform_indices = #map}, {transform_indices = #map1}, {transform_indices = #map2}, {transform_indices = #map2}, {transform_indices = #map2}]} {
    %mul3A = arith.constant 2 : i32
    %mul3A_0 = arith.muli %arg1, %mul3A : i32
    %add3A = arith.addi %mul3A_0, %arg0 : i32
    %jit3A = arith.constant 8 : i32
    %div3A = arith.divsi %add3A, %jit3A : i32
    %sign3A = arith.constant 0 : i32
    %sign3A_1 = arith.cmpi sgt, %add3A, %sign3A : i32
    %sign3A_2 = arith.extui %sign3A_1 : i1 to i32
    %sign3A_3 = arith.constant 0 : i32
    %sign3A_4 = arith.cmpi slt, %add3A, %sign3A_3 : i32
    %sign3A_5 = arith.extui %sign3A_4 : i1 to i32
    %sign3A_6 = arith.subi %sign3A_2, %sign3A_5 : i32
    %sign3A_7 = arith.constant 0 : i32
    %sign3A_8 = arith.cmpi sgt, %jit3A, %sign3A_7 : i32
    %sign3A_9 = arith.extui %sign3A_8 : i1 to i32
    %sign3A_10 = arith.constant 0 : i32
    %sign3A_11 = arith.cmpi slt, %jit3A, %sign3A_10 : i32
    %sign3A_12 = arith.extui %sign3A_11 : i1 to i32
    %sign3A_13 = arith.subi %sign3A_9, %sign3A_12 : i32
    %ne3A = arith.cmpi ne, %sign3A_6, %sign3A_13 : i32
    %rem3A = arith.remsi %add3A, %jit3A : i32
    %ne3A_14 = arith.constant 0 : i32
    %ne3A_15 = arith.cmpi ne, %rem3A, %ne3A_14 : i32
    %and3A = arith.andi %ne3A, %ne3A_15 : i1
    %sub3A = arith.constant 1 : i32
    %sub3A_16 = arith.subi %div3A, %sub3A : i32
    %select_n3A = arith.select %and3A, %sub3A_16, %div3A : i32
    %jit3A_17 = arith.constant 8 : i32
    %eq3A = arith.constant 0 : i32
    %eq3A_18 = arith.cmpi eq, %jit3A_17, %eq3A : i32
    %jit3A_19 = arith.constant 1 : i32
    %select_n3A_20 = arith.select %eq3A_18, %jit3A_19, %jit3A_17 : i32
    %rem3A_21 = arith.remsi %add3A, %select_n3A_20 : i32
    %ne3A_22 = arith.constant 0 : i32
    %ne3A_23 = arith.cmpi ne, %rem3A_21, %ne3A_22 : i32
    %lt3A = arith.constant 0 : i32
    %lt3A_24 = arith.cmpi slt, %rem3A_21, %lt3A : i32
    %lt3A_25 = arith.constant 0 : i32
    %lt3A_26 = arith.cmpi slt, %select_n3A_20, %lt3A_25 : i32
    %ne3A_27 = arith.xori %lt3A_24, %lt3A_26 : i1
    %and3A_28 = arith.andi %ne3A_27, %ne3A_23 : i1
    %add3A_29 = arith.addi %rem3A_21, %select_n3A_20 : i32
    %select_n3A_30 = arith.select %and3A_28, %add3A_29, %rem3A_21 : i32
    %jit3A_31 = arith.constant 12 : i32
    %div3A_32 = arith.divsi %select_n3A, %jit3A_31 : i32
    %sign3A_33 = arith.constant 0 : i32
    %sign3A_34 = arith.cmpi sgt, %select_n3A, %sign3A_33 : i32
    %sign3A_35 = arith.extui %sign3A_34 : i1 to i32
    %sign3A_36 = arith.constant 0 : i32
    %sign3A_37 = arith.cmpi slt, %select_n3A, %sign3A_36 : i32
    %sign3A_38 = arith.extui %sign3A_37 : i1 to i32
    %sign3A_39 = arith.subi %sign3A_35, %sign3A_38 : i32
    %sign3A_40 = arith.constant 0 : i32
    %sign3A_41 = arith.cmpi sgt, %jit3A_31, %sign3A_40 : i32
    %sign3A_42 = arith.extui %sign3A_41 : i1 to i32
    %sign3A_43 = arith.constant 0 : i32
    %sign3A_44 = arith.cmpi slt, %jit3A_31, %sign3A_43 : i32
    %sign3A_45 = arith.extui %sign3A_44 : i1 to i32
    %sign3A_46 = arith.subi %sign3A_42, %sign3A_45 : i32
    %ne3A_47 = arith.cmpi ne, %sign3A_39, %sign3A_46 : i32
    %rem3A_48 = arith.remsi %select_n3A, %jit3A_31 : i32
    %ne3A_49 = arith.constant 0 : i32
    %ne3A_50 = arith.cmpi ne, %rem3A_48, %ne3A_49 : i32
    %and3A_51 = arith.andi %ne3A_47, %ne3A_50 : i1
    %sub3A_52 = arith.constant 1 : i32
    %sub3A_53 = arith.subi %div3A_32, %sub3A_52 : i32
    %select_n3A_54 = arith.select %and3A_51, %sub3A_53, %div3A_32 : i32
    %jit3A_55 = arith.constant 4 : i32
    %div3A_56 = arith.divsi %select_n3A, %jit3A_55 : i32
    %sign3A_57 = arith.constant 0 : i32
    %sign3A_58 = arith.cmpi sgt, %select_n3A, %sign3A_57 : i32
    %sign3A_59 = arith.extui %sign3A_58 : i1 to i32
    %sign3A_60 = arith.constant 0 : i32
    %sign3A_61 = arith.cmpi slt, %select_n3A, %sign3A_60 : i32
    %sign3A_62 = arith.extui %sign3A_61 : i1 to i32
    %sign3A_63 = arith.subi %sign3A_59, %sign3A_62 : i32
    %sign3A_64 = arith.constant 0 : i32
    %sign3A_65 = arith.cmpi sgt, %jit3A_55, %sign3A_64 : i32
    %sign3A_66 = arith.extui %sign3A_65 : i1 to i32
    %sign3A_67 = arith.constant 0 : i32
    %sign3A_68 = arith.cmpi slt, %jit3A_55, %sign3A_67 : i32
    %sign3A_69 = arith.extui %sign3A_68 : i1 to i32
    %sign3A_70 = arith.subi %sign3A_66, %sign3A_69 : i32
    %ne3A_71 = arith.cmpi ne, %sign3A_63, %sign3A_70 : i32
    %rem3A_72 = arith.remsi %select_n3A, %jit3A_55 : i32
    %ne3A_73 = arith.constant 0 : i32
    %ne3A_74 = arith.cmpi ne, %rem3A_72, %ne3A_73 : i32
    %and3A_75 = arith.andi %ne3A_71, %ne3A_74 : i1
    %sub3A_76 = arith.constant 1 : i32
    %sub3A_77 = arith.subi %div3A_56, %sub3A_76 : i32
    %select_n3A_78 = arith.select %and3A_75, %sub3A_77, %div3A_56 : i32
    %jit3A_79 = arith.constant 3 : i32
    %eq3A_80 = arith.constant 0 : i32
    %eq3A_81 = arith.cmpi eq, %jit3A_79, %eq3A_80 : i32
    %jit3A_82 = arith.constant 1 : i32
    %select_n3A_83 = arith.select %eq3A_81, %jit3A_82, %jit3A_79 : i32
    %rem3A_84 = arith.remsi %select_n3A_78, %select_n3A_83 : i32
    %ne3A_85 = arith.constant 0 : i32
    %ne3A_86 = arith.cmpi ne, %rem3A_84, %ne3A_85 : i32
    %lt3A_87 = arith.constant 0 : i32
    %lt3A_88 = arith.cmpi slt, %rem3A_84, %lt3A_87 : i32
    %lt3A_89 = arith.constant 0 : i32
    %lt3A_90 = arith.cmpi slt, %select_n3A_83, %lt3A_89 : i32
    %ne3A_91 = arith.xori %lt3A_88, %lt3A_90 : i1
    %and3A_92 = arith.andi %ne3A_91, %ne3A_86 : i1
    %add3A_93 = arith.addi %rem3A_84, %select_n3A_83 : i32
    %select_n3A_94 = arith.select %and3A_92, %add3A_93, %rem3A_84 : i32
    %jit3A_95 = arith.constant 4 : i32
    %eq3A_96 = arith.constant 0 : i32
    %eq3A_97 = arith.cmpi eq, %jit3A_95, %eq3A_96 : i32
    %jit3A_98 = arith.constant 1 : i32
    %select_n3A_99 = arith.select %eq3A_97, %jit3A_98, %jit3A_95 : i32
    %rem3A_100 = arith.remsi %select_n3A, %select_n3A_99 : i32
    %ne3A_101 = arith.constant 0 : i32
    %ne3A_102 = arith.cmpi ne, %rem3A_100, %ne3A_101 : i32
    %lt3A_103 = arith.constant 0 : i32
    %lt3A_104 = arith.cmpi slt, %rem3A_100, %lt3A_103 : i32
    %lt3A_105 = arith.constant 0 : i32
    %lt3A_106 = arith.cmpi slt, %select_n3A_99, %lt3A_105 : i32
    %ne3A_107 = arith.xori %lt3A_104, %lt3A_106 : i1
    %and3A_108 = arith.andi %ne3A_107, %ne3A_102 : i1
    %add3A_109 = arith.addi %rem3A_100, %select_n3A_99 : i32
    %select_n3A_110 = arith.select %and3A_108, %add3A_109, %rem3A_100 : i32
    %broadcast_in_dim3A = arith.constant 0.000000e+00 : f32
    %broadcast_in_dim3A_111 = vector.broadcast %broadcast_in_dim3A : f32 to vector<16xf32>
    %swap3A = arith.constant 0 : index
    %swap3A_112 = tpu.vector_load %arg9[%swap3A] {strides = array<i32>} : memref<64xf32, #tpu.memory_space<vmem>>, vector<16xf32>,
    %swap3A_113 = vector.shape_cast %swap3A_112 : vector<16xf32> to vector<16xf32>
    %swap3A_114 = vector.shape_cast %broadcast_in_dim3A_111 : vector<16xf32> to vector<16xf32>
    tpu.vector_store %arg9[%swap3A], %swap3A_114 {strides = array<i32>} : memref<64xf32, #tpu.memory_space<vmem>>, vector<16xf32>,
    %swap3A_115 = arith.constant 16 : index
    %swap3A_116 = tpu.vector_load %arg9[%swap3A_115] {strides = array<i32>} : memref<64xf32, #tpu.memory_space<vmem>>, vector<16xf32>,
    %swap3A_117 = vector.shape_cast %swap3A_116 : vector<16xf32> to vector<16xf32>
    %swap3A_118 = vector.shape_cast %broadcast_in_dim3A_111 : vector<16xf32> to vector<16xf32>
    tpu.vector_store %arg9[%swap3A_115], %swap3A_118 {strides = array<i32>} : memref<64xf32, #tpu.memory_space<vmem>>, vector<16xf32>,
    %swap3A_119 = arith.constant 32 : index
    %swap3A_120 = tpu.vector_load %arg9[%swap3A_119] {strides = array<i32>} : memref<64xf32, #tpu.memory_space<vmem>>, vector<16xf32>,
    %swap3A_121 = vector.shape_cast %swap3A_120 : vector<16xf32> to vector<16xf32>
    %swap3A_122 = vector.shape_cast %broadcast_in_dim3A_111 : vector<16xf32> to vector<16xf32>
    tpu.vector_store %arg9[%swap3A_119], %swap3A_122 {strides = array<i32>} : memref<64xf32, #tpu.memory_space<vmem>>, vector<16xf32>,
    %swap3A_123 = arith.constant 48 : index
    %swap3A_124 = tpu.vector_load %arg9[%swap3A_123] {strides = array<i32>} : memref<64xf32, #tpu.memory_space<vmem>>, vector<16xf32>,
    %swap3A_125 = vector.shape_cast %swap3A_124 : vector<16xf32> to vector<16xf32>
    %swap3A_126 = vector.shape_cast %broadcast_in_dim3A_111 : vector<16xf32> to vector<16xf32>
    tpu.vector_store %arg9[%swap3A_123], %swap3A_126 {strides = array<i32>} : memref<64xf32, #tpu.memory_space<vmem>>, vector<16xf32>,
    %scan3A = arith.constant 0 : i32
    %scan3A_127 = arith.constant 0 : i32
    %scan3A_128 = arith.constant 64 : i32
    %scan3A_129 = arith.addi %scan3A_127, %scan3A_128 : i32
    %scan3A_130 = arith.constant 1 : i32
    %scan3A_131 = scf.for %scan3A_140 = %scan3A_127 to %scan3A_129 step %scan3A_130 iter_args(%scan3A_141 = %scan3A) -> (i32)  : i32 {
      %mul3A_142 = arith.constant 16 : i32
      %mul3A_143 = arith.muli %scan3A_140, %mul3A_142 : i32
      %swap3A_144 = arith.index_cast %mul3A_143 : i32 to index
      %swap3A_145 = tpu.vector_load %arg10[%swap3A_144] {strides = array<i32>} : memref<1024xf32, #tpu.memory_space<vmem>>, vector<16xf32>,
      %swap3A_146 = vector.shape_cast %swap3A_145 : vector<16xf32> to vector<16xf32>
      %swap3A_147 = vector.shape_cast %broadcast_in_dim3A_111 : vector<16xf32> to vector<16xf32>
      tpu.vector_store %arg10[%swap3A_144], %swap3A_147 {strides = array<i32>} : memref<1024xf32, #tpu.memory_space<vmem>>, vector<16xf32>,
      %scan3A_148 = arith.constant 0 : i32
      scf.yield %scan3A_148 : i32
    }
    %scan3A_132 = arith.constant 64 : i32
    %scan3A_133 = arith.constant 0 : i32
    %scan3A_134 = arith.constant 0 : i32
    %scan3A_135 = arith.constant 2 : i32
    %scan3A_136 = arith.addi %scan3A_134, %scan3A_135 : i32
    %scan3A_137 = arith.constant 1 : i32
    %scan3A_138 = scf.for %scan3A_140 = %scan3A_134 to %scan3A_136 step %scan3A_137 iter_args(%scan3A_141 = %scan3A_133) -> (i32)  : i32 {
      %mul3A_142 = arith.constant 8 : i32
      %mul3A_143 = arith.muli %select_n3A_30, %mul3A_142 : i32
      %mul3A_144 = arith.constant 4 : i32
      %mul3A_145 = arith.muli %scan3A_140, %mul3A_144 : i32
      %add3A_146 = arith.addi %mul3A_143, %mul3A_145 : i32
      %multiple_of3A = tpu.assume_multiple %add3A_146, 4 : i32
      "tpu.region"() ({
        %run_scoped3A = tpu.sem_alloc : memref<!tpu.dma_semaphore, #tpu.memory_space<semaphore_mem>>
        %dma_start3A = arith.constant 0 : i32
        %dma_start3A_210 = arith.constant 0 : i32
        %dma_start3A_211 = tpu.memref_slice %arg2[%select_n3A_54, %select_n3A_94, %multiple_of3A, %dma_start3A, %dma_start3A_210] : memref<2x3x64x64x64xf32, #tpu.memory_space<hbm>> -> memref<1x1x4x64x64xf32, #tpu.memory_space<hbm>>
        %dma_start3A_212 = tpu.memref_squeeze %dma_start3A_211 : memref<1x1x4x64x64xf32, #tpu.memory_space<hbm>> -> memref<4x64x64xf32, #tpu.memory_space<hbm>>
        %dma_start3A_213 = arith.constant 0 : i32
        %dma_start3A_214 = arith.constant 0 : i32
        %dma_start3A_215 = tpu.memref_slice %arg2[%select_n3A_54, %select_n3A_94, %multiple_of3A, %dma_start3A_213, %dma_start3A_214] : memref<2x3x64x64x64xf32, #tpu.memory_space<hbm>> -> memref<1x1x4x64x64xf32, #tpu.memory_space<hbm>>
        %dma_start3A_216 = tpu.memref_squeeze %dma_start3A_215 : memref<1x1x4x64x64xf32, #tpu.memory_space<hbm>> -> memref<4x64x64xf32, #tpu.memory_space<hbm>>
        tpu.enqueue_dma source(%dma_start3A_216 : memref<4x64x64xf32, #tpu.memory_space<hbm>>) target(%arg7 : memref<4x64x64xf32, #tpu.memory_space<vmem>>) target_semaphore(%run_scoped3A : memref<!tpu.dma_semaphore, #tpu.memory_space<semaphore_mem>>)
        %dma_wait3A = arith.constant 0 : i32
        %dma_wait3A_217 = arith.constant 0 : i32
        %dma_wait3A_218 = tpu.memref_slice %arg2[%select_n3A_54, %select_n3A_94, %multiple_of3A, %dma_wait3A, %dma_wait3A_217] : memref<2x3x64x64x64xf32, #tpu.memory_space<hbm>> -> memref<1x1x4x64x64xf32, #tpu.memory_space<hbm>>
        %dma_wait3A_219 = tpu.memref_squeeze %dma_wait3A_218 : memref<1x1x4x64x64xf32, #tpu.memory_space<hbm>> -> memref<4x64x64xf32, #tpu.memory_space<hbm>>
        %dma_wait3A_220 = arith.constant 0 : i32
        %dma_wait3A_221 = arith.constant 0 : i32
        %dma_wait3A_222 = tpu.memref_slice %arg2[%select_n3A_54, %select_n3A_94, %multiple_of3A, %dma_wait3A_220, %dma_wait3A_221] : memref<2x3x64x64x64xf32, #tpu.memory_space<hbm>> -> memref<1x1x4x64x64xf32, #tpu.memory_space<hbm>>
        %dma_wait3A_223 = tpu.memref_squeeze %dma_wait3A_222 : memref<1x1x4x64x64xf32, #tpu.memory_space<hbm>> -> memref<4x64x64xf32, #tpu.memory_space<hbm>>
        tpu.wait_dma2 semaphore(%run_scoped3A : memref<!tpu.dma_semaphore, #tpu.memory_space<semaphore_mem>>) src(%dma_wait3A_223 : memref<4x64x64xf32, #tpu.memory_space<hbm>>) dst(%arg7 : memref<4x64x64xf32, #tpu.memory_space<vmem>>)
        tpu.yield
      }) : () -> ()
      "tpu.region"() ({
        %run_scoped3A = tpu.sem_alloc : memref<!tpu.dma_semaphore, #tpu.memory_space<semaphore_mem>>
        %dma_start3A = arith.constant 0 : i32
        %dma_start3A_210 = arith.constant 0 : i32
        %dma_start3A_211 = tpu.memref_slice %arg3[%select_n3A_54, %select_n3A_94, %select_n3A_110, %multiple_of3A, %dma_start3A, %dma_start3A_210] : memref<2x3x4x64x64x64xf32, #tpu.memory_space<hbm>> -> memref<1x1x1x4x64x64xf32, #tpu.memory_space<hbm>>
        %dma_start3A_212 = tpu.memref_squeeze %dma_start3A_211 : memref<1x1x1x4x64x64xf32, #tpu.memory_space<hbm>> -> memref<4x64x64xf32, #tpu.memory_space<hbm>>
        %dma_start3A_213 = arith.constant 0 : i32
        %dma_start3A_214 = arith.constant 0 : i32
        %dma_start3A_215 = tpu.memref_slice %arg3[%select_n3A_54, %select_n3A_94, %select_n3A_110, %multiple_of3A, %dma_start3A_213, %dma_start3A_214] : memref<2x3x4x64x64x64xf32, #tpu.memory_space<hbm>> -> memref<1x1x1x4x64x64xf32, #tpu.memory_space<hbm>>
        %dma_start3A_216 = tpu.memref_squeeze %dma_start3A_215 : memref<1x1x1x4x64x64xf32, #tpu.memory_space<hbm>> -> memref<4x64x64xf32, #tpu.memory_space<hbm>>
        tpu.enqueue_dma source(%dma_start3A_216 : memref<4x64x64xf32, #tpu.memory_space<hbm>>) target(%arg8 : memref<4x64x64xf32, #tpu.memory_space<vmem>>) target_semaphore(%run_scoped3A : memref<!tpu.dma_semaphore, #tpu.memory_space<semaphore_mem>>)
        %dma_wait3A = arith.constant 0 : i32
        %dma_wait3A_217 = arith.constant 0 : i32
        %dma_wait3A_218 = tpu.memref_slice %arg3[%select_n3A_54, %select_n3A_94, %select_n3A_110, %multiple_of3A, %dma_wait3A, %dma_wait3A_217] : memref<2x3x4x64x64x64xf32, #tpu.memory_space<hbm>> -> memref<1x1x1x4x64x64xf32, #tpu.memory_space<hbm>>
        %dma_wait3A_219 = tpu.memref_squeeze %dma_wait3A_218 : memref<1x1x1x4x64x64xf32, #tpu.memory_space<hbm>> -> memref<4x64x64xf32, #tpu.memory_space<hbm>>
        %dma_wait3A_220 = arith.constant 0 : i32
        %dma_wait3A_221 = arith.constant 0 : i32
        %dma_wait3A_222 = tpu.memref_slice %arg3[%select_n3A_54, %select_n3A_94, %select_n3A_110, %multiple_of3A, %dma_wait3A_220, %dma_wait3A_221] : memref<2x3x4x64x64x64xf32, #tpu.memory_space<hbm>> -> memref<1x1x1x4x64x64xf32, #tpu.memory_space<hbm>>
        %dma_wait3A_223 = tpu.memref_squeeze %dma_wait3A_222 : memref<1x1x1x4x64x64xf32, #tpu.memory_space<hbm>> -> memref<4x64x64xf32, #tpu.memory_space<hbm>>
        tpu.wait_dma2 semaphore(%run_scoped3A : memref<!tpu.dma_semaphore, #tpu.memory_space<semaphore_mem>>) src(%dma_wait3A_223 : memref<4x64x64xf32, #tpu.memory_space<hbm>>) dst(%arg8 : memref<4x64x64xf32, #tpu.memory_space<vmem>>)
        tpu.yield
      }) : () -> ()
      %scan3A_147 = arith.constant 0 : i32
      %scan3A_148 = arith.constant 64 : i32
      %scan3A_149 = arith.addi %scan3A_147, %scan3A_148 : i32
      %scan3A_150 = arith.constant 1 : i32
      %scan3A_151:8 = scf.for %scan3A_210 = %scan3A_147 to %scan3A_149 step %scan3A_150 iter_args(%scan3A_211 = %broadcast_in_dim3A_111, %scan3A_212 = %broadcast_in_dim3A_111, %scan3A_213 = %broadcast_in_dim3A_111, %scan3A_214 = %broadcast_in_dim3A_111, %scan3A_215 = %broadcast_in_dim3A_111, %scan3A_216 = %broadcast_in_dim3A_111, %scan3A_217 = %broadcast_in_dim3A_111, %scan3A_218 = %broadcast_in_dim3A_111) -> (vector<16xf32>, vector<16xf32>, vector<16xf32>, vector<16xf32>, vector<16xf32>, vector<16xf32>, vector<16xf32>, vector<16xf32>)  : i32 {
        %get3A = arith.constant 0 : i32
        %get3A_219 = arith.index_cast %get3A : i32 to index
        %get3A_220 = arith.index_cast %scan3A_210 : i32 to index
        %get3A_221 = arith.constant 0 : index
        %get3A_222 = tpu.vector_load %arg7[%get3A_219, %get3A_220, %get3A_221] {strides = array<i32>} : memref<4x64x64xf32, #tpu.memory_space<vmem>>, vector<1x1x16xf32>,
        %get3A_223 = vector.shape_cast %get3A_222 : vector<1x1x16xf32> to vector<16xf32>
        %get3A_224 = arith.constant 0 : i32
        %get3A_225 = arith.index_cast %get3A_224 : i32 to index
        %get3A_226 = arith.index_cast %scan3A_210 : i32 to index
        %get3A_227 = arith.constant 0 : index
        %get3A_228 = tpu.vector_load %arg8[%get3A_225, %get3A_226, %get3A_227] {strides = array<i32>} : memref<4x64x64xf32, #tpu.memory_space<vmem>>, vector<1x1x16xf32>,
        %get3A_229 = vector.shape_cast %get3A_228 : vector<1x1x16xf32> to vector<16xf32>
        %mul3A_230 = arith.mulf %get3A_223, %get3A_229 : vector<16xf32>
        %add3A_231 = arith.addf %scan3A_211, %mul3A_230 : vector<16xf32>
        %add3A_232 = arith.addf %broadcast_in_dim3A_111, %mul3A_230 : vector<16xf32>
        %add3A_233 = arith.addf %scan3A_215, %mul3A_230 : vector<16xf32>
        %get3A_234 = arith.constant 0 : i32
        %get3A_235 = arith.index_cast %get3A_234 : i32 to index
        %get3A_236 = arith.index_cast %scan3A_210 : i32 to index
        %get3A_237 = arith.constant 16 : index
        %get3A_238 = tpu.vector_load %arg7[%get3A_235, %get3A_236, %get3A_237] {strides = array<i32>} : memref<4x64x64xf32, #tpu.memory_space<vmem>>, vector<1x1x16xf32>,
        %get3A_239 = vector.shape_cast %get3A_238 : vector<1x1x16xf32> to vector<16xf32>
        %get3A_240 = arith.constant 0 : i32
        %get3A_241 = arith.index_cast %get3A_240 : i32 to index
        %get3A_242 = arith.index_cast %scan3A_210 : i32 to index
        %get3A_243 = arith.constant 16 : index
        %get3A_244 = tpu.vector_load %arg8[%get3A_241, %get3A_242, %get3A_243] {strides = array<i32>} : memref<4x64x64xf32, #tpu.memory_space<vmem>>, vector<1x1x16xf32>,
        %get3A_245 = vector.shape_cast %get3A_244 : vector<1x1x16xf32> to vector<16xf32>
        %mul3A_246 = arith.mulf %get3A_239, %get3A_245 : vector<16xf32>
        %add3A_247 = arith.addf %scan3A_212, %mul3A_246 : vector<16xf32>
        %add3A_248 = arith.addf %broadcast_in_dim3A_111, %mul3A_246 : vector<16xf32>
        %add3A_249 = arith.addf %add3A_233, %mul3A_246 : vector<16xf32>
        %get3A_250 = arith.constant 0 : i32
        %get3A_251 = arith.index_cast %get3A_250 : i32 to index
        %get3A_252 = arith.index_cast %scan3A_210 : i32 to index
        %get3A_253 = arith.constant 32 : index
        %get3A_254 = tpu.vector_load %arg7[%get3A_251, %get3A_252, %get3A_253] {strides = array<i32>} : memref<4x64x64xf32, #tpu.memory_space<vmem>>, vector<1x1x16xf32>,
        %get3A_255 = vector.shape_cast %get3A_254 : vector<1x1x16xf32> to vector<16xf32>
        %get3A_256 = arith.constant 0 : i32
        %get3A_257 = arith.index_cast %get3A_256 : i32 to index
        %get3A_258 = arith.index_cast %scan3A_210 : i32 to index
        %get3A_259 = arith.constant 32 : index
        %get3A_260 = tpu.vector_load %arg8[%get3A_257, %get3A_258, %get3A_259] {strides = array<i32>} : memref<4x64x64xf32, #tpu.memory_space<vmem>>, vector<1x1x16xf32>,
        %get3A_261 = vector.shape_cast %get3A_260 : vector<1x1x16xf32> to vector<16xf32>
        %mul3A_262 = arith.mulf %get3A_255, %get3A_261 : vector<16xf32>
        %add3A_263 = arith.addf %scan3A_213, %mul3A_262 : vector<16xf32>
        %add3A_264 = arith.addf %broadcast_in_dim3A_111, %mul3A_262 : vector<16xf32>
        %add3A_265 = arith.addf %add3A_249, %mul3A_262 : vector<16xf32>
        %get3A_266 = arith.constant 0 : i32
        %get3A_267 = arith.index_cast %get3A_266 : i32 to index
        %get3A_268 = arith.index_cast %scan3A_210 : i32 to index
        %get3A_269 = arith.constant 48 : index
        %get3A_270 = tpu.vector_load %arg7[%get3A_267, %get3A_268, %get3A_269] {strides = array<i32>} : memref<4x64x64xf32, #tpu.memory_space<vmem>>, vector<1x1x16xf32>,
        %get3A_271 = vector.shape_cast %get3A_270 : vector<1x1x16xf32> to vector<16xf32>
        %get3A_272 = arith.constant 0 : i32
        %get3A_273 = arith.index_cast %get3A_272 : i32 to index
        %get3A_274 = arith.index_cast %scan3A_210 : i32 to index
        %get3A_275 = arith.constant 48 : index
        %get3A_276 = tpu.vector_load %arg8[%get3A_273, %get3A_274, %get3A_275] {strides = array<i32>} : memref<4x64x64xf32, #tpu.memory_space<vmem>>, vector<1x1x16xf32>,
        %get3A_277 = vector.shape_cast %get3A_276 : vector<1x1x16xf32> to vector<16xf32>
        %mul3A_278 = arith.mulf %get3A_271, %get3A_277 : vector<16xf32>
        %add3A_279 = arith.addf %scan3A_214, %mul3A_278 : vector<16xf32>
        %add3A_280 = arith.addf %broadcast_in_dim3A_111, %mul3A_278 : vector<16xf32>
        %add3A_281 = arith.addf %add3A_265, %mul3A_278 : vector<16xf32>
        %get3A_282 = arith.constant 1 : i32
        %get3A_283 = arith.index_cast %get3A_282 : i32 to index
        %get3A_284 = arith.index_cast %scan3A_210 : i32 to index
        %get3A_285 = arith.constant 0 : index
        %get3A_286 = tpu.vector_load %arg7[%get3A_283, %get3A_284, %get3A_285] {strides = array<i32>} : memref<4x64x64xf32, #tpu.memory_space<vmem>>, vector<1x1x16xf32>,
        %get3A_287 = vector.shape_cast %get3A_286 : vector<1x1x16xf32> to vector<16xf32>
        %get3A_288 = arith.constant 1 : i32
        %get3A_289 = arith.index_cast %get3A_288 : i32 to index
        %get3A_290 = arith.index_cast %scan3A_210 : i32 to index
        %get3A_291 = arith.constant 0 : index
        %get3A_292 = tpu.vector_load %arg8[%get3A_289, %get3A_290, %get3A_291] {strides = array<i32>} : memref<4x64x64xf32, #tpu.memory_space<vmem>>, vector<1x1x16xf32>,
        %get3A_293 = vector.shape_cast %get3A_292 : vector<1x1x16xf32> to vector<16xf32>
        %mul3A_294 = arith.mulf %get3A_287, %get3A_293 : vector<16xf32>
        %add3A_295 = arith.addf %add3A_231, %mul3A_294 : vector<16xf32>
        %add3A_296 = arith.addf %add3A_232, %mul3A_294 : vector<16xf32>
        %add3A_297 = arith.addf %scan3A_216, %mul3A_294 : vector<16xf32>
        %get3A_298 = arith.constant 1 : i32
        %get3A_299 = arith.index_cast %get3A_298 : i32 to index
        %get3A_300 = arith.index_cast %scan3A_210 : i32 to index
        %get3A_301 = arith.constant 16 : index
        %get3A_302 = tpu.vector_load %arg7[%get3A_299, %get3A_300, %get3A_301] {strides = array<i32>} : memref<4x64x64xf32, #tpu.memory_space<vmem>>, vector<1x1x16xf32>,
        %get3A_303 = vector.shape_cast %get3A_302 : vector<1x1x16xf32> to vector<16xf32>
        %get3A_304 = arith.constant 1 : i32
        %get3A_305 = arith.index_cast %get3A_304 : i32 to index
        %get3A_306 = arith.index_cast %scan3A_210 : i32 to index
        %get3A_307 = arith.constant 16 : index
        %get3A_308 = tpu.vector_load %arg8[%get3A_305, %get3A_306, %get3A_307] {strides = array<i32>} : memref<4x64x64xf32, #tpu.memory_space<vmem>>, vector<1x1x16xf32>,
        %get3A_309 = vector.shape_cast %get3A_308 : vector<1x1x16xf32> to vector<16xf32>
        %mul3A_310 = arith.mulf %get3A_303, %get3A_309 : vector<16xf32>
        %add3A_311 = arith.addf %add3A_247, %mul3A_310 : vector<16xf32>
        %add3A_312 = arith.addf %add3A_248, %mul3A_310 : vector<16xf32>
        %add3A_313 = arith.addf %add3A_297, %mul3A_310 : vector<16xf32>
        %get3A_314 = arith.constant 1 : i32
        %get3A_315 = arith.index_cast %get3A_314 : i32 to index
        %get3A_316 = arith.index_cast %scan3A_210 : i32 to index
        %get3A_317 = arith.constant 32 : index
        %get3A_318 = tpu.vector_load %arg7[%get3A_315, %get3A_316, %get3A_317] {strides = array<i32>} : memref<4x64x64xf32, #tpu.memory_space<vmem>>, vector<1x1x16xf32>,
        %get3A_319 = vector.shape_cast %get3A_318 : vector<1x1x16xf32> to vector<16xf32>
        %get3A_320 = arith.constant 1 : i32
        %get3A_321 = arith.index_cast %get3A_320 : i32 to index
        %get3A_322 = arith.index_cast %scan3A_210 : i32 to index
        %get3A_323 = arith.constant 32 : index
        %get3A_324 = tpu.vector_load %arg8[%get3A_321, %get3A_322, %get3A_323] {strides = array<i32>} : memref<4x64x64xf32, #tpu.memory_space<vmem>>, vector<1x1x16xf32>,
        %get3A_325 = vector.shape_cast %get3A_324 : vector<1x1x16xf32> to vector<16xf32>
        %mul3A_326 = arith.mulf %get3A_319, %get3A_325 : vector<16xf32>
        %add3A_327 = arith.addf %add3A_263, %mul3A_326 : vector<16xf32>
        %add3A_328 = arith.addf %add3A_264, %mul3A_326 : vector<16xf32>
        %add3A_329 = arith.addf %add3A_313, %mul3A_326 : vector<16xf32>
        %get3A_330 = arith.constant 1 : i32
        %get3A_331 = arith.index_cast %get3A_330 : i32 to index
        %get3A_332 = arith.index_cast %scan3A_210 : i32 to index
        %get3A_333 = arith.constant 48 : index
        %get3A_334 = tpu.vector_load %arg7[%get3A_331, %get3A_332, %get3A_333] {strides = array<i32>} : memref<4x64x64xf32, #tpu.memory_space<vmem>>, vector<1x1x16xf32>,
        %get3A_335 = vector.shape_cast %get3A_334 : vector<1x1x16xf32> to vector<16xf32>
        %get3A_336 = arith.constant 1 : i32
        %get3A_337 = arith.index_cast %get3A_336 : i32 to index
        %get3A_338 = arith.index_cast %scan3A_210 : i32 to index
        %get3A_339 = arith.constant 48 : index
        %get3A_340 = tpu.vector_load %arg8[%get3A_337, %get3A_338, %get3A_339] {strides = array<i32>} : memref<4x64x64xf32, #tpu.memory_space<vmem>>, vector<1x1x16xf32>,
        %get3A_341 = vector.shape_cast %get3A_340 : vector<1x1x16xf32> to vector<16xf32>
        %mul3A_342 = arith.mulf %get3A_335, %get3A_341 : vector<16xf32>
        %add3A_343 = arith.addf %add3A_279, %mul3A_342 : vector<16xf32>
        %add3A_344 = arith.addf %add3A_280, %mul3A_342 : vector<16xf32>
        %add3A_345 = arith.addf %add3A_329, %mul3A_342 : vector<16xf32>
        %get3A_346 = arith.constant 2 : i32
        %get3A_347 = arith.index_cast %get3A_346 : i32 to index
        %get3A_348 = arith.index_cast %scan3A_210 : i32 to index
        %get3A_349 = arith.constant 0 : index
        %get3A_350 = tpu.vector_load %arg7[%get3A_347, %get3A_348, %get3A_349] {strides = array<i32>} : memref<4x64x64xf32, #tpu.memory_space<vmem>>, vector<1x1x16xf32>,
        %get3A_351 = vector.shape_cast %get3A_350 : vector<1x1x16xf32> to vector<16xf32>
        %get3A_352 = arith.constant 2 : i32
        %get3A_353 = arith.index_cast %get3A_352 : i32 to index
        %get3A_354 = arith.index_cast %scan3A_210 : i32 to index
        %get3A_355 = arith.constant 0 : index
        %get3A_356 = tpu.vector_load %arg8[%get3A_353, %get3A_354, %get3A_355] {strides = array<i32>} : memref<4x64x64xf32, #tpu.memory_space<vmem>>, vector<1x1x16xf32>,
        %get3A_357 = vector.shape_cast %get3A_356 : vector<1x1x16xf32> to vector<16xf32>
        %mul3A_358 = arith.mulf %get3A_351, %get3A_357 : vector<16xf32>
        %add3A_359 = arith.addf %add3A_295, %mul3A_358 : vector<16xf32>
        %add3A_360 = arith.addf %add3A_296, %mul3A_358 : vector<16xf32>
        %add3A_361 = arith.addf %scan3A_217, %mul3A_358 : vector<16xf32>
        %get3A_362 = arith.constant 2 : i32
        %get3A_363 = arith.index_cast %get3A_362 : i32 to index
        %get3A_364 = arith.index_cast %scan3A_210 : i32 to index
        %get3A_365 = arith.constant 16 : index
        %get3A_366 = tpu.vector_load %arg7[%get3A_363, %get3A_364, %get3A_365] {strides = array<i32>} : memref<4x64x64xf32, #tpu.memory_space<vmem>>, vector<1x1x16xf32>,
        %get3A_367 = vector.shape_cast %get3A_366 : vector<1x1x16xf32> to vector<16xf32>
        %get3A_368 = arith.constant 2 : i32
        %get3A_369 = arith.index_cast %get3A_368 : i32 to index
        %get3A_370 = arith.index_cast %scan3A_210 : i32 to index
        %get3A_371 = arith.constant 16 : index
        %get3A_372 = tpu.vector_load %arg8[%get3A_369, %get3A_370, %get3A_371] {strides = array<i32>} : memref<4x64x64xf32, #tpu.memory_space<vmem>>, vector<1x1x16xf32>,
        %get3A_373 = vector.shape_cast %get3A_372 : vector<1x1x16xf32> to vector<16xf32>
        %mul3A_374 = arith.mulf %get3A_367, %get3A_373 : vector<16xf32>
        %add3A_375 = arith.addf %add3A_311, %mul3A_374 : vector<16xf32>
        %add3A_376 = arith.addf %add3A_312, %mul3A_374 : vector<16xf32>
        %add3A_377 = arith.addf %add3A_361, %mul3A_374 : vector<16xf32>
        %get3A_378 = arith.constant 2 : i32
        %get3A_379 = arith.index_cast %get3A_378 : i32 to index
        %get3A_380 = arith.index_cast %scan3A_210 : i32 to index
        %get3A_381 = arith.constant 32 : index
        %get3A_382 = tpu.vector_load %arg7[%get3A_379, %get3A_380, %get3A_381] {strides = array<i32>} : memref<4x64x64xf32, #tpu.memory_space<vmem>>, vector<1x1x16xf32>,
        %get3A_383 = vector.shape_cast %get3A_382 : vector<1x1x16xf32> to vector<16xf32>
        %get3A_384 = arith.constant 2 : i32
        %get3A_385 = arith.index_cast %get3A_384 : i32 to index
        %get3A_386 = arith.index_cast %scan3A_210 : i32 to index
        %get3A_387 = arith.constant 32 : index
        %get3A_388 = tpu.vector_load %arg8[%get3A_385, %get3A_386, %get3A_387] {strides = array<i32>} : memref<4x64x64xf32, #tpu.memory_space<vmem>>, vector<1x1x16xf32>,
        %get3A_389 = vector.shape_cast %get3A_388 : vector<1x1x16xf32> to vector<16xf32>
        %mul3A_390 = arith.mulf %get3A_383, %get3A_389 : vector<16xf32>
        %add3A_391 = arith.addf %add3A_327, %mul3A_390 : vector<16xf32>
        %add3A_392 = arith.addf %add3A_328, %mul3A_390 : vector<16xf32>
        %add3A_393 = arith.addf %add3A_377, %mul3A_390 : vector<16xf32>
        %get3A_394 = arith.constant 2 : i32
        %get3A_395 = arith.index_cast %get3A_394 : i32 to index
        %get3A_396 = arith.index_cast %scan3A_210 : i32 to index
        %get3A_397 = arith.constant 48 : index
        %get3A_398 = tpu.vector_load %arg7[%get3A_395, %get3A_396, %get3A_397] {strides = array<i32>} : memref<4x64x64xf32, #tpu.memory_space<vmem>>, vector<1x1x16xf32>,
        %get3A_399 = vector.shape_cast %get3A_398 : vector<1x1x16xf32> to vector<16xf32>
        %get3A_400 = arith.constant 2 : i32
        %get3A_401 = arith.index_cast %get3A_400 : i32 to index
        %get3A_402 = arith.index_cast %scan3A_210 : i32 to index
        %get3A_403 = arith.constant 48 : index
        %get3A_404 = tpu.vector_load %arg8[%get3A_401, %get3A_402, %get3A_403] {strides = array<i32>} : memref<4x64x64xf32, #tpu.memory_space<vmem>>, vector<1x1x16xf32>,
        %get3A_405 = vector.shape_cast %get3A_404 : vector<1x1x16xf32> to vector<16xf32>
        %mul3A_406 = arith.mulf %get3A_399, %get3A_405 : vector<16xf32>
        %add3A_407 = arith.addf %add3A_343, %mul3A_406 : vector<16xf32>
        %add3A_408 = arith.addf %add3A_344, %mul3A_406 : vector<16xf32>
        %add3A_409 = arith.addf %add3A_393, %mul3A_406 : vector<16xf32>
        %get3A_410 = arith.constant 3 : i32
        %get3A_411 = arith.index_cast %get3A_410 : i32 to index
        %get3A_412 = arith.index_cast %scan3A_210 : i32 to index
        %get3A_413 = arith.constant 0 : index
        %get3A_414 = tpu.vector_load %arg7[%get3A_411, %get3A_412, %get3A_413] {strides = array<i32>} : memref<4x64x64xf32, #tpu.memory_space<vmem>>, vector<1x1x16xf32>,
        %get3A_415 = vector.shape_cast %get3A_414 : vector<1x1x16xf32> to vector<16xf32>
        %get3A_416 = arith.constant 3 : i32
        %get3A_417 = arith.index_cast %get3A_416 : i32 to index
        %get3A_418 = arith.index_cast %scan3A_210 : i32 to index
        %get3A_419 = arith.constant 0 : index
        %get3A_420 = tpu.vector_load %arg8[%get3A_417, %get3A_418, %get3A_419] {strides = array<i32>} : memref<4x64x64xf32, #tpu.memory_space<vmem>>, vector<1x1x16xf32>,
        %get3A_421 = vector.shape_cast %get3A_420 : vector<1x1x16xf32> to vector<16xf32>
        %mul3A_422 = arith.mulf %get3A_415, %get3A_421 : vector<16xf32>
        %add3A_423 = arith.addf %add3A_359, %mul3A_422 : vector<16xf32>
        %add3A_424 = arith.addf %add3A_360, %mul3A_422 : vector<16xf32>
        %add3A_425 = arith.addf %scan3A_218, %mul3A_422 : vector<16xf32>
        %get3A_426 = arith.constant 3 : i32
        %get3A_427 = arith.index_cast %get3A_426 : i32 to index
        %get3A_428 = arith.index_cast %scan3A_210 : i32 to index
        %get3A_429 = arith.constant 16 : index
        %get3A_430 = tpu.vector_load %arg7[%get3A_427, %get3A_428, %get3A_429] {strides = array<i32>} : memref<4x64x64xf32, #tpu.memory_space<vmem>>, vector<1x1x16xf32>,
        %get3A_431 = vector.shape_cast %get3A_430 : vector<1x1x16xf32> to vector<16xf32>
        %get3A_432 = arith.constant 3 : i32
        %get3A_433 = arith.index_cast %get3A_432 : i32 to index
        %get3A_434 = arith.index_cast %scan3A_210 : i32 to index
        %get3A_435 = arith.constant 16 : index
        %get3A_436 = tpu.vector_load %arg8[%get3A_433, %get3A_434, %get3A_435] {strides = array<i32>} : memref<4x64x64xf32, #tpu.memory_space<vmem>>, vector<1x1x16xf32>,
        %get3A_437 = vector.shape_cast %get3A_436 : vector<1x1x16xf32> to vector<16xf32>
        %mul3A_438 = arith.mulf %get3A_431, %get3A_437 : vector<16xf32>
        %add3A_439 = arith.addf %add3A_375, %mul3A_438 : vector<16xf32>
        %add3A_440 = arith.addf %add3A_376, %mul3A_438 : vector<16xf32>
        %add3A_441 = arith.addf %add3A_425, %mul3A_438 : vector<16xf32>
        %get3A_442 = arith.constant 3 : i32
        %get3A_443 = arith.index_cast %get3A_442 : i32 to index
        %get3A_444 = arith.index_cast %scan3A_210 : i32 to index
        %get3A_445 = arith.constant 32 : index
        %get3A_446 = tpu.vector_load %arg7[%get3A_443, %get3A_444, %get3A_445] {strides = array<i32>} : memref<4x64x64xf32, #tpu.memory_space<vmem>>, vector<1x1x16xf32>,
        %get3A_447 = vector.shape_cast %get3A_446 : vector<1x1x16xf32> to vector<16xf32>
        %get3A_448 = arith.constant 3 : i32
        %get3A_449 = arith.index_cast %get3A_448 : i32 to index
        %get3A_450 = arith.index_cast %scan3A_210 : i32 to index
        %get3A_451 = arith.constant 32 : index
        %get3A_452 = tpu.vector_load %arg8[%get3A_449, %get3A_450, %get3A_451] {strides = array<i32>} : memref<4x64x64xf32, #tpu.memory_space<vmem>>, vector<1x1x16xf32>,
        %get3A_453 = vector.shape_cast %get3A_452 : vector<1x1x16xf32> to vector<16xf32>
        %mul3A_454 = arith.mulf %get3A_447, %get3A_453 : vector<16xf32>
        %add3A_455 = arith.addf %add3A_391, %mul3A_454 : vector<16xf32>
        %add3A_456 = arith.addf %add3A_392, %mul3A_454 : vector<16xf32>
        %add3A_457 = arith.addf %add3A_441, %mul3A_454 : vector<16xf32>
        %get3A_458 = arith.constant 3 : i32
        %get3A_459 = arith.index_cast %get3A_458 : i32 to index
        %get3A_460 = arith.index_cast %scan3A_210 : i32 to index
        %get3A_461 = arith.constant 48 : index
        %get3A_462 = tpu.vector_load %arg7[%get3A_459, %get3A_460, %get3A_461] {strides = array<i32>} : memref<4x64x64xf32, #tpu.memory_space<vmem>>, vector<1x1x16xf32>,
        %get3A_463 = vector.shape_cast %get3A_462 : vector<1x1x16xf32> to vector<16xf32>
        %get3A_464 = arith.constant 3 : i32
        %get3A_465 = arith.index_cast %get3A_464 : i32 to index
        %get3A_466 = arith.index_cast %scan3A_210 : i32 to index
        %get3A_467 = arith.constant 48 : index
        %get3A_468 = tpu.vector_load %arg8[%get3A_465, %get3A_466, %get3A_467] {strides = array<i32>} : memref<4x64x64xf32, #tpu.memory_space<vmem>>, vector<1x1x16xf32>,
        %get3A_469 = vector.shape_cast %get3A_468 : vector<1x1x16xf32> to vector<16xf32>
        %mul3A_470 = arith.mulf %get3A_463, %get3A_469 : vector<16xf32>
        %add3A_471 = arith.addf %add3A_407, %mul3A_470 : vector<16xf32>
        %add3A_472 = arith.addf %add3A_408, %mul3A_470 : vector<16xf32>
        %add3A_473 = arith.addf %add3A_457, %mul3A_470 : vector<16xf32>
        %add3A_474 = arith.addf %add3A_424, %add3A_440 : vector<16xf32>
        %add3A_475 = arith.addf %add3A_456, %add3A_472 : vector<16xf32>
        %add3A_476 = arith.addf %add3A_474, %add3A_475 : vector<16xf32>
        %mul3A_477 = arith.constant 16 : i32
        %mul3A_478 = arith.muli %scan3A_210, %mul3A_477 : i32
        %swap3A_479 = arith.index_cast %mul3A_478 : i32 to index
        %swap3A_480 = tpu.vector_load %arg10[%swap3A_479] {strides = array<i32>} : memref<1024xf32, #tpu.memory_space<vmem>>, vector<16xf32>,
        %swap3A_481 = vector.shape_cast %swap3A_480 : vector<16xf32> to vector<16xf32>
        %swap3A_482 = vector.shape_cast %add3A_476 : vector<16xf32> to vector<16xf32>
        tpu.vector_store %arg10[%swap3A_479], %swap3A_482 {add = true, strides = array<i32>} : memref<1024xf32, #tpu.memory_space<vmem>>, vector<16xf32>,
        scf.yield %add3A_423, %add3A_439, %add3A_455, %add3A_471, %add3A_281, %add3A_345, %add3A_409, %add3A_473 : vector<16xf32>, vector<16xf32>, vector<16xf32>, vector<16xf32>, vector<16xf32>, vector<16xf32>, vector<16xf32>, vector<16xf32>
      }
      %scan3A_152 = arith.constant 64 : i32
      %swap3A_153 = arith.constant 0 : index
      %swap3A_154 = tpu.vector_load %arg9[%swap3A_153] {strides = array<i32>} : memref<64xf32, #tpu.memory_space<vmem>>, vector<16xf32>,
      %swap3A_155 = vector.shape_cast %swap3A_154 : vector<16xf32> to vector<16xf32>
      %swap3A_156 = vector.shape_cast %scan3A_151#0 : vector<16xf32> to vector<16xf32>
      tpu.vector_store %arg9[%swap3A_153], %swap3A_156 {add = true, strides = array<i32>} : memref<64xf32, #tpu.memory_space<vmem>>, vector<16xf32>,
      %swap3A_157 = arith.constant 16 : index
      %swap3A_158 = tpu.vector_load %arg9[%swap3A_157] {strides = array<i32>} : memref<64xf32, #tpu.memory_space<vmem>>, vector<16xf32>,
      %swap3A_159 = vector.shape_cast %swap3A_158 : vector<16xf32> to vector<16xf32>
      %swap3A_160 = vector.shape_cast %scan3A_151#1 : vector<16xf32> to vector<16xf32>
      tpu.vector_store %arg9[%swap3A_157], %swap3A_160 {add = true, strides = array<i32>} : memref<64xf32, #tpu.memory_space<vmem>>, vector<16xf32>,
      %swap3A_161 = arith.constant 32 : index
      %swap3A_162 = tpu.vector_load %arg9[%swap3A_161] {strides = array<i32>} : memref<64xf32, #tpu.memory_space<vmem>>, vector<16xf32>,
      %swap3A_163 = vector.shape_cast %swap3A_162 : vector<16xf32> to vector<16xf32>
      %swap3A_164 = vector.shape_cast %scan3A_151#2 : vector<16xf32> to vector<16xf32>
      tpu.vector_store %arg9[%swap3A_161], %swap3A_164 {add = true, strides = array<i32>} : memref<64xf32, #tpu.memory_space<vmem>>, vector<16xf32>,
      %swap3A_165 = arith.constant 48 : index
      %swap3A_166 = tpu.vector_load %arg9[%swap3A_165] {strides = array<i32>} : memref<64xf32, #tpu.memory_space<vmem>>, vector<16xf32>,
      %swap3A_167 = vector.shape_cast %swap3A_166 : vector<16xf32> to vector<16xf32>
      %swap3A_168 = vector.shape_cast %scan3A_151#3 : vector<16xf32> to vector<16xf32>
      tpu.vector_store %arg9[%swap3A_165], %swap3A_168 {add = true, strides = array<i32>} : memref<64xf32, #tpu.memory_space<vmem>>, vector<16xf32>,
      %mul3A_169 = arith.constant 4 : i32
      %mul3A_170 = arith.muli %scan3A_140, %mul3A_169 : i32
      %add3A_171 = arith.constant 0 : i32
      %add3A_172 = arith.addi %mul3A_170, %add3A_171 : i32
      %mul3A_173 = arith.constant 16 : i32
      %mul3A_174 = arith.muli %add3A_172, %mul3A_173 : i32
      %swap3A_175 = arith.index_cast %mul3A_174 : i32 to index
      %swap3A_176 = tpu.vector_load %arg11[%swap3A_175] {strides = array<i32>} : memref<128xf32, #tpu.memory_space<vmem>>, vector<16xf32>,
      %swap3A_177 = vector.shape_cast %swap3A_176 : vector<16xf32> to vector<16xf32>
      %swap3A_178 = vector.shape_cast %scan3A_151#4 : vector<16xf32> to vector<16xf32>
      tpu.vector_store %arg11[%swap3A_175], %swap3A_178 {strides = array<i32>} : memref<128xf32, #tpu.memory_space<vmem>>, vector<16xf32>,
      %mul3A_179 = arith.constant 4 : i32
      %mul3A_180 = arith.muli %scan3A_140, %mul3A_179 : i32
      %add3A_181 = arith.constant 1 : i32
      %add3A_182 = arith.addi %mul3A_180, %add3A_181 : i32
      %mul3A_183 = arith.constant 16 : i32
      %mul3A_184 = arith.muli %add3A_182, %mul3A_183 : i32
      %swap3A_185 = arith.index_cast %mul3A_184 : i32 to index
      %swap3A_186 = tpu.vector_load %arg11[%swap3A_185] {strides = array<i32>} : memref<128xf32, #tpu.memory_space<vmem>>, vector<16xf32>,
      %swap3A_187 = vector.shape_cast %swap3A_186 : vector<16xf32> to vector<16xf32>
      %swap3A_188 = vector.shape_cast %scan3A_151#5 : vector<16xf32> to vector<16xf32>
      tpu.vector_store %arg11[%swap3A_185], %swap3A_188 {strides = array<i32>} : memref<128xf32, #tpu.memory_space<vmem>>, vector<16xf32>,
      %mul3A_189 = arith.constant 4 : i32
      %mul3A_190 = arith.muli %scan3A_140, %mul3A_189 : i32
      %add3A_191 = arith.constant 2 : i32
      %add3A_192 = arith.addi %mul3A_190, %add3A_191 : i32
      %mul3A_193 = arith.constant 16 : i32
      %mul3A_194 = arith.muli %add3A_192, %mul3A_193 : i32
      %swap3A_195 = arith.index_cast %mul3A_194 : i32 to index
      %swap3A_196 = tpu.vector_load %arg11[%swap3A_195] {strides = array<i32>} : memref<128xf32, #tpu.memory_space<vmem>>, vector<16xf32>,
      %swap3A_197 = vector.shape_cast %swap3A_196 : vector<16xf32> to vector<16xf32>
      %swap3A_198 = vector.shape_cast %scan3A_151#6 : vector<16xf32> to vector<16xf32>
      tpu.vector_store %arg11[%swap3A_195], %swap3A_198 {strides = array<i32>} : memref<128xf32, #tpu.memory_space<vmem>>, vector<16xf32>,
      %mul3A_199 = arith.constant 4 : i32
      %mul3A_200 = arith.muli %scan3A_140, %mul3A_199 : i32
      %add3A_201 = arith.constant 3 : i32
      %add3A_202 = arith.addi %mul3A_200, %add3A_201 : i32
      %mul3A_203 = arith.constant 16 : i32
      %mul3A_204 = arith.muli %add3A_202, %mul3A_203 : i32
      %swap3A_205 = arith.index_cast %mul3A_204 : i32 to index
      %swap3A_206 = tpu.vector_load %arg11[%swap3A_205] {strides = array<i32>} : memref<128xf32, #tpu.memory_space<vmem>>, vector<16xf32>,
      %swap3A_207 = vector.shape_cast %swap3A_206 : vector<16xf32> to vector<16xf32>
      %swap3A_208 = vector.shape_cast %scan3A_151#7 : vector<16xf32> to vector<16xf32>
      tpu.vector_store %arg11[%swap3A_205], %swap3A_208 {strides = array<i32>} : memref<128xf32, #tpu.memory_space<vmem>>, vector<16xf32>,
      %scan3A_209 = arith.constant 0 : i32
      scf.yield %scan3A_209 : i32
    }
    %scan3A_139 = arith.constant 2 : i32
    "tpu.region"() ({
      %run_scoped3A = tpu.sem_alloc : memref<!tpu.dma_semaphore, #tpu.memory_space<semaphore_mem>>
      %dma_start3A = arith.constant 0 : i32
      %dma_start3A_140 = tpu.memref_slice %arg4[%add3A, %dma_start3A] : memref<32x64xf32, #tpu.memory_space<hbm>> -> memref<1x64xf32, #tpu.memory_space<hbm>>
      %dma_start3A_141 = tpu.memref_squeeze %dma_start3A_140 : memref<1x64xf32, #tpu.memory_space<hbm>> -> memref<64xf32, #tpu.memory_space<hbm>>
      %dma_start3A_142 = arith.constant 0 : i32
      %dma_start3A_143 = tpu.memref_slice %arg4[%add3A, %dma_start3A_142] : memref<32x64xf32, #tpu.memory_space<hbm>> -> memref<1x64xf32, #tpu.memory_space<hbm>>
      %dma_start3A_144 = tpu.memref_squeeze %dma_start3A_143 : memref<1x64xf32, #tpu.memory_space<hbm>> -> memref<64xf32, #tpu.memory_space<hbm>>
      tpu.enqueue_dma source(%arg9 : memref<64xf32, #tpu.memory_space<vmem>>) target(%dma_start3A_144 : memref<64xf32, #tpu.memory_space<hbm>>) target_semaphore(%run_scoped3A : memref<!tpu.dma_semaphore, #tpu.memory_space<semaphore_mem>>)
      %dma_wait3A = arith.constant 0 : i32
      %dma_wait3A_145 = tpu.memref_slice %arg4[%add3A, %dma_wait3A] : memref<32x64xf32, #tpu.memory_space<hbm>> -> memref<1x64xf32, #tpu.memory_space<hbm>>
      %dma_wait3A_146 = tpu.memref_squeeze %dma_wait3A_145 : memref<1x64xf32, #tpu.memory_space<hbm>> -> memref<64xf32, #tpu.memory_space<hbm>>
      %dma_wait3A_147 = arith.constant 0 : i32
      %dma_wait3A_148 = tpu.memref_slice %arg4[%add3A, %dma_wait3A_147] : memref<32x64xf32, #tpu.memory_space<hbm>> -> memref<1x64xf32, #tpu.memory_space<hbm>>
      %dma_wait3A_149 = tpu.memref_squeeze %dma_wait3A_148 : memref<1x64xf32, #tpu.memory_space<hbm>> -> memref<64xf32, #tpu.memory_space<hbm>>
      tpu.wait_dma2 semaphore(%run_scoped3A : memref<!tpu.dma_semaphore, #tpu.memory_space<semaphore_mem>>) src(%arg9 : memref<64xf32, #tpu.memory_space<vmem>>) dst(%dma_wait3A_149 : memref<64xf32, #tpu.memory_space<hbm>>)
      tpu.yield
    }) : () -> ()
    "tpu.region"() ({
      %run_scoped3A = tpu.sem_alloc : memref<!tpu.dma_semaphore, #tpu.memory_space<semaphore_mem>>
      %dma_start3A = arith.constant 0 : i32
      %dma_start3A_140 = tpu.memref_slice %arg5[%add3A, %dma_start3A] : memref<32x1024xf32, #tpu.memory_space<hbm>> -> memref<1x1024xf32, #tpu.memory_space<hbm>>
      %dma_start3A_141 = tpu.memref_squeeze %dma_start3A_140 : memref<1x1024xf32, #tpu.memory_space<hbm>> -> memref<1024xf32, #tpu.memory_space<hbm>>
      %dma_start3A_142 = arith.constant 0 : i32
      %dma_start3A_143 = tpu.memref_slice %arg5[%add3A, %dma_start3A_142] : memref<32x1024xf32, #tpu.memory_space<hbm>> -> memref<1x1024xf32, #tpu.memory_space<hbm>>
      %dma_start3A_144 = tpu.memref_squeeze %dma_start3A_143 : memref<1x1024xf32, #tpu.memory_space<hbm>> -> memref<1024xf32, #tpu.memory_space<hbm>>
      tpu.enqueue_dma source(%arg10 : memref<1024xf32, #tpu.memory_space<vmem>>) target(%dma_start3A_144 : memref<1024xf32, #tpu.memory_space<hbm>>) target_semaphore(%run_scoped3A : memref<!tpu.dma_semaphore, #tpu.memory_space<semaphore_mem>>)
      %dma_wait3A = arith.constant 0 : i32
      %dma_wait3A_145 = tpu.memref_slice %arg5[%add3A, %dma_wait3A] : memref<32x1024xf32, #tpu.memory_space<hbm>> -> memref<1x1024xf32, #tpu.memory_space<hbm>>
      %dma_wait3A_146 = tpu.memref_squeeze %dma_wait3A_145 : memref<1x1024xf32, #tpu.memory_space<hbm>> -> memref<1024xf32, #tpu.memory_space<hbm>>
      %dma_wait3A_147 = arith.constant 0 : i32
      %dma_wait3A_148 = tpu.memref_slice %arg5[%add3A, %dma_wait3A_147] : memref<32x1024xf32, #tpu.memory_space<hbm>> -> memref<1x1024xf32, #tpu.memory_space<hbm>>
      %dma_wait3A_149 = tpu.memref_squeeze %dma_wait3A_148 : memref<1x1024xf32, #tpu.memory_space<hbm>> -> memref<1024xf32, #tpu.memory_space<hbm>>
      tpu.wait_dma2 semaphore(%run_scoped3A : memref<!tpu.dma_semaphore, #tpu.memory_space<semaphore_mem>>) src(%arg10 : memref<1024xf32, #tpu.memory_space<vmem>>) dst(%dma_wait3A_149 : memref<1024xf32, #tpu.memory_space<hbm>>)
      tpu.yield
    }) : () -> ()
    "tpu.region"() ({
      %run_scoped3A = tpu.sem_alloc : memref<!tpu.dma_semaphore, #tpu.memory_space<semaphore_mem>>
      %dma_start3A = arith.constant 0 : i32
      %dma_start3A_140 = tpu.memref_slice %arg6[%add3A, %dma_start3A] : memref<32x128xf32, #tpu.memory_space<hbm>> -> memref<1x128xf32, #tpu.memory_space<hbm>>
      %dma_start3A_141 = tpu.memref_squeeze %dma_start3A_140 : memref<1x128xf32, #tpu.memory_space<hbm>> -> memref<128xf32, #tpu.memory_space<hbm>>
      %dma_start3A_142 = arith.constant 0 : i32
      %dma_start3A_143 = tpu.memref_slice %arg6[%add3A, %dma_start3A_142] : memref<32x128xf32, #tpu.memory_space<hbm>> -> memref<1x128xf32, #tpu.memory_space<hbm>>
      %dma_start3A_144 = tpu.memref_squeeze %dma_start3A_143 : memref<1x128xf32, #tpu.memory_space<hbm>> -> memref<128xf32, #tpu.memory_space<hbm>>
      tpu.enqueue_dma source(%arg11 : memref<128xf32, #tpu.memory_space<vmem>>) target(%dma_start3A_144 : memref<128xf32, #tpu.memory_space<hbm>>) target_semaphore(%run_scoped3A : memref<!tpu.dma_semaphore, #tpu.memory_space<semaphore_mem>>)
      %dma_wait3A = arith.constant 0 : i32
      %dma_wait3A_145 = tpu.memref_slice %arg6[%add3A, %dma_wait3A] : memref<32x128xf32, #tpu.memory_space<hbm>> -> memref<1x128xf32, #tpu.memory_space<hbm>>
      %dma_wait3A_146 = tpu.memref_squeeze %dma_wait3A_145 : memref<1x128xf32, #tpu.memory_space<hbm>> -> memref<128xf32, #tpu.memory_space<hbm>>
      %dma_wait3A_147 = arith.constant 0 : i32
      %dma_wait3A_148 = tpu.memref_slice %arg6[%add3A, %dma_wait3A_147] : memref<32x128xf32, #tpu.memory_space<hbm>> -> memref<1x128xf32, #tpu.memory_space<hbm>>
      %dma_wait3A_149 = tpu.memref_squeeze %dma_wait3A_148 : memref<1x128xf32, #tpu.memory_space<hbm>> -> memref<128xf32, #tpu.memory_space<hbm>>
      tpu.wait_dma2 semaphore(%run_scoped3A : memref<!tpu.dma_semaphore, #tpu.memory_space<semaphore_mem>>) src(%arg11 : memref<128xf32, #tpu.memory_space<vmem>>) dst(%dma_wait3A_149 : memref<128xf32, #tpu.memory_space<hbm>>)
      tpu.yield
    }) : () -> ()
    return
  }
}

module attributes {stable_mosaic.version = 14 : i64} {
  func.func @_tc_body(%arg0: i32, %arg1: memref<1x1x64x64x64xf32, #tpu.memory_space<vmem>>, %arg2: memref<1x1x4x64x64x64xf32, #tpu.memory_space<vmem>>, %arg3: memref<1x4x64xf32, #tpu.memory_space<vmem>>, %arg4: memref<1x4x64xf32, #tpu.memory_space<vmem>>, %arg5: memref<1x4x64xf32, #tpu.memory_space<vmem>>) attributes {dimension_semantics = [#tpu.dimension_semantics<arbitrary>], iteration_bounds = array<i64: 5>, scalar_prefetch = 0 : i64, scratch_operands = 0 : i64, tpu.core_type = #tpu.core_type<tc>, window_params = [{transform_indices = @transform_0, window_bounds = array<i64: 1, 1, 64, 64, 64>}, {transform_indices = @transform_1, window_bounds = array<i64: 1, 1, 4, 64, 64, 64>}, {transform_indices = @transform_2, window_bounds = array<i64: 1, 4, 64>}, {transform_indices = @transform_3, window_bounds = array<i64: 1, 4, 64>}, {transform_indices = @transform_4, window_bounds = array<i64: 1, 4, 64>}]} {
    %get3A = arith.constant 0 : index
    %get3A_0 = arith.constant 0 : index
    %get3A_1 = arith.constant 0 : index
    %get3A_2 = arith.constant 0 : index
    %get3A_3 = arith.constant 0 : index
    %get3A_4 = vector.load %arg1[%get3A, %get3A_0, %get3A_1, %get3A_2, %get3A_3] : memref<1x1x64x64x64xf32, #tpu.memory_space<vmem>>, vector<1x1x64x64x64xf32>
    %get3A_5 = vector.shape_cast %get3A_4 : vector<1x1x64x64x64xf32> to vector<64x64x64xf32>
    %get3A_6 = arith.constant 0 : index
    %get3A_7 = arith.constant 0 : index
    %get3A_8 = arith.constant 0 : index
    %get3A_9 = arith.constant 0 : index
    %get3A_10 = arith.constant 0 : index
    %get3A_11 = arith.constant 0 : index
    %get3A_12 = vector.load %arg2[%get3A_6, %get3A_7, %get3A_8, %get3A_9, %get3A_10, %get3A_11] : memref<1x1x4x64x64x64xf32, #tpu.memory_space<vmem>>, vector<1x1x1x64x64x64xf32>
    %get3A_13 = vector.shape_cast %get3A_12 : vector<1x1x1x64x64x64xf32> to vector<64x64x64xf32>
    %mul3A = arith.mulf %get3A_5, %get3A_13 : vector<64x64x64xf32>
    %reduce_sum3A = arith.constant dense<0.000000e+00> : vector<64x64xf32>
    %reduce_sum3A_14 = vector.multi_reduction <add>, %mul3A, %reduce_sum3A [0] : vector<64x64x64xf32> to vector<64x64xf32>
    %reduce_sum3A_15 = arith.constant dense<0.000000e+00> : vector<64xf32>
    %reduce_sum3A_16 = vector.multi_reduction <add>, %reduce_sum3A_14, %reduce_sum3A_15 [0] : vector<64x64xf32> to vector<64xf32>
    %swap3A = arith.constant 0 : index
    %swap3A_17 = arith.constant 0 : index
    %swap3A_18 = arith.constant 0 : index
    %swap3A_19 = vector.load %arg3[%swap3A, %swap3A_17, %swap3A_18] : memref<1x4x64xf32, #tpu.memory_space<vmem>>, vector<1x1x64xf32>
    %swap3A_20 = vector.shape_cast %swap3A_19 : vector<1x1x64xf32> to vector<64xf32>
    %swap3A_21 = vector.shape_cast %reduce_sum3A_16 : vector<64xf32> to vector<1x1x64xf32>
    tpu.vector_store %arg3[%swap3A, %swap3A_17, %swap3A_18], %swap3A_21 {strides = array<i32>} : memref<1x4x64xf32, #tpu.memory_space<vmem>>, vector<1x1x64xf32>,
    %reduce_sum3A_22 = arith.constant dense<0.000000e+00> : vector<64xf32>
    %reduce_sum3A_23 = vector.multi_reduction <add>, %reduce_sum3A_14, %reduce_sum3A_22 [1] : vector<64x64xf32> to vector<64xf32>
    %swap3A_24 = arith.constant 0 : index
    %swap3A_25 = arith.constant 0 : index
    %swap3A_26 = arith.constant 0 : index
    %swap3A_27 = vector.load %arg4[%swap3A_24, %swap3A_25, %swap3A_26] : memref<1x4x64xf32, #tpu.memory_space<vmem>>, vector<1x1x64xf32>
    %swap3A_28 = vector.shape_cast %swap3A_27 : vector<1x1x64xf32> to vector<64xf32>
    %swap3A_29 = vector.shape_cast %reduce_sum3A_23 : vector<64xf32> to vector<1x1x64xf32>
    tpu.vector_store %arg4[%swap3A_24, %swap3A_25, %swap3A_26], %swap3A_29 {strides = array<i32>} : memref<1x4x64xf32, #tpu.memory_space<vmem>>, vector<1x1x64xf32>,
    %reduce_sum3A_30 = arith.constant dense<0.000000e+00> : vector<64xf32>
    %reduce_sum3A_31 = vector.multi_reduction <add>, %mul3A, %reduce_sum3A_30 [1, 2] : vector<64x64x64xf32> to vector<64xf32>
    %swap3A_32 = arith.constant 0 : index
    %swap3A_33 = arith.constant 0 : index
    %swap3A_34 = arith.constant 0 : index
    %swap3A_35 = vector.load %arg5[%swap3A_32, %swap3A_33, %swap3A_34] : memref<1x4x64xf32, #tpu.memory_space<vmem>>, vector<1x1x64xf32>
    %swap3A_36 = vector.shape_cast %swap3A_35 : vector<1x1x64xf32> to vector<64xf32>
    %swap3A_37 = vector.shape_cast %reduce_sum3A_31 : vector<64xf32> to vector<1x1x64xf32>
    tpu.vector_store %arg5[%swap3A_32, %swap3A_33, %swap3A_34], %swap3A_37 {strides = array<i32>} : memref<1x4x64xf32, #tpu.memory_space<vmem>>, vector<1x1x64xf32>,
    %get3A_38 = arith.constant 0 : index
    %get3A_39 = arith.constant 0 : index
    %get3A_40 = arith.constant 1 : index
    %get3A_41 = arith.constant 0 : index
    %get3A_42 = arith.constant 0 : index
    %get3A_43 = arith.constant 0 : index
    %get3A_44 = vector.load %arg2[%get3A_38, %get3A_39, %get3A_40, %get3A_41, %get3A_42, %get3A_43] : memref<1x1x4x64x64x64xf32, #tpu.memory_space<vmem>>, vector<1x1x1x64x64x64xf32>
    %get3A_45 = vector.shape_cast %get3A_44 : vector<1x1x1x64x64x64xf32> to vector<64x64x64xf32>
    %mul3A_46 = arith.mulf %get3A_5, %get3A_45 : vector<64x64x64xf32>
    %reduce_sum3A_47 = arith.constant dense<0.000000e+00> : vector<64x64xf32>
    %reduce_sum3A_48 = vector.multi_reduction <add>, %mul3A_46, %reduce_sum3A_47 [0] : vector<64x64x64xf32> to vector<64x64xf32>
    %reduce_sum3A_49 = arith.constant dense<0.000000e+00> : vector<64xf32>
    %reduce_sum3A_50 = vector.multi_reduction <add>, %reduce_sum3A_48, %reduce_sum3A_49 [0] : vector<64x64xf32> to vector<64xf32>
    %swap3A_51 = arith.constant 0 : index
    %swap3A_52 = arith.constant 1 : index
    %swap3A_53 = arith.constant 0 : index
    %swap3A_54 = vector.load %arg3[%swap3A_51, %swap3A_52, %swap3A_53] : memref<1x4x64xf32, #tpu.memory_space<vmem>>, vector<1x1x64xf32>
    %swap3A_55 = vector.shape_cast %swap3A_54 : vector<1x1x64xf32> to vector<64xf32>
    %swap3A_56 = vector.shape_cast %reduce_sum3A_50 : vector<64xf32> to vector<1x1x64xf32>
    tpu.vector_store %arg3[%swap3A_51, %swap3A_52, %swap3A_53], %swap3A_56 {strides = array<i32>} : memref<1x4x64xf32, #tpu.memory_space<vmem>>, vector<1x1x64xf32>,
    %reduce_sum3A_57 = arith.constant dense<0.000000e+00> : vector<64xf32>
    %reduce_sum3A_58 = vector.multi_reduction <add>, %reduce_sum3A_48, %reduce_sum3A_57 [1] : vector<64x64xf32> to vector<64xf32>
    %swap3A_59 = arith.constant 0 : index
    %swap3A_60 = arith.constant 1 : index
    %swap3A_61 = arith.constant 0 : index
    %swap3A_62 = vector.load %arg4[%swap3A_59, %swap3A_60, %swap3A_61] : memref<1x4x64xf32, #tpu.memory_space<vmem>>, vector<1x1x64xf32>
    %swap3A_63 = vector.shape_cast %swap3A_62 : vector<1x1x64xf32> to vector<64xf32>
    %swap3A_64 = vector.shape_cast %reduce_sum3A_58 : vector<64xf32> to vector<1x1x64xf32>
    tpu.vector_store %arg4[%swap3A_59, %swap3A_60, %swap3A_61], %swap3A_64 {strides = array<i32>} : memref<1x4x64xf32, #tpu.memory_space<vmem>>, vector<1x1x64xf32>,
    %reduce_sum3A_65 = arith.constant dense<0.000000e+00> : vector<64xf32>
    %reduce_sum3A_66 = vector.multi_reduction <add>, %mul3A_46, %reduce_sum3A_65 [1, 2] : vector<64x64x64xf32> to vector<64xf32>
    %swap3A_67 = arith.constant 0 : index
    %swap3A_68 = arith.constant 1 : index
    %swap3A_69 = arith.constant 0 : index
    %swap3A_70 = vector.load %arg5[%swap3A_67, %swap3A_68, %swap3A_69] : memref<1x4x64xf32, #tpu.memory_space<vmem>>, vector<1x1x64xf32>
    %swap3A_71 = vector.shape_cast %swap3A_70 : vector<1x1x64xf32> to vector<64xf32>
    %swap3A_72 = vector.shape_cast %reduce_sum3A_66 : vector<64xf32> to vector<1x1x64xf32>
    tpu.vector_store %arg5[%swap3A_67, %swap3A_68, %swap3A_69], %swap3A_72 {strides = array<i32>} : memref<1x4x64xf32, #tpu.memory_space<vmem>>, vector<1x1x64xf32>,
    %get3A_73 = arith.constant 0 : index
    %get3A_74 = arith.constant 0 : index
    %get3A_75 = arith.constant 2 : index
    %get3A_76 = arith.constant 0 : index
    %get3A_77 = arith.constant 0 : index
    %get3A_78 = arith.constant 0 : index
    %get3A_79 = vector.load %arg2[%get3A_73, %get3A_74, %get3A_75, %get3A_76, %get3A_77, %get3A_78] : memref<1x1x4x64x64x64xf32, #tpu.memory_space<vmem>>, vector<1x1x1x64x64x64xf32>
    %get3A_80 = vector.shape_cast %get3A_79 : vector<1x1x1x64x64x64xf32> to vector<64x64x64xf32>
    %mul3A_81 = arith.mulf %get3A_5, %get3A_80 : vector<64x64x64xf32>
    %reduce_sum3A_82 = arith.constant dense<0.000000e+00> : vector<64x64xf32>
    %reduce_sum3A_83 = vector.multi_reduction <add>, %mul3A_81, %reduce_sum3A_82 [0] : vector<64x64x64xf32> to vector<64x64xf32>
    %reduce_sum3A_84 = arith.constant dense<0.000000e+00> : vector<64xf32>
    %reduce_sum3A_85 = vector.multi_reduction <add>, %reduce_sum3A_83, %reduce_sum3A_84 [0] : vector<64x64xf32> to vector<64xf32>
    %swap3A_86 = arith.constant 0 : index
    %swap3A_87 = arith.constant 2 : index
    %swap3A_88 = arith.constant 0 : index
    %swap3A_89 = vector.load %arg3[%swap3A_86, %swap3A_87, %swap3A_88] : memref<1x4x64xf32, #tpu.memory_space<vmem>>, vector<1x1x64xf32>
    %swap3A_90 = vector.shape_cast %swap3A_89 : vector<1x1x64xf32> to vector<64xf32>
    %swap3A_91 = vector.shape_cast %reduce_sum3A_85 : vector<64xf32> to vector<1x1x64xf32>
    tpu.vector_store %arg3[%swap3A_86, %swap3A_87, %swap3A_88], %swap3A_91 {strides = array<i32>} : memref<1x4x64xf32, #tpu.memory_space<vmem>>, vector<1x1x64xf32>,
    %reduce_sum3A_92 = arith.constant dense<0.000000e+00> : vector<64xf32>
    %reduce_sum3A_93 = vector.multi_reduction <add>, %reduce_sum3A_83, %reduce_sum3A_92 [1] : vector<64x64xf32> to vector<64xf32>
    %swap3A_94 = arith.constant 0 : index
    %swap3A_95 = arith.constant 2 : index
    %swap3A_96 = arith.constant 0 : index
    %swap3A_97 = vector.load %arg4[%swap3A_94, %swap3A_95, %swap3A_96] : memref<1x4x64xf32, #tpu.memory_space<vmem>>, vector<1x1x64xf32>
    %swap3A_98 = vector.shape_cast %swap3A_97 : vector<1x1x64xf32> to vector<64xf32>
    %swap3A_99 = vector.shape_cast %reduce_sum3A_93 : vector<64xf32> to vector<1x1x64xf32>
    tpu.vector_store %arg4[%swap3A_94, %swap3A_95, %swap3A_96], %swap3A_99 {strides = array<i32>} : memref<1x4x64xf32, #tpu.memory_space<vmem>>, vector<1x1x64xf32>,
    %reduce_sum3A_100 = arith.constant dense<0.000000e+00> : vector<64xf32>
    %reduce_sum3A_101 = vector.multi_reduction <add>, %mul3A_81, %reduce_sum3A_100 [1, 2] : vector<64x64x64xf32> to vector<64xf32>
    %swap3A_102 = arith.constant 0 : index
    %swap3A_103 = arith.constant 2 : index
    %swap3A_104 = arith.constant 0 : index
    %swap3A_105 = vector.load %arg5[%swap3A_102, %swap3A_103, %swap3A_104] : memref<1x4x64xf32, #tpu.memory_space<vmem>>, vector<1x1x64xf32>
    %swap3A_106 = vector.shape_cast %swap3A_105 : vector<1x1x64xf32> to vector<64xf32>
    %swap3A_107 = vector.shape_cast %reduce_sum3A_101 : vector<64xf32> to vector<1x1x64xf32>
    tpu.vector_store %arg5[%swap3A_102, %swap3A_103, %swap3A_104], %swap3A_107 {strides = array<i32>} : memref<1x4x64xf32, #tpu.memory_space<vmem>>, vector<1x1x64xf32>,
    %get3A_108 = arith.constant 0 : index
    %get3A_109 = arith.constant 0 : index
    %get3A_110 = arith.constant 3 : index
    %get3A_111 = arith.constant 0 : index
    %get3A_112 = arith.constant 0 : index
    %get3A_113 = arith.constant 0 : index
    %get3A_114 = vector.load %arg2[%get3A_108, %get3A_109, %get3A_110, %get3A_111, %get3A_112, %get3A_113] : memref<1x1x4x64x64x64xf32, #tpu.memory_space<vmem>>, vector<1x1x1x64x64x64xf32>
    %get3A_115 = vector.shape_cast %get3A_114 : vector<1x1x1x64x64x64xf32> to vector<64x64x64xf32>
    %mul3A_116 = arith.mulf %get3A_5, %get3A_115 : vector<64x64x64xf32>
    %reduce_sum3A_117 = arith.constant dense<0.000000e+00> : vector<64x64xf32>
    %reduce_sum3A_118 = vector.multi_reduction <add>, %mul3A_116, %reduce_sum3A_117 [0] : vector<64x64x64xf32> to vector<64x64xf32>
    %reduce_sum3A_119 = arith.constant dense<0.000000e+00> : vector<64xf32>
    %reduce_sum3A_120 = vector.multi_reduction <add>, %reduce_sum3A_118, %reduce_sum3A_119 [0] : vector<64x64xf32> to vector<64xf32>
    %swap3A_121 = arith.constant 0 : index
    %swap3A_122 = arith.constant 3 : index
    %swap3A_123 = arith.constant 0 : index
    %swap3A_124 = vector.load %arg3[%swap3A_121, %swap3A_122, %swap3A_123] : memref<1x4x64xf32, #tpu.memory_space<vmem>>, vector<1x1x64xf32>
    %swap3A_125 = vector.shape_cast %swap3A_124 : vector<1x1x64xf32> to vector<64xf32>
    %swap3A_126 = vector.shape_cast %reduce_sum3A_120 : vector<64xf32> to vector<1x1x64xf32>
    tpu.vector_store %arg3[%swap3A_121, %swap3A_122, %swap3A_123], %swap3A_126 {strides = array<i32>} : memref<1x4x64xf32, #tpu.memory_space<vmem>>, vector<1x1x64xf32>,
    %reduce_sum3A_127 = arith.constant dense<0.000000e+00> : vector<64xf32>
    %reduce_sum3A_128 = vector.multi_reduction <add>, %reduce_sum3A_118, %reduce_sum3A_127 [1] : vector<64x64xf32> to vector<64xf32>
    %swap3A_129 = arith.constant 0 : index
    %swap3A_130 = arith.constant 3 : index
    %swap3A_131 = arith.constant 0 : index
    %swap3A_132 = vector.load %arg4[%swap3A_129, %swap3A_130, %swap3A_131] : memref<1x4x64xf32, #tpu.memory_space<vmem>>, vector<1x1x64xf32>
    %swap3A_133 = vector.shape_cast %swap3A_132 : vector<1x1x64xf32> to vector<64xf32>
    %swap3A_134 = vector.shape_cast %reduce_sum3A_128 : vector<64xf32> to vector<1x1x64xf32>
    tpu.vector_store %arg4[%swap3A_129, %swap3A_130, %swap3A_131], %swap3A_134 {strides = array<i32>} : memref<1x4x64xf32, #tpu.memory_space<vmem>>, vector<1x1x64xf32>,
    %reduce_sum3A_135 = arith.constant dense<0.000000e+00> : vector<64xf32>
    %reduce_sum3A_136 = vector.multi_reduction <add>, %mul3A_116, %reduce_sum3A_135 [1, 2] : vector<64x64x64xf32> to vector<64xf32>
    %swap3A_137 = arith.constant 0 : index
    %swap3A_138 = arith.constant 3 : index
    %swap3A_139 = arith.constant 0 : index
    %swap3A_140 = vector.load %arg5[%swap3A_137, %swap3A_138, %swap3A_139] : memref<1x4x64xf32, #tpu.memory_space<vmem>>, vector<1x1x64xf32>
    %swap3A_141 = vector.shape_cast %swap3A_140 : vector<1x1x64xf32> to vector<64xf32>
    %swap3A_142 = vector.shape_cast %reduce_sum3A_136 : vector<64xf32> to vector<1x1x64xf32>
    tpu.vector_store %arg5[%swap3A_137, %swap3A_138, %swap3A_139], %swap3A_142 {strides = array<i32>} : memref<1x4x64xf32, #tpu.memory_space<vmem>>, vector<1x1x64xf32>,
    return
  }
  func.func @transform_0(%arg0: i32) -> (i32, i32, i32, i32, i32) {
    %add3A = arith.constant 1 : i32
    %add3A_0 = arith.addi %arg0, %add3A : i32
    %jit3A = arith.constant 3 : i32
    %div3A = arith.divsi %add3A_0, %jit3A : i32
    %sign3A = arith.constant 0 : i32
    %sign3A_1 = arith.cmpi sgt, %add3A_0, %sign3A : i32
    %sign3A_2 = arith.extui %sign3A_1 : i1 to i32
    %sign3A_3 = arith.constant 0 : i32
    %sign3A_4 = arith.cmpi slt, %add3A_0, %sign3A_3 : i32
    %sign3A_5 = arith.extui %sign3A_4 : i1 to i32
    %sign3A_6 = arith.subi %sign3A_2, %sign3A_5 : i32
    %sign3A_7 = arith.constant 0 : i32
    %sign3A_8 = arith.cmpi sgt, %jit3A, %sign3A_7 : i32
    %sign3A_9 = arith.extui %sign3A_8 : i1 to i32
    %sign3A_10 = arith.constant 0 : i32
    %sign3A_11 = arith.cmpi slt, %jit3A, %sign3A_10 : i32
    %sign3A_12 = arith.extui %sign3A_11 : i1 to i32
    %sign3A_13 = arith.subi %sign3A_9, %sign3A_12 : i32
    %ne3A = arith.cmpi ne, %sign3A_6, %sign3A_13 : i32
    %rem3A = arith.remsi %add3A_0, %jit3A : i32
    %ne3A_14 = arith.constant 0 : i32
    %ne3A_15 = arith.cmpi ne, %rem3A, %ne3A_14 : i32
    %and3A = arith.andi %ne3A, %ne3A_15 : i1
    %sub3A = arith.constant 1 : i32
    %sub3A_16 = arith.subi %div3A, %sub3A : i32
    %select_n3A = arith.select %and3A, %sub3A_16, %div3A : i32
    %add3A_17 = arith.constant 1 : i32
    %add3A_18 = arith.addi %arg0, %add3A_17 : i32
    %jit3A_19 = arith.constant 3 : i32
    %eq3A = arith.constant 0 : i32
    %eq3A_20 = arith.cmpi eq, %jit3A_19, %eq3A : i32
    %jit3A_21 = arith.constant 1 : i32
    %select_n3A_22 = arith.select %eq3A_20, %jit3A_21, %jit3A_19 : i32
    %rem3A_23 = arith.remsi %add3A_18, %select_n3A_22 : i32
    %ne3A_24 = arith.constant 0 : i32
    %ne3A_25 = arith.cmpi ne, %rem3A_23, %ne3A_24 : i32
    %lt3A = arith.constant 0 : i32
    %lt3A_26 = arith.cmpi slt, %rem3A_23, %lt3A : i32
    %lt3A_27 = arith.constant 0 : i32
    %lt3A_28 = arith.cmpi slt, %select_n3A_22, %lt3A_27 : i32
    %ne3A_29 = arith.xori %lt3A_26, %lt3A_28 : i1
    %and3A_30 = arith.andi %ne3A_29, %ne3A_25 : i1
    %add3A_31 = arith.addi %rem3A_23, %select_n3A_22 : i32
    %select_n3A_32 = arith.select %and3A_30, %add3A_31, %rem3A_23 : i32
    %c0_i32 = arith.constant 0 : i32
    %c0_i32_33 = arith.constant 0 : i32
    %c0_i32_34 = arith.constant 0 : i32
    %c0_i32_35 = arith.constant 0 : i32
    return %select_n3A, %select_n3A_32, %c0_i32, %c0_i32_33, %c0_i32_34 : i32, i32, i32, i32, i32
  }
  func.func @transform_1(%arg0: i32) -> (i32, i32, i32, i32, i32, i32) {
    %add3A = arith.constant 1 : i32
    %add3A_0 = arith.addi %arg0, %add3A : i32
    %jit3A = arith.constant 3 : i32
    %div3A = arith.divsi %add3A_0, %jit3A : i32
    %sign3A = arith.constant 0 : i32
    %sign3A_1 = arith.cmpi sgt, %add3A_0, %sign3A : i32
    %sign3A_2 = arith.extui %sign3A_1 : i1 to i32
    %sign3A_3 = arith.constant 0 : i32
    %sign3A_4 = arith.cmpi slt, %add3A_0, %sign3A_3 : i32
    %sign3A_5 = arith.extui %sign3A_4 : i1 to i32
    %sign3A_6 = arith.subi %sign3A_2, %sign3A_5 : i32
    %sign3A_7 = arith.constant 0 : i32
    %sign3A_8 = arith.cmpi sgt, %jit3A, %sign3A_7 : i32
    %sign3A_9 = arith.extui %sign3A_8 : i1 to i32
    %sign3A_10 = arith.constant 0 : i32
    %sign3A_11 = arith.cmpi slt, %jit3A, %sign3A_10 : i32
    %sign3A_12 = arith.extui %sign3A_11 : i1 to i32
    %sign3A_13 = arith.subi %sign3A_9, %sign3A_12 : i32
    %ne3A = arith.cmpi ne, %sign3A_6, %sign3A_13 : i32
    %rem3A = arith.remsi %add3A_0, %jit3A : i32
    %ne3A_14 = arith.constant 0 : i32
    %ne3A_15 = arith.cmpi ne, %rem3A, %ne3A_14 : i32
    %and3A = arith.andi %ne3A, %ne3A_15 : i1
    %sub3A = arith.constant 1 : i32
    %sub3A_16 = arith.subi %div3A, %sub3A : i32
    %select_n3A = arith.select %and3A, %sub3A_16, %div3A : i32
    %add3A_17 = arith.constant 1 : i32
    %add3A_18 = arith.addi %arg0, %add3A_17 : i32
    %jit3A_19 = arith.constant 3 : i32
    %eq3A = arith.constant 0 : i32
    %eq3A_20 = arith.cmpi eq, %jit3A_19, %eq3A : i32
    %jit3A_21 = arith.constant 1 : i32
    %select_n3A_22 = arith.select %eq3A_20, %jit3A_21, %jit3A_19 : i32
    %rem3A_23 = arith.remsi %add3A_18, %select_n3A_22 : i32
    %ne3A_24 = arith.constant 0 : i32
    %ne3A_25 = arith.cmpi ne, %rem3A_23, %ne3A_24 : i32
    %lt3A = arith.constant 0 : i32
    %lt3A_26 = arith.cmpi slt, %rem3A_23, %lt3A : i32
    %lt3A_27 = arith.constant 0 : i32
    %lt3A_28 = arith.cmpi slt, %select_n3A_22, %lt3A_27 : i32
    %ne3A_29 = arith.xori %lt3A_26, %lt3A_28 : i1
    %and3A_30 = arith.andi %ne3A_29, %ne3A_25 : i1
    %add3A_31 = arith.addi %rem3A_23, %select_n3A_22 : i32
    %select_n3A_32 = arith.select %and3A_30, %add3A_31, %rem3A_23 : i32
    %c0_i32 = arith.constant 0 : i32
    %c0_i32_33 = arith.constant 0 : i32
    %c0_i32_34 = arith.constant 0 : i32
    %c0_i32_35 = arith.constant 0 : i32
    %c0_i32_36 = arith.constant 0 : i32
    return %select_n3A, %select_n3A_32, %c0_i32, %c0_i32_33, %c0_i32_34, %c0_i32_35 : i32, i32, i32, i32, i32, i32
  }
  func.func @transform_2(%arg0: i32) -> (i32, i32, i32) {
    %c0_i32 = arith.constant 0 : i32
    %c0_i32_0 = arith.constant 0 : i32
    %c0_i32_1 = arith.constant 0 : i32
    return %arg0, %c0_i32, %c0_i32_0 : i32, i32, i32
  }
  func.func @transform_3(%arg0: i32) -> (i32, i32, i32) {
    %c0_i32 = arith.constant 0 : i32
    %c0_i32_0 = arith.constant 0 : i32
    %c0_i32_1 = arith.constant 0 : i32
    return %arg0, %c0_i32, %c0_i32_0 : i32, i32, i32
  }
  func.func @transform_4(%arg0: i32) -> (i32, i32, i32) {
    %c0_i32 = arith.constant 0 : i32
    %c0_i32_0 = arith.constant 0 : i32
    %c0_i32_1 = arith.constant 0 : i32
    return %arg0, %c0_i32, %c0_i32_0 : i32, i32, i32
  }
}

module attributes {stable_mosaic.version = 14 : i64} {
  func.func @_epi_body(%arg0: memref<32x64xf32, #tpu.memory_space<vmem>>, %arg1: memref<32x1024xf32, #tpu.memory_space<vmem>>, %arg2: memref<32x128xf32, #tpu.memory_space<vmem>>, %arg3: memref<5x4x64xf32, #tpu.memory_space<vmem>>, %arg4: memref<5x4x64xf32, #tpu.memory_space<vmem>>, %arg5: memref<5x4x64xf32, #tpu.memory_space<vmem>>, %arg6: memref<1x1xf32, #tpu.memory_space<smem>>) attributes {dimension_semantics = [], scalar_prefetch = 0 : i64, scratch_operands = 0 : i64, tpu.core_type = #tpu.core_type<tc>} {
    %get3A = arith.constant 0 : index
    %get3A_0 = arith.constant 0 : index
    %get3A_1 = vector.load %arg0[%get3A, %get3A_0] : memref<32x64xf32, #tpu.memory_space<vmem>>, vector<32x64xf32>
    %reshape3A = vector.shape_cast %get3A_1 : vector<32x64xf32> to vector<4x8x64xf32>
    %reduce_sum3A = arith.constant dense<0.000000e+00> : vector<4x64xf32>
    %reduce_sum3A_2 = vector.multi_reduction <add>, %reshape3A, %reduce_sum3A [1] : vector<4x8x64xf32> to vector<4x64xf32>
    %get3A_3 = arith.constant 0 : index
    %get3A_4 = arith.constant 0 : index
    %get3A_5 = vector.load %arg1[%get3A_3, %get3A_4] : memref<32x1024xf32, #tpu.memory_space<vmem>>, vector<32x1024xf32>
    %reshape3A_6 = vector.shape_cast %get3A_5 : vector<32x1024xf32> to vector<4x8x1024xf32>
    %reduce_sum3A_7 = arith.constant dense<0.000000e+00> : vector<4x1024xf32>
    %reduce_sum3A_8 = vector.multi_reduction <add>, %reshape3A_6, %reduce_sum3A_7 [1] : vector<4x8x1024xf32> to vector<4x1024xf32>
    %iota3A = tpu.iota {dimensions = array<i32: 0>} : vector<1024x64xi32>
    %iota3A_9 = tpu.iota {dimensions = array<i32: 1>} : vector<1024x64xi32>
    %jit3A = arith.constant 16 : i32
    %div3A = vector.broadcast %jit3A : i32 to vector<1024x64xi32>
    %div3A_10 = arith.divsi %iota3A, %div3A : vector<1024x64xi32>
    %sign3A = arith.constant 0 : i32
    %sign3A_11 = vector.broadcast %sign3A : i32 to vector<1024x64xi32>
    %sign3A_12 = arith.cmpi sgt, %iota3A, %sign3A_11 : vector<1024x64xi32>
    %sign3A_13 = arith.extui %sign3A_12 : vector<1024x64xi1> to vector<1024x64xi32>
    %sign3A_14 = arith.constant 0 : i32
    %sign3A_15 = vector.broadcast %sign3A_14 : i32 to vector<1024x64xi32>
    %sign3A_16 = arith.cmpi slt, %iota3A, %sign3A_15 : vector<1024x64xi32>
    %sign3A_17 = arith.extui %sign3A_16 : vector<1024x64xi1> to vector<1024x64xi32>
    %sign3A_18 = arith.subi %sign3A_13, %sign3A_17 : vector<1024x64xi32>
    %sign3A_19 = arith.constant 0 : i32
    %sign3A_20 = arith.cmpi sgt, %jit3A, %sign3A_19 : i32
    %sign3A_21 = arith.extui %sign3A_20 : i1 to i32
    %sign3A_22 = arith.constant 0 : i32
    %sign3A_23 = arith.cmpi slt, %jit3A, %sign3A_22 : i32
    %sign3A_24 = arith.extui %sign3A_23 : i1 to i32
    %sign3A_25 = arith.subi %sign3A_21, %sign3A_24 : i32
    %ne3A = vector.broadcast %sign3A_25 : i32 to vector<1024x64xi32>
    %ne3A_26 = arith.cmpi ne, %sign3A_18, %ne3A : vector<1024x64xi32>
    %rem3A = vector.broadcast %jit3A : i32 to vector<1024x64xi32>
    %rem3A_27 = arith.remsi %iota3A, %rem3A : vector<1024x64xi32>
    %ne3A_28 = arith.constant 0 : i32
    %ne3A_29 = vector.broadcast %ne3A_28 : i32 to vector<1024x64xi32>
    %ne3A_30 = arith.cmpi ne, %rem3A_27, %ne3A_29 : vector<1024x64xi32>
    %and3A = arith.andi %ne3A_26, %ne3A_30 : vector<1024x64xi1>
    %sub3A = arith.constant 1 : i32
    %sub3A_31 = vector.broadcast %sub3A : i32 to vector<1024x64xi32>
    %sub3A_32 = arith.subi %div3A_10, %sub3A_31 : vector<1024x64xi32>
    %select_n3A = arith.select %and3A, %sub3A_32, %div3A_10 : vector<1024x64xi1>, vector<1024x64xi32>
    %eq3A = arith.cmpi eq, %select_n3A, %iota3A_9 : vector<1024x64xi32>
    %convert_element_type3A = arith.extui %eq3A : vector<1024x64xi1> to vector<1024x64xi32>
    %convert_element_type3A_33 = arith.sitofp %convert_element_type3A : vector<1024x64xi32> to vector<1024x64xf32>
    %dot_general3A = arith.constant dense<0.000000e+00> : vector<4x64xf32>
    %dot_general3A_34 = tpu.matmul %reduce_sum3A_8, %convert_element_type3A_33, %dot_general3A {dimension_numbers = #tpu.dot_dimension_numbers<[1], [0], [0], [1], [0, 0, 1, 1], [], []>, precision = #tpu.contract_precision<fp32>, transpose_lhs_hint = false} : vector<4x1024xf32>, vector<1024x64xf32>, vector<4x64xf32> -> vector<4x64xf32>
    %get3A_35 = arith.constant 0 : index
    %get3A_36 = arith.constant 0 : index
    %get3A_37 = vector.load %arg2[%get3A_35, %get3A_36] : memref<32x128xf32, #tpu.memory_space<vmem>>, vector<32x128xf32>
    %iota3A_38 = tpu.iota {dimensions = array<i32: 0>} : vector<128x8xi32>
    %iota3A_39 = tpu.iota {dimensions = array<i32: 1>} : vector<128x8xi32>
    %jit3A_40 = arith.constant 16 : i32
    %div3A_41 = vector.broadcast %jit3A_40 : i32 to vector<128x8xi32>
    %div3A_42 = arith.divsi %iota3A_38, %div3A_41 : vector<128x8xi32>
    %sign3A_43 = arith.constant 0 : i32
    %sign3A_44 = vector.broadcast %sign3A_43 : i32 to vector<128x8xi32>
    %sign3A_45 = arith.cmpi sgt, %iota3A_38, %sign3A_44 : vector<128x8xi32>
    %sign3A_46 = arith.extui %sign3A_45 : vector<128x8xi1> to vector<128x8xi32>
    %sign3A_47 = arith.constant 0 : i32
    %sign3A_48 = vector.broadcast %sign3A_47 : i32 to vector<128x8xi32>
    %sign3A_49 = arith.cmpi slt, %iota3A_38, %sign3A_48 : vector<128x8xi32>
    %sign3A_50 = arith.extui %sign3A_49 : vector<128x8xi1> to vector<128x8xi32>
    %sign3A_51 = arith.subi %sign3A_46, %sign3A_50 : vector<128x8xi32>
    %sign3A_52 = arith.constant 0 : i32
    %sign3A_53 = arith.cmpi sgt, %jit3A_40, %sign3A_52 : i32
    %sign3A_54 = arith.extui %sign3A_53 : i1 to i32
    %sign3A_55 = arith.constant 0 : i32
    %sign3A_56 = arith.cmpi slt, %jit3A_40, %sign3A_55 : i32
    %sign3A_57 = arith.extui %sign3A_56 : i1 to i32
    %sign3A_58 = arith.subi %sign3A_54, %sign3A_57 : i32
    %ne3A_59 = vector.broadcast %sign3A_58 : i32 to vector<128x8xi32>
    %ne3A_60 = arith.cmpi ne, %sign3A_51, %ne3A_59 : vector<128x8xi32>
    %rem3A_61 = vector.broadcast %jit3A_40 : i32 to vector<128x8xi32>
    %rem3A_62 = arith.remsi %iota3A_38, %rem3A_61 : vector<128x8xi32>
    %ne3A_63 = arith.constant 0 : i32
    %ne3A_64 = vector.broadcast %ne3A_63 : i32 to vector<128x8xi32>
    %ne3A_65 = arith.cmpi ne, %rem3A_62, %ne3A_64 : vector<128x8xi32>
    %and3A_66 = arith.andi %ne3A_60, %ne3A_65 : vector<128x8xi1>
    %sub3A_67 = arith.constant 1 : i32
    %sub3A_68 = vector.broadcast %sub3A_67 : i32 to vector<128x8xi32>
    %sub3A_69 = arith.subi %div3A_42, %sub3A_68 : vector<128x8xi32>
    %select_n3A_70 = arith.select %and3A_66, %sub3A_69, %div3A_42 : vector<128x8xi1>, vector<128x8xi32>
    %eq3A_71 = arith.cmpi eq, %select_n3A_70, %iota3A_39 : vector<128x8xi32>
    %convert_element_type3A_72 = arith.extui %eq3A_71 : vector<128x8xi1> to vector<128x8xi32>
    %convert_element_type3A_73 = arith.sitofp %convert_element_type3A_72 : vector<128x8xi32> to vector<128x8xf32>
    %dot_general3A_74 = arith.constant dense<0.000000e+00> : vector<32x8xf32>
    %dot_general3A_75 = tpu.matmul %get3A_37, %convert_element_type3A_73, %dot_general3A_74 {dimension_numbers = #tpu.dot_dimension_numbers<[1], [0], [0], [1], [0, 0, 1, 1], [], []>, precision = #tpu.contract_precision<fp32>, transpose_lhs_hint = false} : vector<32x128xf32>, vector<128x8xf32>, vector<32x8xf32> -> vector<32x8xf32>
    %gt3A = arith.constant 0.000000e+00 : f32
    %gt3A_76 = vector.broadcast %gt3A : f32 to vector<32x8xf32>
    %gt3A_77 = arith.cmpf ogt, %dot_general3A_75, %gt3A_76 : vector<32x8xf32>
    %convert_element_type3A_78 = arith.extui %gt3A_77 : vector<32x8xi1> to vector<32x8xi32>
    %convert_element_type3A_79 = arith.sitofp %convert_element_type3A_78 : vector<32x8xi32> to vector<32x8xf32>
    %reduce_sum3A_80 = arith.constant dense<0.000000e+00> : vector<32xf32>
    %reduce_sum3A_81 = vector.multi_reduction <add>, %convert_element_type3A_79, %reduce_sum3A_80 [1] : vector<32x8xf32> to vector<32xf32>
    %gt3A_82 = arith.constant 0.000000e+00 : f32
    %gt3A_83 = vector.broadcast %gt3A_82 : f32 to vector<32xf32>
    %gt3A_84 = arith.cmpf ogt, %reduce_sum3A_81, %gt3A_83 : vector<32xf32>
    %reduce_sum3A_85 = arith.constant dense<0.000000e+00> : vector<32xf32>
    %reduce_sum3A_86 = vector.multi_reduction <add>, %dot_general3A_75, %reduce_sum3A_85 [1] : vector<32x8xf32> to vector<32xf32>
    %max3A = arith.constant 1.000000e+00 : f32
    %max3A_87 = vector.broadcast %max3A : f32 to vector<32xf32>
    %max3A_88 = arith.maximumf %reduce_sum3A_81, %max3A_87 : vector<32xf32>
    %div3A_89 = arith.divf %reduce_sum3A_86, %max3A_88 : vector<32xf32>
    %jit3A_90 = arith.constant 0.000000e+00 : f32
    %broadcast_in_dim3A = vector.broadcast %jit3A_90 : f32 to vector<32xf32>
    %select_n3A_91 = arith.select %gt3A_84, %div3A_89, %broadcast_in_dim3A : vector<32xi1>, vector<32xf32>
    %sub3A_92 = arith.constant 1.000000e+00 : f32
    %sub3A_93 = vector.broadcast %sub3A_92 : f32 to vector<32xf32>
    %sub3A_94 = arith.subf %sub3A_93, %select_n3A_91 : vector<32xf32>
    %jit3A_95 = arith.constant 0.000000e+00 : f32
    %broadcast_in_dim3A_96 = vector.broadcast %jit3A_95 : f32 to vector<32xf32>
    %select_n3A_97 = arith.select %gt3A_84, %sub3A_94, %broadcast_in_dim3A_96 : vector<32xi1>, vector<32xf32>
    %max3A_98 = arith.constant 0.000000e+00 : f32
    %max3A_99 = vector.broadcast %max3A_98 : f32 to vector<32xf32>
    %max3A_100 = arith.maximumf %select_n3A_97, %max3A_99 : vector<32xf32>
    %reshape3A_101 = vector.shape_cast %max3A_100 : vector<32xf32> to vector<4x8xf32>
    %reduce_sum3A_102 = arith.constant dense<0.000000e+00> : vector<4xf32>
    %reduce_sum3A_103 = vector.multi_reduction <add>, %reshape3A_101, %reduce_sum3A_102 [1] : vector<4x8xf32> to vector<4xf32>
    %slice3A = vector.extract_strided_slice %reduce_sum3A_2 {offsets = [0, 0], sizes = [4, 8], strides = [1, 1]} : vector<4x64xf32> to vector<4x8xf32>
    %gt3A_104 = arith.constant 0.000000e+00 : f32
    %gt3A_105 = vector.broadcast %gt3A_104 : f32 to vector<4x8xf32>
    %gt3A_106 = arith.cmpf ogt, %slice3A, %gt3A_105 : vector<4x8xf32>
    %convert_element_type3A_107 = arith.extui %gt3A_106 : vector<4x8xi1> to vector<4x8xi32>
    %convert_element_type3A_108 = arith.sitofp %convert_element_type3A_107 : vector<4x8xi32> to vector<4x8xf32>
    %reduce_sum3A_109 = arith.constant dense<0.000000e+00> : vector<4xf32>
    %reduce_sum3A_110 = vector.multi_reduction <add>, %convert_element_type3A_108, %reduce_sum3A_109 [1] : vector<4x8xf32> to vector<4xf32>
    %gt3A_111 = arith.constant 0.000000e+00 : f32
    %gt3A_112 = vector.broadcast %gt3A_111 : f32 to vector<4xf32>
    %gt3A_113 = arith.cmpf ogt, %reduce_sum3A_110, %gt3A_112 : vector<4xf32>
    %reduce_sum3A_114 = arith.constant dense<0.000000e+00> : vector<4xf32>
    %reduce_sum3A_115 = vector.multi_reduction <add>, %slice3A, %reduce_sum3A_114 [1] : vector<4x8xf32> to vector<4xf32>
    %max3A_116 = arith.constant 1.000000e+00 : f32
    %max3A_117 = vector.broadcast %max3A_116 : f32 to vector<4xf32>
    %max3A_118 = arith.maximumf %reduce_sum3A_110, %max3A_117 : vector<4xf32>
    %div3A_119 = arith.divf %reduce_sum3A_115, %max3A_118 : vector<4xf32>
    %jit3A_120 = arith.constant 0.000000e+00 : f32
    %broadcast_in_dim3A_121 = vector.broadcast %jit3A_120 : f32 to vector<4xf32>
    %select_n3A_122 = arith.select %gt3A_113, %div3A_119, %broadcast_in_dim3A_121 : vector<4xi1>, vector<4xf32>
    %sub3A_123 = arith.constant 1.000000e+00 : f32
    %sub3A_124 = vector.broadcast %sub3A_123 : f32 to vector<4xf32>
    %sub3A_125 = arith.subf %sub3A_124, %select_n3A_122 : vector<4xf32>
    %jit3A_126 = arith.constant 0.000000e+00 : f32
    %broadcast_in_dim3A_127 = vector.broadcast %jit3A_126 : f32 to vector<4xf32>
    %select_n3A_128 = arith.select %gt3A_113, %sub3A_125, %broadcast_in_dim3A_127 : vector<4xi1>, vector<4xf32>
    %max3A_129 = arith.constant 0.000000e+00 : f32
    %max3A_130 = vector.broadcast %max3A_129 : f32 to vector<4xf32>
    %max3A_131 = arith.maximumf %select_n3A_128, %max3A_130 : vector<4xf32>
    %slice3A_132 = vector.extract_strided_slice %reduce_sum3A_2 {offsets = [0, 8], sizes = [4, 8], strides = [1, 1]} : vector<4x64xf32> to vector<4x8xf32>
    %gt3A_133 = arith.constant 0.000000e+00 : f32
    %gt3A_134 = vector.broadcast %gt3A_133 : f32 to vector<4x8xf32>
    %gt3A_135 = arith.cmpf ogt, %slice3A_132, %gt3A_134 : vector<4x8xf32>
    %convert_element_type3A_136 = arith.extui %gt3A_135 : vector<4x8xi1> to vector<4x8xi32>
    %convert_element_type3A_137 = arith.sitofp %convert_element_type3A_136 : vector<4x8xi32> to vector<4x8xf32>
    %reduce_sum3A_138 = arith.constant dense<0.000000e+00> : vector<4xf32>
    %reduce_sum3A_139 = vector.multi_reduction <add>, %convert_element_type3A_137, %reduce_sum3A_138 [1] : vector<4x8xf32> to vector<4xf32>
    %gt3A_140 = arith.constant 0.000000e+00 : f32
    %gt3A_141 = vector.broadcast %gt3A_140 : f32 to vector<4xf32>
    %gt3A_142 = arith.cmpf ogt, %reduce_sum3A_139, %gt3A_141 : vector<4xf32>
    %reduce_sum3A_143 = arith.constant dense<0.000000e+00> : vector<4xf32>
    %reduce_sum3A_144 = vector.multi_reduction <add>, %slice3A_132, %reduce_sum3A_143 [1] : vector<4x8xf32> to vector<4xf32>
    %max3A_145 = arith.constant 1.000000e+00 : f32
    %max3A_146 = vector.broadcast %max3A_145 : f32 to vector<4xf32>
    %max3A_147 = arith.maximumf %reduce_sum3A_139, %max3A_146 : vector<4xf32>
    %div3A_148 = arith.divf %reduce_sum3A_144, %max3A_147 : vector<4xf32>
    %jit3A_149 = arith.constant 0.000000e+00 : f32
    %broadcast_in_dim3A_150 = vector.broadcast %jit3A_149 : f32 to vector<4xf32>
    %select_n3A_151 = arith.select %gt3A_142, %div3A_148, %broadcast_in_dim3A_150 : vector<4xi1>, vector<4xf32>
    %sub3A_152 = arith.constant 1.000000e+00 : f32
    %sub3A_153 = vector.broadcast %sub3A_152 : f32 to vector<4xf32>
    %sub3A_154 = arith.subf %sub3A_153, %select_n3A_151 : vector<4xf32>
    %jit3A_155 = arith.constant 0.000000e+00 : f32
    %broadcast_in_dim3A_156 = vector.broadcast %jit3A_155 : f32 to vector<4xf32>
    %select_n3A_157 = arith.select %gt3A_142, %sub3A_154, %broadcast_in_dim3A_156 : vector<4xi1>, vector<4xf32>
    %max3A_158 = arith.constant 0.000000e+00 : f32
    %max3A_159 = vector.broadcast %max3A_158 : f32 to vector<4xf32>
    %max3A_160 = arith.maximumf %select_n3A_157, %max3A_159 : vector<4xf32>
    %add3A = arith.addf %max3A_131, %max3A_160 : vector<4xf32>
    %slice3A_161 = vector.extract_strided_slice %reduce_sum3A_2 {offsets = [0, 16], sizes = [4, 8], strides = [1, 1]} : vector<4x64xf32> to vector<4x8xf32>
    %gt3A_162 = arith.constant 0.000000e+00 : f32
    %gt3A_163 = vector.broadcast %gt3A_162 : f32 to vector<4x8xf32>
    %gt3A_164 = arith.cmpf ogt, %slice3A_161, %gt3A_163 : vector<4x8xf32>
    %convert_element_type3A_165 = arith.extui %gt3A_164 : vector<4x8xi1> to vector<4x8xi32>
    %convert_element_type3A_166 = arith.sitofp %convert_element_type3A_165 : vector<4x8xi32> to vector<4x8xf32>
    %reduce_sum3A_167 = arith.constant dense<0.000000e+00> : vector<4xf32>
    %reduce_sum3A_168 = vector.multi_reduction <add>, %convert_element_type3A_166, %reduce_sum3A_167 [1] : vector<4x8xf32> to vector<4xf32>
    %gt3A_169 = arith.constant 0.000000e+00 : f32
    %gt3A_170 = vector.broadcast %gt3A_169 : f32 to vector<4xf32>
    %gt3A_171 = arith.cmpf ogt, %reduce_sum3A_168, %gt3A_170 : vector<4xf32>
    %reduce_sum3A_172 = arith.constant dense<0.000000e+00> : vector<4xf32>
    %reduce_sum3A_173 = vector.multi_reduction <add>, %slice3A_161, %reduce_sum3A_172 [1] : vector<4x8xf32> to vector<4xf32>
    %max3A_174 = arith.constant 1.000000e+00 : f32
    %max3A_175 = vector.broadcast %max3A_174 : f32 to vector<4xf32>
    %max3A_176 = arith.maximumf %reduce_sum3A_168, %max3A_175 : vector<4xf32>
    %div3A_177 = arith.divf %reduce_sum3A_173, %max3A_176 : vector<4xf32>
    %jit3A_178 = arith.constant 0.000000e+00 : f32
    %broadcast_in_dim3A_179 = vector.broadcast %jit3A_178 : f32 to vector<4xf32>
    %select_n3A_180 = arith.select %gt3A_171, %div3A_177, %broadcast_in_dim3A_179 : vector<4xi1>, vector<4xf32>
    %sub3A_181 = arith.constant 1.000000e+00 : f32
    %sub3A_182 = vector.broadcast %sub3A_181 : f32 to vector<4xf32>
    %sub3A_183 = arith.subf %sub3A_182, %select_n3A_180 : vector<4xf32>
    %jit3A_184 = arith.constant 0.000000e+00 : f32
    %broadcast_in_dim3A_185 = vector.broadcast %jit3A_184 : f32 to vector<4xf32>
    %select_n3A_186 = arith.select %gt3A_171, %sub3A_183, %broadcast_in_dim3A_185 : vector<4xi1>, vector<4xf32>
    %max3A_187 = arith.constant 0.000000e+00 : f32
    %max3A_188 = vector.broadcast %max3A_187 : f32 to vector<4xf32>
    %max3A_189 = arith.maximumf %select_n3A_186, %max3A_188 : vector<4xf32>
    %add3A_190 = arith.addf %add3A, %max3A_189 : vector<4xf32>
    %slice3A_191 = vector.extract_strided_slice %reduce_sum3A_2 {offsets = [0, 24], sizes = [4, 8], strides = [1, 1]} : vector<4x64xf32> to vector<4x8xf32>
    %gt3A_192 = arith.constant 0.000000e+00 : f32
    %gt3A_193 = vector.broadcast %gt3A_192 : f32 to vector<4x8xf32>
    %gt3A_194 = arith.cmpf ogt, %slice3A_191, %gt3A_193 : vector<4x8xf32>
    %convert_element_type3A_195 = arith.extui %gt3A_194 : vector<4x8xi1> to vector<4x8xi32>
    %convert_element_type3A_196 = arith.sitofp %convert_element_type3A_195 : vector<4x8xi32> to vector<4x8xf32>
    %reduce_sum3A_197 = arith.constant dense<0.000000e+00> : vector<4xf32>
    %reduce_sum3A_198 = vector.multi_reduction <add>, %convert_element_type3A_196, %reduce_sum3A_197 [1] : vector<4x8xf32> to vector<4xf32>
    %gt3A_199 = arith.constant 0.000000e+00 : f32
    %gt3A_200 = vector.broadcast %gt3A_199 : f32 to vector<4xf32>
    %gt3A_201 = arith.cmpf ogt, %reduce_sum3A_198, %gt3A_200 : vector<4xf32>
    %reduce_sum3A_202 = arith.constant dense<0.000000e+00> : vector<4xf32>
    %reduce_sum3A_203 = vector.multi_reduction <add>, %slice3A_191, %reduce_sum3A_202 [1] : vector<4x8xf32> to vector<4xf32>
    %max3A_204 = arith.constant 1.000000e+00 : f32
    %max3A_205 = vector.broadcast %max3A_204 : f32 to vector<4xf32>
    %max3A_206 = arith.maximumf %reduce_sum3A_198, %max3A_205 : vector<4xf32>
    %div3A_207 = arith.divf %reduce_sum3A_203, %max3A_206 : vector<4xf32>
    %jit3A_208 = arith.constant 0.000000e+00 : f32
    %broadcast_in_dim3A_209 = vector.broadcast %jit3A_208 : f32 to vector<4xf32>
    %select_n3A_210 = arith.select %gt3A_201, %div3A_207, %broadcast_in_dim3A_209 : vector<4xi1>, vector<4xf32>
    %sub3A_211 = arith.constant 1.000000e+00 : f32
    %sub3A_212 = vector.broadcast %sub3A_211 : f32 to vector<4xf32>
    %sub3A_213 = arith.subf %sub3A_212, %select_n3A_210 : vector<4xf32>
    %jit3A_214 = arith.constant 0.000000e+00 : f32
    %broadcast_in_dim3A_215 = vector.broadcast %jit3A_214 : f32 to vector<4xf32>
    %select_n3A_216 = arith.select %gt3A_201, %sub3A_213, %broadcast_in_dim3A_215 : vector<4xi1>, vector<4xf32>
    %max3A_217 = arith.constant 0.000000e+00 : f32
    %max3A_218 = vector.broadcast %max3A_217 : f32 to vector<4xf32>
    %max3A_219 = arith.maximumf %select_n3A_216, %max3A_218 : vector<4xf32>
    %add3A_220 = arith.addf %add3A_190, %max3A_219 : vector<4xf32>
    %slice3A_221 = vector.extract_strided_slice %reduce_sum3A_2 {offsets = [0, 32], sizes = [4, 8], strides = [1, 1]} : vector<4x64xf32> to vector<4x8xf32>
    %gt3A_222 = arith.constant 0.000000e+00 : f32
    %gt3A_223 = vector.broadcast %gt3A_222 : f32 to vector<4x8xf32>
    %gt3A_224 = arith.cmpf ogt, %slice3A_221, %gt3A_223 : vector<4x8xf32>
    %convert_element_type3A_225 = arith.extui %gt3A_224 : vector<4x8xi1> to vector<4x8xi32>
    %convert_element_type3A_226 = arith.sitofp %convert_element_type3A_225 : vector<4x8xi32> to vector<4x8xf32>
    %reduce_sum3A_227 = arith.constant dense<0.000000e+00> : vector<4xf32>
    %reduce_sum3A_228 = vector.multi_reduction <add>, %convert_element_type3A_226, %reduce_sum3A_227 [1] : vector<4x8xf32> to vector<4xf32>
    %gt3A_229 = arith.constant 0.000000e+00 : f32
    %gt3A_230 = vector.broadcast %gt3A_229 : f32 to vector<4xf32>
    %gt3A_231 = arith.cmpf ogt, %reduce_sum3A_228, %gt3A_230 : vector<4xf32>
    %reduce_sum3A_232 = arith.constant dense<0.000000e+00> : vector<4xf32>
    %reduce_sum3A_233 = vector.multi_reduction <add>, %slice3A_221, %reduce_sum3A_232 [1] : vector<4x8xf32> to vector<4xf32>
    %max3A_234 = arith.constant 1.000000e+00 : f32
    %max3A_235 = vector.broadcast %max3A_234 : f32 to vector<4xf32>
    %max3A_236 = arith.maximumf %reduce_sum3A_228, %max3A_235 : vector<4xf32>
    %div3A_237 = arith.divf %reduce_sum3A_233, %max3A_236 : vector<4xf32>
    %jit3A_238 = arith.constant 0.000000e+00 : f32
    %broadcast_in_dim3A_239 = vector.broadcast %jit3A_238 : f32 to vector<4xf32>
    %select_n3A_240 = arith.select %gt3A_231, %div3A_237, %broadcast_in_dim3A_239 : vector<4xi1>, vector<4xf32>
    %sub3A_241 = arith.constant 1.000000e+00 : f32
    %sub3A_242 = vector.broadcast %sub3A_241 : f32 to vector<4xf32>
    %sub3A_243 = arith.subf %sub3A_242, %select_n3A_240 : vector<4xf32>
    %jit3A_244 = arith.constant 0.000000e+00 : f32
    %broadcast_in_dim3A_245 = vector.broadcast %jit3A_244 : f32 to vector<4xf32>
    %select_n3A_246 = arith.select %gt3A_231, %sub3A_243, %broadcast_in_dim3A_245 : vector<4xi1>, vector<4xf32>
    %max3A_247 = arith.constant 0.000000e+00 : f32
    %max3A_248 = vector.broadcast %max3A_247 : f32 to vector<4xf32>
    %max3A_249 = arith.maximumf %select_n3A_246, %max3A_248 : vector<4xf32>
    %add3A_250 = arith.addf %add3A_220, %max3A_249 : vector<4xf32>
    %slice3A_251 = vector.extract_strided_slice %reduce_sum3A_2 {offsets = [0, 40], sizes = [4, 8], strides = [1, 1]} : vector<4x64xf32> to vector<4x8xf32>
    %gt3A_252 = arith.constant 0.000000e+00 : f32
    %gt3A_253 = vector.broadcast %gt3A_252 : f32 to vector<4x8xf32>
    %gt3A_254 = arith.cmpf ogt, %slice3A_251, %gt3A_253 : vector<4x8xf32>
    %convert_element_type3A_255 = arith.extui %gt3A_254 : vector<4x8xi1> to vector<4x8xi32>
    %convert_element_type3A_256 = arith.sitofp %convert_element_type3A_255 : vector<4x8xi32> to vector<4x8xf32>
    %reduce_sum3A_257 = arith.constant dense<0.000000e+00> : vector<4xf32>
    %reduce_sum3A_258 = vector.multi_reduction <add>, %convert_element_type3A_256, %reduce_sum3A_257 [1] : vector<4x8xf32> to vector<4xf32>
    %gt3A_259 = arith.constant 0.000000e+00 : f32
    %gt3A_260 = vector.broadcast %gt3A_259 : f32 to vector<4xf32>
    %gt3A_261 = arith.cmpf ogt, %reduce_sum3A_258, %gt3A_260 : vector<4xf32>
    %reduce_sum3A_262 = arith.constant dense<0.000000e+00> : vector<4xf32>
    %reduce_sum3A_263 = vector.multi_reduction <add>, %slice3A_251, %reduce_sum3A_262 [1] : vector<4x8xf32> to vector<4xf32>
    %max3A_264 = arith.constant 1.000000e+00 : f32
    %max3A_265 = vector.broadcast %max3A_264 : f32 to vector<4xf32>
    %max3A_266 = arith.maximumf %reduce_sum3A_258, %max3A_265 : vector<4xf32>
    %div3A_267 = arith.divf %reduce_sum3A_263, %max3A_266 : vector<4xf32>
    %jit3A_268 = arith.constant 0.000000e+00 : f32
    %broadcast_in_dim3A_269 = vector.broadcast %jit3A_268 : f32 to vector<4xf32>
    %select_n3A_270 = arith.select %gt3A_261, %div3A_267, %broadcast_in_dim3A_269 : vector<4xi1>, vector<4xf32>
    %sub3A_271 = arith.constant 1.000000e+00 : f32
    %sub3A_272 = vector.broadcast %sub3A_271 : f32 to vector<4xf32>
    %sub3A_273 = arith.subf %sub3A_272, %select_n3A_270 : vector<4xf32>
    %jit3A_274 = arith.constant 0.000000e+00 : f32
    %broadcast_in_dim3A_275 = vector.broadcast %jit3A_274 : f32 to vector<4xf32>
    %select_n3A_276 = arith.select %gt3A_261, %sub3A_273, %broadcast_in_dim3A_275 : vector<4xi1>, vector<4xf32>
    %max3A_277 = arith.constant 0.000000e+00 : f32
    %max3A_278 = vector.broadcast %max3A_277 : f32 to vector<4xf32>
    %max3A_279 = arith.maximumf %select_n3A_276, %max3A_278 : vector<4xf32>
    %add3A_280 = arith.addf %add3A_250, %max3A_279 : vector<4xf32>
    %slice3A_281 = vector.extract_strided_slice %reduce_sum3A_2 {offsets = [0, 48], sizes = [4, 8], strides = [1, 1]} : vector<4x64xf32> to vector<4x8xf32>
    %gt3A_282 = arith.constant 0.000000e+00 : f32
    %gt3A_283 = vector.broadcast %gt3A_282 : f32 to vector<4x8xf32>
    %gt3A_284 = arith.cmpf ogt, %slice3A_281, %gt3A_283 : vector<4x8xf32>
    %convert_element_type3A_285 = arith.extui %gt3A_284 : vector<4x8xi1> to vector<4x8xi32>
    %convert_element_type3A_286 = arith.sitofp %convert_element_type3A_285 : vector<4x8xi32> to vector<4x8xf32>
    %reduce_sum3A_287 = arith.constant dense<0.000000e+00> : vector<4xf32>
    %reduce_sum3A_288 = vector.multi_reduction <add>, %convert_element_type3A_286, %reduce_sum3A_287 [1] : vector<4x8xf32> to vector<4xf32>
    %gt3A_289 = arith.constant 0.000000e+00 : f32
    %gt3A_290 = vector.broadcast %gt3A_289 : f32 to vector<4xf32>
    %gt3A_291 = arith.cmpf ogt, %reduce_sum3A_288, %gt3A_290 : vector<4xf32>
    %reduce_sum3A_292 = arith.constant dense<0.000000e+00> : vector<4xf32>
    %reduce_sum3A_293 = vector.multi_reduction <add>, %slice3A_281, %reduce_sum3A_292 [1] : vector<4x8xf32> to vector<4xf32>
    %max3A_294 = arith.constant 1.000000e+00 : f32
    %max3A_295 = vector.broadcast %max3A_294 : f32 to vector<4xf32>
    %max3A_296 = arith.maximumf %reduce_sum3A_288, %max3A_295 : vector<4xf32>
    %div3A_297 = arith.divf %reduce_sum3A_293, %max3A_296 : vector<4xf32>
    %jit3A_298 = arith.constant 0.000000e+00 : f32
    %broadcast_in_dim3A_299 = vector.broadcast %jit3A_298 : f32 to vector<4xf32>
    %select_n3A_300 = arith.select %gt3A_291, %div3A_297, %broadcast_in_dim3A_299 : vector<4xi1>, vector<4xf32>
    %sub3A_301 = arith.constant 1.000000e+00 : f32
    %sub3A_302 = vector.broadcast %sub3A_301 : f32 to vector<4xf32>
    %sub3A_303 = arith.subf %sub3A_302, %select_n3A_300 : vector<4xf32>
    %jit3A_304 = arith.constant 0.000000e+00 : f32
    %broadcast_in_dim3A_305 = vector.broadcast %jit3A_304 : f32 to vector<4xf32>
    %select_n3A_306 = arith.select %gt3A_291, %sub3A_303, %broadcast_in_dim3A_305 : vector<4xi1>, vector<4xf32>
    %max3A_307 = arith.constant 0.000000e+00 : f32
    %max3A_308 = vector.broadcast %max3A_307 : f32 to vector<4xf32>
    %max3A_309 = arith.maximumf %select_n3A_306, %max3A_308 : vector<4xf32>
    %add3A_310 = arith.addf %add3A_280, %max3A_309 : vector<4xf32>
    %slice3A_311 = vector.extract_strided_slice %reduce_sum3A_2 {offsets = [0, 56], sizes = [4, 8], strides = [1, 1]} : vector<4x64xf32> to vector<4x8xf32>
    %gt3A_312 = arith.constant 0.000000e+00 : f32
    %gt3A_313 = vector.broadcast %gt3A_312 : f32 to vector<4x8xf32>
    %gt3A_314 = arith.cmpf ogt, %slice3A_311, %gt3A_313 : vector<4x8xf32>
    %convert_element_type3A_315 = arith.extui %gt3A_314 : vector<4x8xi1> to vector<4x8xi32>
    %convert_element_type3A_316 = arith.sitofp %convert_element_type3A_315 : vector<4x8xi32> to vector<4x8xf32>
    %reduce_sum3A_317 = arith.constant dense<0.000000e+00> : vector<4xf32>
    %reduce_sum3A_318 = vector.multi_reduction <add>, %convert_element_type3A_316, %reduce_sum3A_317 [1] : vector<4x8xf32> to vector<4xf32>
    %gt3A_319 = arith.constant 0.000000e+00 : f32
    %gt3A_320 = vector.broadcast %gt3A_319 : f32 to vector<4xf32>
    %gt3A_321 = arith.cmpf ogt, %reduce_sum3A_318, %gt3A_320 : vector<4xf32>
    %reduce_sum3A_322 = arith.constant dense<0.000000e+00> : vector<4xf32>
    %reduce_sum3A_323 = vector.multi_reduction <add>, %slice3A_311, %reduce_sum3A_322 [1] : vector<4x8xf32> to vector<4xf32>
    %max3A_324 = arith.constant 1.000000e+00 : f32
    %max3A_325 = vector.broadcast %max3A_324 : f32 to vector<4xf32>
    %max3A_326 = arith.maximumf %reduce_sum3A_318, %max3A_325 : vector<4xf32>
    %div3A_327 = arith.divf %reduce_sum3A_323, %max3A_326 : vector<4xf32>
    %jit3A_328 = arith.constant 0.000000e+00 : f32
    %broadcast_in_dim3A_329 = vector.broadcast %jit3A_328 : f32 to vector<4xf32>
    %select_n3A_330 = arith.select %gt3A_321, %div3A_327, %broadcast_in_dim3A_329 : vector<4xi1>, vector<4xf32>
    %sub3A_331 = arith.constant 1.000000e+00 : f32
    %sub3A_332 = vector.broadcast %sub3A_331 : f32 to vector<4xf32>
    %sub3A_333 = arith.subf %sub3A_332, %select_n3A_330 : vector<4xf32>
    %jit3A_334 = arith.constant 0.000000e+00 : f32
    %broadcast_in_dim3A_335 = vector.broadcast %jit3A_334 : f32 to vector<4xf32>
    %select_n3A_336 = arith.select %gt3A_321, %sub3A_333, %broadcast_in_dim3A_335 : vector<4xi1>, vector<4xf32>
    %max3A_337 = arith.constant 0.000000e+00 : f32
    %max3A_338 = vector.broadcast %max3A_337 : f32 to vector<4xf32>
    %max3A_339 = arith.maximumf %select_n3A_336, %max3A_338 : vector<4xf32>
    %add3A_340 = arith.addf %add3A_310, %max3A_339 : vector<4xf32>
    %slice3A_341 = vector.extract_strided_slice %dot_general3A_34 {offsets = [0, 0], sizes = [4, 8], strides = [1, 1]} : vector<4x64xf32> to vector<4x8xf32>
    %gt3A_342 = arith.constant 0.000000e+00 : f32
    %gt3A_343 = vector.broadcast %gt3A_342 : f32 to vector<4x8xf32>
    %gt3A_344 = arith.cmpf ogt, %slice3A_341, %gt3A_343 : vector<4x8xf32>
    %convert_element_type3A_345 = arith.extui %gt3A_344 : vector<4x8xi1> to vector<4x8xi32>
    %convert_element_type3A_346 = arith.sitofp %convert_element_type3A_345 : vector<4x8xi32> to vector<4x8xf32>
    %reduce_sum3A_347 = arith.constant dense<0.000000e+00> : vector<4xf32>
    %reduce_sum3A_348 = vector.multi_reduction <add>, %convert_element_type3A_346, %reduce_sum3A_347 [1] : vector<4x8xf32> to vector<4xf32>
    %gt3A_349 = arith.constant 0.000000e+00 : f32
    %gt3A_350 = vector.broadcast %gt3A_349 : f32 to vector<4xf32>
    %gt3A_351 = arith.cmpf ogt, %reduce_sum3A_348, %gt3A_350 : vector<4xf32>
    %reduce_sum3A_352 = arith.constant dense<0.000000e+00> : vector<4xf32>
    %reduce_sum3A_353 = vector.multi_reduction <add>, %slice3A_341, %reduce_sum3A_352 [1] : vector<4x8xf32> to vector<4xf32>
    %max3A_354 = arith.constant 1.000000e+00 : f32
    %max3A_355 = vector.broadcast %max3A_354 : f32 to vector<4xf32>
    %max3A_356 = arith.maximumf %reduce_sum3A_348, %max3A_355 : vector<4xf32>
    %div3A_357 = arith.divf %reduce_sum3A_353, %max3A_356 : vector<4xf32>
    %jit3A_358 = arith.constant 0.000000e+00 : f32
    %broadcast_in_dim3A_359 = vector.broadcast %jit3A_358 : f32 to vector<4xf32>
    %select_n3A_360 = arith.select %gt3A_351, %div3A_357, %broadcast_in_dim3A_359 : vector<4xi1>, vector<4xf32>
    %sub3A_361 = arith.constant 1.000000e+00 : f32
    %sub3A_362 = vector.broadcast %sub3A_361 : f32 to vector<4xf32>
    %sub3A_363 = arith.subf %sub3A_362, %select_n3A_360 : vector<4xf32>
    %jit3A_364 = arith.constant 0.000000e+00 : f32
    %broadcast_in_dim3A_365 = vector.broadcast %jit3A_364 : f32 to vector<4xf32>
    %select_n3A_366 = arith.select %gt3A_351, %sub3A_363, %broadcast_in_dim3A_365 : vector<4xi1>, vector<4xf32>
    %max3A_367 = arith.constant 0.000000e+00 : f32
    %max3A_368 = vector.broadcast %max3A_367 : f32 to vector<4xf32>
    %max3A_369 = arith.maximumf %select_n3A_366, %max3A_368 : vector<4xf32>
    %slice3A_370 = vector.extract_strided_slice %dot_general3A_34 {offsets = [0, 8], sizes = [4, 8], strides = [1, 1]} : vector<4x64xf32> to vector<4x8xf32>
    %gt3A_371 = arith.constant 0.000000e+00 : f32
    %gt3A_372 = vector.broadcast %gt3A_371 : f32 to vector<4x8xf32>
    %gt3A_373 = arith.cmpf ogt, %slice3A_370, %gt3A_372 : vector<4x8xf32>
    %convert_element_type3A_374 = arith.extui %gt3A_373 : vector<4x8xi1> to vector<4x8xi32>
    %convert_element_type3A_375 = arith.sitofp %convert_element_type3A_374 : vector<4x8xi32> to vector<4x8xf32>
    %reduce_sum3A_376 = arith.constant dense<0.000000e+00> : vector<4xf32>
    %reduce_sum3A_377 = vector.multi_reduction <add>, %convert_element_type3A_375, %reduce_sum3A_376 [1] : vector<4x8xf32> to vector<4xf32>
    %gt3A_378 = arith.constant 0.000000e+00 : f32
    %gt3A_379 = vector.broadcast %gt3A_378 : f32 to vector<4xf32>
    %gt3A_380 = arith.cmpf ogt, %reduce_sum3A_377, %gt3A_379 : vector<4xf32>
    %reduce_sum3A_381 = arith.constant dense<0.000000e+00> : vector<4xf32>
    %reduce_sum3A_382 = vector.multi_reduction <add>, %slice3A_370, %reduce_sum3A_381 [1] : vector<4x8xf32> to vector<4xf32>
    %max3A_383 = arith.constant 1.000000e+00 : f32
    %max3A_384 = vector.broadcast %max3A_383 : f32 to vector<4xf32>
    %max3A_385 = arith.maximumf %reduce_sum3A_377, %max3A_384 : vector<4xf32>
    %div3A_386 = arith.divf %reduce_sum3A_382, %max3A_385 : vector<4xf32>
    %jit3A_387 = arith.constant 0.000000e+00 : f32
    %broadcast_in_dim3A_388 = vector.broadcast %jit3A_387 : f32 to vector<4xf32>
    %select_n3A_389 = arith.select %gt3A_380, %div3A_386, %broadcast_in_dim3A_388 : vector<4xi1>, vector<4xf32>
    %sub3A_390 = arith.constant 1.000000e+00 : f32
    %sub3A_391 = vector.broadcast %sub3A_390 : f32 to vector<4xf32>
    %sub3A_392 = arith.subf %sub3A_391, %select_n3A_389 : vector<4xf32>
    %jit3A_393 = arith.constant 0.000000e+00 : f32
    %broadcast_in_dim3A_394 = vector.broadcast %jit3A_393 : f32 to vector<4xf32>
    %select_n3A_395 = arith.select %gt3A_380, %sub3A_392, %broadcast_in_dim3A_394 : vector<4xi1>, vector<4xf32>
    %max3A_396 = arith.constant 0.000000e+00 : f32
    %max3A_397 = vector.broadcast %max3A_396 : f32 to vector<4xf32>
    %max3A_398 = arith.maximumf %select_n3A_395, %max3A_397 : vector<4xf32>
    %add3A_399 = arith.addf %max3A_369, %max3A_398 : vector<4xf32>
    %slice3A_400 = vector.extract_strided_slice %dot_general3A_34 {offsets = [0, 16], sizes = [4, 8], strides = [1, 1]} : vector<4x64xf32> to vector<4x8xf32>
    %gt3A_401 = arith.constant 0.000000e+00 : f32
    %gt3A_402 = vector.broadcast %gt3A_401 : f32 to vector<4x8xf32>
    %gt3A_403 = arith.cmpf ogt, %slice3A_400, %gt3A_402 : vector<4x8xf32>
    %convert_element_type3A_404 = arith.extui %gt3A_403 : vector<4x8xi1> to vector<4x8xi32>
    %convert_element_type3A_405 = arith.sitofp %convert_element_type3A_404 : vector<4x8xi32> to vector<4x8xf32>
    %reduce_sum3A_406 = arith.constant dense<0.000000e+00> : vector<4xf32>
    %reduce_sum3A_407 = vector.multi_reduction <add>, %convert_element_type3A_405, %reduce_sum3A_406 [1] : vector<4x8xf32> to vector<4xf32>
    %gt3A_408 = arith.constant 0.000000e+00 : f32
    %gt3A_409 = vector.broadcast %gt3A_408 : f32 to vector<4xf32>
    %gt3A_410 = arith.cmpf ogt, %reduce_sum3A_407, %gt3A_409 : vector<4xf32>
    %reduce_sum3A_411 = arith.constant dense<0.000000e+00> : vector<4xf32>
    %reduce_sum3A_412 = vector.multi_reduction <add>, %slice3A_400, %reduce_sum3A_411 [1] : vector<4x8xf32> to vector<4xf32>
    %max3A_413 = arith.constant 1.000000e+00 : f32
    %max3A_414 = vector.broadcast %max3A_413 : f32 to vector<4xf32>
    %max3A_415 = arith.maximumf %reduce_sum3A_407, %max3A_414 : vector<4xf32>
    %div3A_416 = arith.divf %reduce_sum3A_412, %max3A_415 : vector<4xf32>
    %jit3A_417 = arith.constant 0.000000e+00 : f32
    %broadcast_in_dim3A_418 = vector.broadcast %jit3A_417 : f32 to vector<4xf32>
    %select_n3A_419 = arith.select %gt3A_410, %div3A_416, %broadcast_in_dim3A_418 : vector<4xi1>, vector<4xf32>
    %sub3A_420 = arith.constant 1.000000e+00 : f32
    %sub3A_421 = vector.broadcast %sub3A_420 : f32 to vector<4xf32>
    %sub3A_422 = arith.subf %sub3A_421, %select_n3A_419 : vector<4xf32>
    %jit3A_423 = arith.constant 0.000000e+00 : f32
    %broadcast_in_dim3A_424 = vector.broadcast %jit3A_423 : f32 to vector<4xf32>
    %select_n3A_425 = arith.select %gt3A_410, %sub3A_422, %broadcast_in_dim3A_424 : vector<4xi1>, vector<4xf32>
    %max3A_426 = arith.constant 0.000000e+00 : f32
    %max3A_427 = vector.broadcast %max3A_426 : f32 to vector<4xf32>
    %max3A_428 = arith.maximumf %select_n3A_425, %max3A_427 : vector<4xf32>
    %add3A_429 = arith.addf %add3A_399, %max3A_428 : vector<4xf32>
    %slice3A_430 = vector.extract_strided_slice %dot_general3A_34 {offsets = [0, 24], sizes = [4, 8], strides = [1, 1]} : vector<4x64xf32> to vector<4x8xf32>
    %gt3A_431 = arith.constant 0.000000e+00 : f32
    %gt3A_432 = vector.broadcast %gt3A_431 : f32 to vector<4x8xf32>
    %gt3A_433 = arith.cmpf ogt, %slice3A_430, %gt3A_432 : vector<4x8xf32>
    %convert_element_type3A_434 = arith.extui %gt3A_433 : vector<4x8xi1> to vector<4x8xi32>
    %convert_element_type3A_435 = arith.sitofp %convert_element_type3A_434 : vector<4x8xi32> to vector<4x8xf32>
    %reduce_sum3A_436 = arith.constant dense<0.000000e+00> : vector<4xf32>
    %reduce_sum3A_437 = vector.multi_reduction <add>, %convert_element_type3A_435, %reduce_sum3A_436 [1] : vector<4x8xf32> to vector<4xf32>
    %gt3A_438 = arith.constant 0.000000e+00 : f32
    %gt3A_439 = vector.broadcast %gt3A_438 : f32 to vector<4xf32>
    %gt3A_440 = arith.cmpf ogt, %reduce_sum3A_437, %gt3A_439 : vector<4xf32>
    %reduce_sum3A_441 = arith.constant dense<0.000000e+00> : vector<4xf32>
    %reduce_sum3A_442 = vector.multi_reduction <add>, %slice3A_430, %reduce_sum3A_441 [1] : vector<4x8xf32> to vector<4xf32>
    %max3A_443 = arith.constant 1.000000e+00 : f32
    %max3A_444 = vector.broadcast %max3A_443 : f32 to vector<4xf32>
    %max3A_445 = arith.maximumf %reduce_sum3A_437, %max3A_444 : vector<4xf32>
    %div3A_446 = arith.divf %reduce_sum3A_442, %max3A_445 : vector<4xf32>
    %jit3A_447 = arith.constant 0.000000e+00 : f32
    %broadcast_in_dim3A_448 = vector.broadcast %jit3A_447 : f32 to vector<4xf32>
    %select_n3A_449 = arith.select %gt3A_440, %div3A_446, %broadcast_in_dim3A_448 : vector<4xi1>, vector<4xf32>
    %sub3A_450 = arith.constant 1.000000e+00 : f32
    %sub3A_451 = vector.broadcast %sub3A_450 : f32 to vector<4xf32>
    %sub3A_452 = arith.subf %sub3A_451, %select_n3A_449 : vector<4xf32>
    %jit3A_453 = arith.constant 0.000000e+00 : f32
    %broadcast_in_dim3A_454 = vector.broadcast %jit3A_453 : f32 to vector<4xf32>
    %select_n3A_455 = arith.select %gt3A_440, %sub3A_452, %broadcast_in_dim3A_454 : vector<4xi1>, vector<4xf32>
    %max3A_456 = arith.constant 0.000000e+00 : f32
    %max3A_457 = vector.broadcast %max3A_456 : f32 to vector<4xf32>
    %max3A_458 = arith.maximumf %select_n3A_455, %max3A_457 : vector<4xf32>
    %add3A_459 = arith.addf %add3A_429, %max3A_458 : vector<4xf32>
    %slice3A_460 = vector.extract_strided_slice %dot_general3A_34 {offsets = [0, 32], sizes = [4, 8], strides = [1, 1]} : vector<4x64xf32> to vector<4x8xf32>
    %gt3A_461 = arith.constant 0.000000e+00 : f32
    %gt3A_462 = vector.broadcast %gt3A_461 : f32 to vector<4x8xf32>
    %gt3A_463 = arith.cmpf ogt, %slice3A_460, %gt3A_462 : vector<4x8xf32>
    %convert_element_type3A_464 = arith.extui %gt3A_463 : vector<4x8xi1> to vector<4x8xi32>
    %convert_element_type3A_465 = arith.sitofp %convert_element_type3A_464 : vector<4x8xi32> to vector<4x8xf32>
    %reduce_sum3A_466 = arith.constant dense<0.000000e+00> : vector<4xf32>
    %reduce_sum3A_467 = vector.multi_reduction <add>, %convert_element_type3A_465, %reduce_sum3A_466 [1] : vector<4x8xf32> to vector<4xf32>
    %gt3A_468 = arith.constant 0.000000e+00 : f32
    %gt3A_469 = vector.broadcast %gt3A_468 : f32 to vector<4xf32>
    %gt3A_470 = arith.cmpf ogt, %reduce_sum3A_467, %gt3A_469 : vector<4xf32>
    %reduce_sum3A_471 = arith.constant dense<0.000000e+00> : vector<4xf32>
    %reduce_sum3A_472 = vector.multi_reduction <add>, %slice3A_460, %reduce_sum3A_471 [1] : vector<4x8xf32> to vector<4xf32>
    %max3A_473 = arith.constant 1.000000e+00 : f32
    %max3A_474 = vector.broadcast %max3A_473 : f32 to vector<4xf32>
    %max3A_475 = arith.maximumf %reduce_sum3A_467, %max3A_474 : vector<4xf32>
    %div3A_476 = arith.divf %reduce_sum3A_472, %max3A_475 : vector<4xf32>
    %jit3A_477 = arith.constant 0.000000e+00 : f32
    %broadcast_in_dim3A_478 = vector.broadcast %jit3A_477 : f32 to vector<4xf32>
    %select_n3A_479 = arith.select %gt3A_470, %div3A_476, %broadcast_in_dim3A_478 : vector<4xi1>, vector<4xf32>
    %sub3A_480 = arith.constant 1.000000e+00 : f32
    %sub3A_481 = vector.broadcast %sub3A_480 : f32 to vector<4xf32>
    %sub3A_482 = arith.subf %sub3A_481, %select_n3A_479 : vector<4xf32>
    %jit3A_483 = arith.constant 0.000000e+00 : f32
    %broadcast_in_dim3A_484 = vector.broadcast %jit3A_483 : f32 to vector<4xf32>
    %select_n3A_485 = arith.select %gt3A_470, %sub3A_482, %broadcast_in_dim3A_484 : vector<4xi1>, vector<4xf32>
    %max3A_486 = arith.constant 0.000000e+00 : f32
    %max3A_487 = vector.broadcast %max3A_486 : f32 to vector<4xf32>
    %max3A_488 = arith.maximumf %select_n3A_485, %max3A_487 : vector<4xf32>
    %add3A_489 = arith.addf %add3A_459, %max3A_488 : vector<4xf32>
    %slice3A_490 = vector.extract_strided_slice %dot_general3A_34 {offsets = [0, 40], sizes = [4, 8], strides = [1, 1]} : vector<4x64xf32> to vector<4x8xf32>
    %gt3A_491 = arith.constant 0.000000e+00 : f32
    %gt3A_492 = vector.broadcast %gt3A_491 : f32 to vector<4x8xf32>
    %gt3A_493 = arith.cmpf ogt, %slice3A_490, %gt3A_492 : vector<4x8xf32>
    %convert_element_type3A_494 = arith.extui %gt3A_493 : vector<4x8xi1> to vector<4x8xi32>
    %convert_element_type3A_495 = arith.sitofp %convert_element_type3A_494 : vector<4x8xi32> to vector<4x8xf32>
    %reduce_sum3A_496 = arith.constant dense<0.000000e+00> : vector<4xf32>
    %reduce_sum3A_497 = vector.multi_reduction <add>, %convert_element_type3A_495, %reduce_sum3A_496 [1] : vector<4x8xf32> to vector<4xf32>
    %gt3A_498 = arith.constant 0.000000e+00 : f32
    %gt3A_499 = vector.broadcast %gt3A_498 : f32 to vector<4xf32>
    %gt3A_500 = arith.cmpf ogt, %reduce_sum3A_497, %gt3A_499 : vector<4xf32>
    %reduce_sum3A_501 = arith.constant dense<0.000000e+00> : vector<4xf32>
    %reduce_sum3A_502 = vector.multi_reduction <add>, %slice3A_490, %reduce_sum3A_501 [1] : vector<4x8xf32> to vector<4xf32>
    %max3A_503 = arith.constant 1.000000e+00 : f32
    %max3A_504 = vector.broadcast %max3A_503 : f32 to vector<4xf32>
    %max3A_505 = arith.maximumf %reduce_sum3A_497, %max3A_504 : vector<4xf32>
    %div3A_506 = arith.divf %reduce_sum3A_502, %max3A_505 : vector<4xf32>
    %jit3A_507 = arith.constant 0.000000e+00 : f32
    %broadcast_in_dim3A_508 = vector.broadcast %jit3A_507 : f32 to vector<4xf32>
    %select_n3A_509 = arith.select %gt3A_500, %div3A_506, %broadcast_in_dim3A_508 : vector<4xi1>, vector<4xf32>
    %sub3A_510 = arith.constant 1.000000e+00 : f32
    %sub3A_511 = vector.broadcast %sub3A_510 : f32 to vector<4xf32>
    %sub3A_512 = arith.subf %sub3A_511, %select_n3A_509 : vector<4xf32>
    %jit3A_513 = arith.constant 0.000000e+00 : f32
    %broadcast_in_dim3A_514 = vector.broadcast %jit3A_513 : f32 to vector<4xf32>
    %select_n3A_515 = arith.select %gt3A_500, %sub3A_512, %broadcast_in_dim3A_514 : vector<4xi1>, vector<4xf32>
    %max3A_516 = arith.constant 0.000000e+00 : f32
    %max3A_517 = vector.broadcast %max3A_516 : f32 to vector<4xf32>
    %max3A_518 = arith.maximumf %select_n3A_515, %max3A_517 : vector<4xf32>
    %add3A_519 = arith.addf %add3A_489, %max3A_518 : vector<4xf32>
    %slice3A_520 = vector.extract_strided_slice %dot_general3A_34 {offsets = [0, 48], sizes = [4, 8], strides = [1, 1]} : vector<4x64xf32> to vector<4x8xf32>
    %gt3A_521 = arith.constant 0.000000e+00 : f32
    %gt3A_522 = vector.broadcast %gt3A_521 : f32 to vector<4x8xf32>
    %gt3A_523 = arith.cmpf ogt, %slice3A_520, %gt3A_522 : vector<4x8xf32>
    %convert_element_type3A_524 = arith.extui %gt3A_523 : vector<4x8xi1> to vector<4x8xi32>
    %convert_element_type3A_525 = arith.sitofp %convert_element_type3A_524 : vector<4x8xi32> to vector<4x8xf32>
    %reduce_sum3A_526 = arith.constant dense<0.000000e+00> : vector<4xf32>
    %reduce_sum3A_527 = vector.multi_reduction <add>, %convert_element_type3A_525, %reduce_sum3A_526 [1] : vector<4x8xf32> to vector<4xf32>
    %gt3A_528 = arith.constant 0.000000e+00 : f32
    %gt3A_529 = vector.broadcast %gt3A_528 : f32 to vector<4xf32>
    %gt3A_530 = arith.cmpf ogt, %reduce_sum3A_527, %gt3A_529 : vector<4xf32>
    %reduce_sum3A_531 = arith.constant dense<0.000000e+00> : vector<4xf32>
    %reduce_sum3A_532 = vector.multi_reduction <add>, %slice3A_520, %reduce_sum3A_531 [1] : vector<4x8xf32> to vector<4xf32>
    %max3A_533 = arith.constant 1.000000e+00 : f32
    %max3A_534 = vector.broadcast %max3A_533 : f32 to vector<4xf32>
    %max3A_535 = arith.maximumf %reduce_sum3A_527, %max3A_534 : vector<4xf32>
    %div3A_536 = arith.divf %reduce_sum3A_532, %max3A_535 : vector<4xf32>
    %jit3A_537 = arith.constant 0.000000e+00 : f32
    %broadcast_in_dim3A_538 = vector.broadcast %jit3A_537 : f32 to vector<4xf32>
    %select_n3A_539 = arith.select %gt3A_530, %div3A_536, %broadcast_in_dim3A_538 : vector<4xi1>, vector<4xf32>
    %sub3A_540 = arith.constant 1.000000e+00 : f32
    %sub3A_541 = vector.broadcast %sub3A_540 : f32 to vector<4xf32>
    %sub3A_542 = arith.subf %sub3A_541, %select_n3A_539 : vector<4xf32>
    %jit3A_543 = arith.constant 0.000000e+00 : f32
    %broadcast_in_dim3A_544 = vector.broadcast %jit3A_543 : f32 to vector<4xf32>
    %select_n3A_545 = arith.select %gt3A_530, %sub3A_542, %broadcast_in_dim3A_544 : vector<4xi1>, vector<4xf32>
    %max3A_546 = arith.constant 0.000000e+00 : f32
    %max3A_547 = vector.broadcast %max3A_546 : f32 to vector<4xf32>
    %max3A_548 = arith.maximumf %select_n3A_545, %max3A_547 : vector<4xf32>
    %add3A_549 = arith.addf %add3A_519, %max3A_548 : vector<4xf32>
    %slice3A_550 = vector.extract_strided_slice %dot_general3A_34 {offsets = [0, 56], sizes = [4, 8], strides = [1, 1]} : vector<4x64xf32> to vector<4x8xf32>
    %gt3A_551 = arith.constant 0.000000e+00 : f32
    %gt3A_552 = vector.broadcast %gt3A_551 : f32 to vector<4x8xf32>
    %gt3A_553 = arith.cmpf ogt, %slice3A_550, %gt3A_552 : vector<4x8xf32>
    %convert_element_type3A_554 = arith.extui %gt3A_553 : vector<4x8xi1> to vector<4x8xi32>
    %convert_element_type3A_555 = arith.sitofp %convert_element_type3A_554 : vector<4x8xi32> to vector<4x8xf32>
    %reduce_sum3A_556 = arith.constant dense<0.000000e+00> : vector<4xf32>
    %reduce_sum3A_557 = vector.multi_reduction <add>, %convert_element_type3A_555, %reduce_sum3A_556 [1] : vector<4x8xf32> to vector<4xf32>
    %gt3A_558 = arith.constant 0.000000e+00 : f32
    %gt3A_559 = vector.broadcast %gt3A_558 : f32 to vector<4xf32>
    %gt3A_560 = arith.cmpf ogt, %reduce_sum3A_557, %gt3A_559 : vector<4xf32>
    %reduce_sum3A_561 = arith.constant dense<0.000000e+00> : vector<4xf32>
    %reduce_sum3A_562 = vector.multi_reduction <add>, %slice3A_550, %reduce_sum3A_561 [1] : vector<4x8xf32> to vector<4xf32>
    %max3A_563 = arith.constant 1.000000e+00 : f32
    %max3A_564 = vector.broadcast %max3A_563 : f32 to vector<4xf32>
    %max3A_565 = arith.maximumf %reduce_sum3A_557, %max3A_564 : vector<4xf32>
    %div3A_566 = arith.divf %reduce_sum3A_562, %max3A_565 : vector<4xf32>
    %jit3A_567 = arith.constant 0.000000e+00 : f32
    %broadcast_in_dim3A_568 = vector.broadcast %jit3A_567 : f32 to vector<4xf32>
    %select_n3A_569 = arith.select %gt3A_560, %div3A_566, %broadcast_in_dim3A_568 : vector<4xi1>, vector<4xf32>
    %sub3A_570 = arith.constant 1.000000e+00 : f32
    %sub3A_571 = vector.broadcast %sub3A_570 : f32 to vector<4xf32>
    %sub3A_572 = arith.subf %sub3A_571, %select_n3A_569 : vector<4xf32>
    %jit3A_573 = arith.constant 0.000000e+00 : f32
    %broadcast_in_dim3A_574 = vector.broadcast %jit3A_573 : f32 to vector<4xf32>
    %select_n3A_575 = arith.select %gt3A_560, %sub3A_572, %broadcast_in_dim3A_574 : vector<4xi1>, vector<4xf32>
    %max3A_576 = arith.constant 0.000000e+00 : f32
    %max3A_577 = vector.broadcast %max3A_576 : f32 to vector<4xf32>
    %max3A_578 = arith.maximumf %select_n3A_575, %max3A_577 : vector<4xf32>
    %add3A_579 = arith.addf %add3A_549, %max3A_578 : vector<4xf32>
    %add3A_580 = arith.addf %add3A_340, %add3A_579 : vector<4xf32>
    %add3A_581 = arith.addf %add3A_580, %reduce_sum3A_103 : vector<4xf32>
    %mul3A = arith.constant 8.000000e+00 : f32
    %mul3A_582 = vector.broadcast %mul3A : f32 to vector<4xf32>
    %mul3A_583 = arith.mulf %add3A_581, %mul3A_582 : vector<4xf32>
    %get3A_584 = arith.constant 0 : index
    %get3A_585 = arith.constant 0 : index
    %get3A_586 = arith.constant 0 : index
    %get3A_587 = vector.load %arg3[%get3A_584, %get3A_585, %get3A_586] : memref<5x4x64xf32, #tpu.memory_space<vmem>>, vector<5x4x64xf32>
    %reshape3A_588 = vector.shape_cast %get3A_587 : vector<5x4x64xf32> to vector<20x64xf32>
    %get3A_589 = arith.constant 0 : index
    %get3A_590 = arith.constant 0 : index
    %get3A_591 = arith.constant 0 : index
    %get3A_592 = vector.load %arg4[%get3A_589, %get3A_590, %get3A_591] : memref<5x4x64xf32, #tpu.memory_space<vmem>>, vector<5x4x64xf32>
    %reshape3A_593 = vector.shape_cast %get3A_592 : vector<5x4x64xf32> to vector<20x64xf32>
    %get3A_594 = arith.constant 0 : index
    %get3A_595 = arith.constant 0 : index
    %get3A_596 = arith.constant 0 : index
    %get3A_597 = vector.load %arg5[%get3A_594, %get3A_595, %get3A_596] : memref<5x4x64xf32, #tpu.memory_space<vmem>>, vector<5x4x64xf32>
    %reshape3A_598 = vector.shape_cast %get3A_597 : vector<5x4x64xf32> to vector<20x64xf32>
    %slice3A_599 = vector.extract_strided_slice %reshape3A_588 {offsets = [0, 0], sizes = [20, 8], strides = [1, 1]} : vector<20x64xf32> to vector<20x8xf32>
    %gt3A_600 = arith.constant 0.000000e+00 : f32
    %gt3A_601 = vector.broadcast %gt3A_600 : f32 to vector<20x8xf32>
    %gt3A_602 = arith.cmpf ogt, %slice3A_599, %gt3A_601 : vector<20x8xf32>
    %convert_element_type3A_603 = arith.extui %gt3A_602 : vector<20x8xi1> to vector<20x8xi32>
    %convert_element_type3A_604 = arith.sitofp %convert_element_type3A_603 : vector<20x8xi32> to vector<20x8xf32>
    %reduce_sum3A_605 = arith.constant dense<0.000000e+00> : vector<20xf32>
    %reduce_sum3A_606 = vector.multi_reduction <add>, %convert_element_type3A_604, %reduce_sum3A_605 [1] : vector<20x8xf32> to vector<20xf32>
    %gt3A_607 = arith.constant 0.000000e+00 : f32
    %gt3A_608 = vector.broadcast %gt3A_607 : f32 to vector<20xf32>
    %gt3A_609 = arith.cmpf ogt, %reduce_sum3A_606, %gt3A_608 : vector<20xf32>
    %reduce_sum3A_610 = arith.constant dense<0.000000e+00> : vector<20xf32>
    %reduce_sum3A_611 = vector.multi_reduction <add>, %slice3A_599, %reduce_sum3A_610 [1] : vector<20x8xf32> to vector<20xf32>
    %max3A_612 = arith.constant 1.000000e+00 : f32
    %max3A_613 = vector.broadcast %max3A_612 : f32 to vector<20xf32>
    %max3A_614 = arith.maximumf %reduce_sum3A_606, %max3A_613 : vector<20xf32>
    %div3A_615 = arith.divf %reduce_sum3A_611, %max3A_614 : vector<20xf32>
    %jit3A_616 = arith.constant 0.000000e+00 : f32
    %broadcast_in_dim3A_617 = vector.broadcast %jit3A_616 : f32 to vector<20xf32>
    %select_n3A_618 = arith.select %gt3A_609, %div3A_615, %broadcast_in_dim3A_617 : vector<20xi1>, vector<20xf32>
    %sub3A_619 = arith.constant 1.000000e+00 : f32
    %sub3A_620 = vector.broadcast %sub3A_619 : f32 to vector<20xf32>
    %sub3A_621 = arith.subf %sub3A_620, %select_n3A_618 : vector<20xf32>
    %jit3A_622 = arith.constant 0.000000e+00 : f32
    %broadcast_in_dim3A_623 = vector.broadcast %jit3A_622 : f32 to vector<20xf32>
    %select_n3A_624 = arith.select %gt3A_609, %sub3A_621, %broadcast_in_dim3A_623 : vector<20xi1>, vector<20xf32>
    %max3A_625 = arith.constant 0.000000e+00 : f32
    %max3A_626 = vector.broadcast %max3A_625 : f32 to vector<20xf32>
    %max3A_627 = arith.maximumf %select_n3A_624, %max3A_626 : vector<20xf32>
    %slice3A_628 = vector.extract_strided_slice %reshape3A_588 {offsets = [0, 8], sizes = [20, 8], strides = [1, 1]} : vector<20x64xf32> to vector<20x8xf32>
    %gt3A_629 = arith.constant 0.000000e+00 : f32
    %gt3A_630 = vector.broadcast %gt3A_629 : f32 to vector<20x8xf32>
    %gt3A_631 = arith.cmpf ogt, %slice3A_628, %gt3A_630 : vector<20x8xf32>
    %convert_element_type3A_632 = arith.extui %gt3A_631 : vector<20x8xi1> to vector<20x8xi32>
    %convert_element_type3A_633 = arith.sitofp %convert_element_type3A_632 : vector<20x8xi32> to vector<20x8xf32>
    %reduce_sum3A_634 = arith.constant dense<0.000000e+00> : vector<20xf32>
    %reduce_sum3A_635 = vector.multi_reduction <add>, %convert_element_type3A_633, %reduce_sum3A_634 [1] : vector<20x8xf32> to vector<20xf32>
    %gt3A_636 = arith.constant 0.000000e+00 : f32
    %gt3A_637 = vector.broadcast %gt3A_636 : f32 to vector<20xf32>
    %gt3A_638 = arith.cmpf ogt, %reduce_sum3A_635, %gt3A_637 : vector<20xf32>
    %reduce_sum3A_639 = arith.constant dense<0.000000e+00> : vector<20xf32>
    %reduce_sum3A_640 = vector.multi_reduction <add>, %slice3A_628, %reduce_sum3A_639 [1] : vector<20x8xf32> to vector<20xf32>
    %max3A_641 = arith.constant 1.000000e+00 : f32
    %max3A_642 = vector.broadcast %max3A_641 : f32 to vector<20xf32>
    %max3A_643 = arith.maximumf %reduce_sum3A_635, %max3A_642 : vector<20xf32>
    %div3A_644 = arith.divf %reduce_sum3A_640, %max3A_643 : vector<20xf32>
    %jit3A_645 = arith.constant 0.000000e+00 : f32
    %broadcast_in_dim3A_646 = vector.broadcast %jit3A_645 : f32 to vector<20xf32>
    %select_n3A_647 = arith.select %gt3A_638, %div3A_644, %broadcast_in_dim3A_646 : vector<20xi1>, vector<20xf32>
    %sub3A_648 = arith.constant 1.000000e+00 : f32
    %sub3A_649 = vector.broadcast %sub3A_648 : f32 to vector<20xf32>
    %sub3A_650 = arith.subf %sub3A_649, %select_n3A_647 : vector<20xf32>
    %jit3A_651 = arith.constant 0.000000e+00 : f32
    %broadcast_in_dim3A_652 = vector.broadcast %jit3A_651 : f32 to vector<20xf32>
    %select_n3A_653 = arith.select %gt3A_638, %sub3A_650, %broadcast_in_dim3A_652 : vector<20xi1>, vector<20xf32>
    %max3A_654 = arith.constant 0.000000e+00 : f32
    %max3A_655 = vector.broadcast %max3A_654 : f32 to vector<20xf32>
    %max3A_656 = arith.maximumf %select_n3A_653, %max3A_655 : vector<20xf32>
    %add3A_657 = arith.addf %max3A_627, %max3A_656 : vector<20xf32>
    %slice3A_658 = vector.extract_strided_slice %reshape3A_588 {offsets = [0, 16], sizes = [20, 8], strides = [1, 1]} : vector<20x64xf32> to vector<20x8xf32>
    %gt3A_659 = arith.constant 0.000000e+00 : f32
    %gt3A_660 = vector.broadcast %gt3A_659 : f32 to vector<20x8xf32>
    %gt3A_661 = arith.cmpf ogt, %slice3A_658, %gt3A_660 : vector<20x8xf32>
    %convert_element_type3A_662 = arith.extui %gt3A_661 : vector<20x8xi1> to vector<20x8xi32>
    %convert_element_type3A_663 = arith.sitofp %convert_element_type3A_662 : vector<20x8xi32> to vector<20x8xf32>
    %reduce_sum3A_664 = arith.constant dense<0.000000e+00> : vector<20xf32>
    %reduce_sum3A_665 = vector.multi_reduction <add>, %convert_element_type3A_663, %reduce_sum3A_664 [1] : vector<20x8xf32> to vector<20xf32>
    %gt3A_666 = arith.constant 0.000000e+00 : f32
    %gt3A_667 = vector.broadcast %gt3A_666 : f32 to vector<20xf32>
    %gt3A_668 = arith.cmpf ogt, %reduce_sum3A_665, %gt3A_667 : vector<20xf32>
    %reduce_sum3A_669 = arith.constant dense<0.000000e+00> : vector<20xf32>
    %reduce_sum3A_670 = vector.multi_reduction <add>, %slice3A_658, %reduce_sum3A_669 [1] : vector<20x8xf32> to vector<20xf32>
    %max3A_671 = arith.constant 1.000000e+00 : f32
    %max3A_672 = vector.broadcast %max3A_671 : f32 to vector<20xf32>
    %max3A_673 = arith.maximumf %reduce_sum3A_665, %max3A_672 : vector<20xf32>
    %div3A_674 = arith.divf %reduce_sum3A_670, %max3A_673 : vector<20xf32>
    %jit3A_675 = arith.constant 0.000000e+00 : f32
    %broadcast_in_dim3A_676 = vector.broadcast %jit3A_675 : f32 to vector<20xf32>
    %select_n3A_677 = arith.select %gt3A_668, %div3A_674, %broadcast_in_dim3A_676 : vector<20xi1>, vector<20xf32>
    %sub3A_678 = arith.constant 1.000000e+00 : f32
    %sub3A_679 = vector.broadcast %sub3A_678 : f32 to vector<20xf32>
    %sub3A_680 = arith.subf %sub3A_679, %select_n3A_677 : vector<20xf32>
    %jit3A_681 = arith.constant 0.000000e+00 : f32
    %broadcast_in_dim3A_682 = vector.broadcast %jit3A_681 : f32 to vector<20xf32>
    %select_n3A_683 = arith.select %gt3A_668, %sub3A_680, %broadcast_in_dim3A_682 : vector<20xi1>, vector<20xf32>
    %max3A_684 = arith.constant 0.000000e+00 : f32
    %max3A_685 = vector.broadcast %max3A_684 : f32 to vector<20xf32>
    %max3A_686 = arith.maximumf %select_n3A_683, %max3A_685 : vector<20xf32>
    %add3A_687 = arith.addf %add3A_657, %max3A_686 : vector<20xf32>
    %slice3A_688 = vector.extract_strided_slice %reshape3A_588 {offsets = [0, 24], sizes = [20, 8], strides = [1, 1]} : vector<20x64xf32> to vector<20x8xf32>
    %gt3A_689 = arith.constant 0.000000e+00 : f32
    %gt3A_690 = vector.broadcast %gt3A_689 : f32 to vector<20x8xf32>
    %gt3A_691 = arith.cmpf ogt, %slice3A_688, %gt3A_690 : vector<20x8xf32>
    %convert_element_type3A_692 = arith.extui %gt3A_691 : vector<20x8xi1> to vector<20x8xi32>
    %convert_element_type3A_693 = arith.sitofp %convert_element_type3A_692 : vector<20x8xi32> to vector<20x8xf32>
    %reduce_sum3A_694 = arith.constant dense<0.000000e+00> : vector<20xf32>
    %reduce_sum3A_695 = vector.multi_reduction <add>, %convert_element_type3A_693, %reduce_sum3A_694 [1] : vector<20x8xf32> to vector<20xf32>
    %gt3A_696 = arith.constant 0.000000e+00 : f32
    %gt3A_697 = vector.broadcast %gt3A_696 : f32 to vector<20xf32>
    %gt3A_698 = arith.cmpf ogt, %reduce_sum3A_695, %gt3A_697 : vector<20xf32>
    %reduce_sum3A_699 = arith.constant dense<0.000000e+00> : vector<20xf32>
    %reduce_sum3A_700 = vector.multi_reduction <add>, %slice3A_688, %reduce_sum3A_699 [1] : vector<20x8xf32> to vector<20xf32>
    %max3A_701 = arith.constant 1.000000e+00 : f32
    %max3A_702 = vector.broadcast %max3A_701 : f32 to vector<20xf32>
    %max3A_703 = arith.maximumf %reduce_sum3A_695, %max3A_702 : vector<20xf32>
    %div3A_704 = arith.divf %reduce_sum3A_700, %max3A_703 : vector<20xf32>
    %jit3A_705 = arith.constant 0.000000e+00 : f32
    %broadcast_in_dim3A_706 = vector.broadcast %jit3A_705 : f32 to vector<20xf32>
    %select_n3A_707 = arith.select %gt3A_698, %div3A_704, %broadcast_in_dim3A_706 : vector<20xi1>, vector<20xf32>
    %sub3A_708 = arith.constant 1.000000e+00 : f32
    %sub3A_709 = vector.broadcast %sub3A_708 : f32 to vector<20xf32>
    %sub3A_710 = arith.subf %sub3A_709, %select_n3A_707 : vector<20xf32>
    %jit3A_711 = arith.constant 0.000000e+00 : f32
    %broadcast_in_dim3A_712 = vector.broadcast %jit3A_711 : f32 to vector<20xf32>
    %select_n3A_713 = arith.select %gt3A_698, %sub3A_710, %broadcast_in_dim3A_712 : vector<20xi1>, vector<20xf32>
    %max3A_714 = arith.constant 0.000000e+00 : f32
    %max3A_715 = vector.broadcast %max3A_714 : f32 to vector<20xf32>
    %max3A_716 = arith.maximumf %select_n3A_713, %max3A_715 : vector<20xf32>
    %add3A_717 = arith.addf %add3A_687, %max3A_716 : vector<20xf32>
    %slice3A_718 = vector.extract_strided_slice %reshape3A_588 {offsets = [0, 32], sizes = [20, 8], strides = [1, 1]} : vector<20x64xf32> to vector<20x8xf32>
    %gt3A_719 = arith.constant 0.000000e+00 : f32
    %gt3A_720 = vector.broadcast %gt3A_719 : f32 to vector<20x8xf32>
    %gt3A_721 = arith.cmpf ogt, %slice3A_718, %gt3A_720 : vector<20x8xf32>
    %convert_element_type3A_722 = arith.extui %gt3A_721 : vector<20x8xi1> to vector<20x8xi32>
    %convert_element_type3A_723 = arith.sitofp %convert_element_type3A_722 : vector<20x8xi32> to vector<20x8xf32>
    %reduce_sum3A_724 = arith.constant dense<0.000000e+00> : vector<20xf32>
    %reduce_sum3A_725 = vector.multi_reduction <add>, %convert_element_type3A_723, %reduce_sum3A_724 [1] : vector<20x8xf32> to vector<20xf32>
    %gt3A_726 = arith.constant 0.000000e+00 : f32
    %gt3A_727 = vector.broadcast %gt3A_726 : f32 to vector<20xf32>
    %gt3A_728 = arith.cmpf ogt, %reduce_sum3A_725, %gt3A_727 : vector<20xf32>
    %reduce_sum3A_729 = arith.constant dense<0.000000e+00> : vector<20xf32>
    %reduce_sum3A_730 = vector.multi_reduction <add>, %slice3A_718, %reduce_sum3A_729 [1] : vector<20x8xf32> to vector<20xf32>
    %max3A_731 = arith.constant 1.000000e+00 : f32
    %max3A_732 = vector.broadcast %max3A_731 : f32 to vector<20xf32>
    %max3A_733 = arith.maximumf %reduce_sum3A_725, %max3A_732 : vector<20xf32>
    %div3A_734 = arith.divf %reduce_sum3A_730, %max3A_733 : vector<20xf32>
    %jit3A_735 = arith.constant 0.000000e+00 : f32
    %broadcast_in_dim3A_736 = vector.broadcast %jit3A_735 : f32 to vector<20xf32>
    %select_n3A_737 = arith.select %gt3A_728, %div3A_734, %broadcast_in_dim3A_736 : vector<20xi1>, vector<20xf32>
    %sub3A_738 = arith.constant 1.000000e+00 : f32
    %sub3A_739 = vector.broadcast %sub3A_738 : f32 to vector<20xf32>
    %sub3A_740 = arith.subf %sub3A_739, %select_n3A_737 : vector<20xf32>
    %jit3A_741 = arith.constant 0.000000e+00 : f32
    %broadcast_in_dim3A_742 = vector.broadcast %jit3A_741 : f32 to vector<20xf32>
    %select_n3A_743 = arith.select %gt3A_728, %sub3A_740, %broadcast_in_dim3A_742 : vector<20xi1>, vector<20xf32>
    %max3A_744 = arith.constant 0.000000e+00 : f32
    %max3A_745 = vector.broadcast %max3A_744 : f32 to vector<20xf32>
    %max3A_746 = arith.maximumf %select_n3A_743, %max3A_745 : vector<20xf32>
    %add3A_747 = arith.addf %add3A_717, %max3A_746 : vector<20xf32>
    %slice3A_748 = vector.extract_strided_slice %reshape3A_588 {offsets = [0, 40], sizes = [20, 8], strides = [1, 1]} : vector<20x64xf32> to vector<20x8xf32>
    %gt3A_749 = arith.constant 0.000000e+00 : f32
    %gt3A_750 = vector.broadcast %gt3A_749 : f32 to vector<20x8xf32>
    %gt3A_751 = arith.cmpf ogt, %slice3A_748, %gt3A_750 : vector<20x8xf32>
    %convert_element_type3A_752 = arith.extui %gt3A_751 : vector<20x8xi1> to vector<20x8xi32>
    %convert_element_type3A_753 = arith.sitofp %convert_element_type3A_752 : vector<20x8xi32> to vector<20x8xf32>
    %reduce_sum3A_754 = arith.constant dense<0.000000e+00> : vector<20xf32>
    %reduce_sum3A_755 = vector.multi_reduction <add>, %convert_element_type3A_753, %reduce_sum3A_754 [1] : vector<20x8xf32> to vector<20xf32>
    %gt3A_756 = arith.constant 0.000000e+00 : f32
    %gt3A_757 = vector.broadcast %gt3A_756 : f32 to vector<20xf32>
    %gt3A_758 = arith.cmpf ogt, %reduce_sum3A_755, %gt3A_757 : vector<20xf32>
    %reduce_sum3A_759 = arith.constant dense<0.000000e+00> : vector<20xf32>
    %reduce_sum3A_760 = vector.multi_reduction <add>, %slice3A_748, %reduce_sum3A_759 [1] : vector<20x8xf32> to vector<20xf32>
    %max3A_761 = arith.constant 1.000000e+00 : f32
    %max3A_762 = vector.broadcast %max3A_761 : f32 to vector<20xf32>
    %max3A_763 = arith.maximumf %reduce_sum3A_755, %max3A_762 : vector<20xf32>
    %div3A_764 = arith.divf %reduce_sum3A_760, %max3A_763 : vector<20xf32>
    %jit3A_765 = arith.constant 0.000000e+00 : f32
    %broadcast_in_dim3A_766 = vector.broadcast %jit3A_765 : f32 to vector<20xf32>
    %select_n3A_767 = arith.select %gt3A_758, %div3A_764, %broadcast_in_dim3A_766 : vector<20xi1>, vector<20xf32>
    %sub3A_768 = arith.constant 1.000000e+00 : f32
    %sub3A_769 = vector.broadcast %sub3A_768 : f32 to vector<20xf32>
    %sub3A_770 = arith.subf %sub3A_769, %select_n3A_767 : vector<20xf32>
    %jit3A_771 = arith.constant 0.000000e+00 : f32
    %broadcast_in_dim3A_772 = vector.broadcast %jit3A_771 : f32 to vector<20xf32>
    %select_n3A_773 = arith.select %gt3A_758, %sub3A_770, %broadcast_in_dim3A_772 : vector<20xi1>, vector<20xf32>
    %max3A_774 = arith.constant 0.000000e+00 : f32
    %max3A_775 = vector.broadcast %max3A_774 : f32 to vector<20xf32>
    %max3A_776 = arith.maximumf %select_n3A_773, %max3A_775 : vector<20xf32>
    %add3A_777 = arith.addf %add3A_747, %max3A_776 : vector<20xf32>
    %slice3A_778 = vector.extract_strided_slice %reshape3A_588 {offsets = [0, 48], sizes = [20, 8], strides = [1, 1]} : vector<20x64xf32> to vector<20x8xf32>
    %gt3A_779 = arith.constant 0.000000e+00 : f32
    %gt3A_780 = vector.broadcast %gt3A_779 : f32 to vector<20x8xf32>
    %gt3A_781 = arith.cmpf ogt, %slice3A_778, %gt3A_780 : vector<20x8xf32>
    %convert_element_type3A_782 = arith.extui %gt3A_781 : vector<20x8xi1> to vector<20x8xi32>
    %convert_element_type3A_783 = arith.sitofp %convert_element_type3A_782 : vector<20x8xi32> to vector<20x8xf32>
    %reduce_sum3A_784 = arith.constant dense<0.000000e+00> : vector<20xf32>
    %reduce_sum3A_785 = vector.multi_reduction <add>, %convert_element_type3A_783, %reduce_sum3A_784 [1] : vector<20x8xf32> to vector<20xf32>
    %gt3A_786 = arith.constant 0.000000e+00 : f32
    %gt3A_787 = vector.broadcast %gt3A_786 : f32 to vector<20xf32>
    %gt3A_788 = arith.cmpf ogt, %reduce_sum3A_785, %gt3A_787 : vector<20xf32>
    %reduce_sum3A_789 = arith.constant dense<0.000000e+00> : vector<20xf32>
    %reduce_sum3A_790 = vector.multi_reduction <add>, %slice3A_778, %reduce_sum3A_789 [1] : vector<20x8xf32> to vector<20xf32>
    %max3A_791 = arith.constant 1.000000e+00 : f32
    %max3A_792 = vector.broadcast %max3A_791 : f32 to vector<20xf32>
    %max3A_793 = arith.maximumf %reduce_sum3A_785, %max3A_792 : vector<20xf32>
    %div3A_794 = arith.divf %reduce_sum3A_790, %max3A_793 : vector<20xf32>
    %jit3A_795 = arith.constant 0.000000e+00 : f32
    %broadcast_in_dim3A_796 = vector.broadcast %jit3A_795 : f32 to vector<20xf32>
    %select_n3A_797 = arith.select %gt3A_788, %div3A_794, %broadcast_in_dim3A_796 : vector<20xi1>, vector<20xf32>
    %sub3A_798 = arith.constant 1.000000e+00 : f32
    %sub3A_799 = vector.broadcast %sub3A_798 : f32 to vector<20xf32>
    %sub3A_800 = arith.subf %sub3A_799, %select_n3A_797 : vector<20xf32>
    %jit3A_801 = arith.constant 0.000000e+00 : f32
    %broadcast_in_dim3A_802 = vector.broadcast %jit3A_801 : f32 to vector<20xf32>
    %select_n3A_803 = arith.select %gt3A_788, %sub3A_800, %broadcast_in_dim3A_802 : vector<20xi1>, vector<20xf32>
    %max3A_804 = arith.constant 0.000000e+00 : f32
    %max3A_805 = vector.broadcast %max3A_804 : f32 to vector<20xf32>
    %max3A_806 = arith.maximumf %select_n3A_803, %max3A_805 : vector<20xf32>
    %add3A_807 = arith.addf %add3A_777, %max3A_806 : vector<20xf32>
    %slice3A_808 = vector.extract_strided_slice %reshape3A_588 {offsets = [0, 56], sizes = [20, 8], strides = [1, 1]} : vector<20x64xf32> to vector<20x8xf32>
    %gt3A_809 = arith.constant 0.000000e+00 : f32
    %gt3A_810 = vector.broadcast %gt3A_809 : f32 to vector<20x8xf32>
    %gt3A_811 = arith.cmpf ogt, %slice3A_808, %gt3A_810 : vector<20x8xf32>
    %convert_element_type3A_812 = arith.extui %gt3A_811 : vector<20x8xi1> to vector<20x8xi32>
    %convert_element_type3A_813 = arith.sitofp %convert_element_type3A_812 : vector<20x8xi32> to vector<20x8xf32>
    %reduce_sum3A_814 = arith.constant dense<0.000000e+00> : vector<20xf32>
    %reduce_sum3A_815 = vector.multi_reduction <add>, %convert_element_type3A_813, %reduce_sum3A_814 [1] : vector<20x8xf32> to vector<20xf32>
    %gt3A_816 = arith.constant 0.000000e+00 : f32
    %gt3A_817 = vector.broadcast %gt3A_816 : f32 to vector<20xf32>
    %gt3A_818 = arith.cmpf ogt, %reduce_sum3A_815, %gt3A_817 : vector<20xf32>
    %reduce_sum3A_819 = arith.constant dense<0.000000e+00> : vector<20xf32>
    %reduce_sum3A_820 = vector.multi_reduction <add>, %slice3A_808, %reduce_sum3A_819 [1] : vector<20x8xf32> to vector<20xf32>
    %max3A_821 = arith.constant 1.000000e+00 : f32
    %max3A_822 = vector.broadcast %max3A_821 : f32 to vector<20xf32>
    %max3A_823 = arith.maximumf %reduce_sum3A_815, %max3A_822 : vector<20xf32>
    %div3A_824 = arith.divf %reduce_sum3A_820, %max3A_823 : vector<20xf32>
    %jit3A_825 = arith.constant 0.000000e+00 : f32
    %broadcast_in_dim3A_826 = vector.broadcast %jit3A_825 : f32 to vector<20xf32>
    %select_n3A_827 = arith.select %gt3A_818, %div3A_824, %broadcast_in_dim3A_826 : vector<20xi1>, vector<20xf32>
    %sub3A_828 = arith.constant 1.000000e+00 : f32
    %sub3A_829 = vector.broadcast %sub3A_828 : f32 to vector<20xf32>
    %sub3A_830 = arith.subf %sub3A_829, %select_n3A_827 : vector<20xf32>
    %jit3A_831 = arith.constant 0.000000e+00 : f32
    %broadcast_in_dim3A_832 = vector.broadcast %jit3A_831 : f32 to vector<20xf32>
    %select_n3A_833 = arith.select %gt3A_818, %sub3A_830, %broadcast_in_dim3A_832 : vector<20xi1>, vector<20xf32>
    %max3A_834 = arith.constant 0.000000e+00 : f32
    %max3A_835 = vector.broadcast %max3A_834 : f32 to vector<20xf32>
    %max3A_836 = arith.maximumf %select_n3A_833, %max3A_835 : vector<20xf32>
    %add3A_837 = arith.addf %add3A_807, %max3A_836 : vector<20xf32>
    %slice3A_838 = vector.extract_strided_slice %reshape3A_593 {offsets = [0, 0], sizes = [20, 8], strides = [1, 1]} : vector<20x64xf32> to vector<20x8xf32>
    %gt3A_839 = arith.constant 0.000000e+00 : f32
    %gt3A_840 = vector.broadcast %gt3A_839 : f32 to vector<20x8xf32>
    %gt3A_841 = arith.cmpf ogt, %slice3A_838, %gt3A_840 : vector<20x8xf32>
    %convert_element_type3A_842 = arith.extui %gt3A_841 : vector<20x8xi1> to vector<20x8xi32>
    %convert_element_type3A_843 = arith.sitofp %convert_element_type3A_842 : vector<20x8xi32> to vector<20x8xf32>
    %reduce_sum3A_844 = arith.constant dense<0.000000e+00> : vector<20xf32>
    %reduce_sum3A_845 = vector.multi_reduction <add>, %convert_element_type3A_843, %reduce_sum3A_844 [1] : vector<20x8xf32> to vector<20xf32>
    %gt3A_846 = arith.constant 0.000000e+00 : f32
    %gt3A_847 = vector.broadcast %gt3A_846 : f32 to vector<20xf32>
    %gt3A_848 = arith.cmpf ogt, %reduce_sum3A_845, %gt3A_847 : vector<20xf32>
    %reduce_sum3A_849 = arith.constant dense<0.000000e+00> : vector<20xf32>
    %reduce_sum3A_850 = vector.multi_reduction <add>, %slice3A_838, %reduce_sum3A_849 [1] : vector<20x8xf32> to vector<20xf32>
    %max3A_851 = arith.constant 1.000000e+00 : f32
    %max3A_852 = vector.broadcast %max3A_851 : f32 to vector<20xf32>
    %max3A_853 = arith.maximumf %reduce_sum3A_845, %max3A_852 : vector<20xf32>
    %div3A_854 = arith.divf %reduce_sum3A_850, %max3A_853 : vector<20xf32>
    %jit3A_855 = arith.constant 0.000000e+00 : f32
    %broadcast_in_dim3A_856 = vector.broadcast %jit3A_855 : f32 to vector<20xf32>
    %select_n3A_857 = arith.select %gt3A_848, %div3A_854, %broadcast_in_dim3A_856 : vector<20xi1>, vector<20xf32>
    %sub3A_858 = arith.constant 1.000000e+00 : f32
    %sub3A_859 = vector.broadcast %sub3A_858 : f32 to vector<20xf32>
    %sub3A_860 = arith.subf %sub3A_859, %select_n3A_857 : vector<20xf32>
    %jit3A_861 = arith.constant 0.000000e+00 : f32
    %broadcast_in_dim3A_862 = vector.broadcast %jit3A_861 : f32 to vector<20xf32>
    %select_n3A_863 = arith.select %gt3A_848, %sub3A_860, %broadcast_in_dim3A_862 : vector<20xi1>, vector<20xf32>
    %max3A_864 = arith.constant 0.000000e+00 : f32
    %max3A_865 = vector.broadcast %max3A_864 : f32 to vector<20xf32>
    %max3A_866 = arith.maximumf %select_n3A_863, %max3A_865 : vector<20xf32>
    %slice3A_867 = vector.extract_strided_slice %reshape3A_593 {offsets = [0, 8], sizes = [20, 8], strides = [1, 1]} : vector<20x64xf32> to vector<20x8xf32>
    %gt3A_868 = arith.constant 0.000000e+00 : f32
    %gt3A_869 = vector.broadcast %gt3A_868 : f32 to vector<20x8xf32>
    %gt3A_870 = arith.cmpf ogt, %slice3A_867, %gt3A_869 : vector<20x8xf32>
    %convert_element_type3A_871 = arith.extui %gt3A_870 : vector<20x8xi1> to vector<20x8xi32>
    %convert_element_type3A_872 = arith.sitofp %convert_element_type3A_871 : vector<20x8xi32> to vector<20x8xf32>
    %reduce_sum3A_873 = arith.constant dense<0.000000e+00> : vector<20xf32>
    %reduce_sum3A_874 = vector.multi_reduction <add>, %convert_element_type3A_872, %reduce_sum3A_873 [1] : vector<20x8xf32> to vector<20xf32>
    %gt3A_875 = arith.constant 0.000000e+00 : f32
    %gt3A_876 = vector.broadcast %gt3A_875 : f32 to vector<20xf32>
    %gt3A_877 = arith.cmpf ogt, %reduce_sum3A_874, %gt3A_876 : vector<20xf32>
    %reduce_sum3A_878 = arith.constant dense<0.000000e+00> : vector<20xf32>
    %reduce_sum3A_879 = vector.multi_reduction <add>, %slice3A_867, %reduce_sum3A_878 [1] : vector<20x8xf32> to vector<20xf32>
    %max3A_880 = arith.constant 1.000000e+00 : f32
    %max3A_881 = vector.broadcast %max3A_880 : f32 to vector<20xf32>
    %max3A_882 = arith.maximumf %reduce_sum3A_874, %max3A_881 : vector<20xf32>
    %div3A_883 = arith.divf %reduce_sum3A_879, %max3A_882 : vector<20xf32>
    %jit3A_884 = arith.constant 0.000000e+00 : f32
    %broadcast_in_dim3A_885 = vector.broadcast %jit3A_884 : f32 to vector<20xf32>
    %select_n3A_886 = arith.select %gt3A_877, %div3A_883, %broadcast_in_dim3A_885 : vector<20xi1>, vector<20xf32>
    %sub3A_887 = arith.constant 1.000000e+00 : f32
    %sub3A_888 = vector.broadcast %sub3A_887 : f32 to vector<20xf32>
    %sub3A_889 = arith.subf %sub3A_888, %select_n3A_886 : vector<20xf32>
    %jit3A_890 = arith.constant 0.000000e+00 : f32
    %broadcast_in_dim3A_891 = vector.broadcast %jit3A_890 : f32 to vector<20xf32>
    %select_n3A_892 = arith.select %gt3A_877, %sub3A_889, %broadcast_in_dim3A_891 : vector<20xi1>, vector<20xf32>
    %max3A_893 = arith.constant 0.000000e+00 : f32
    %max3A_894 = vector.broadcast %max3A_893 : f32 to vector<20xf32>
    %max3A_895 = arith.maximumf %select_n3A_892, %max3A_894 : vector<20xf32>
    %add3A_896 = arith.addf %max3A_866, %max3A_895 : vector<20xf32>
    %slice3A_897 = vector.extract_strided_slice %reshape3A_593 {offsets = [0, 16], sizes = [20, 8], strides = [1, 1]} : vector<20x64xf32> to vector<20x8xf32>
    %gt3A_898 = arith.constant 0.000000e+00 : f32
    %gt3A_899 = vector.broadcast %gt3A_898 : f32 to vector<20x8xf32>
    %gt3A_900 = arith.cmpf ogt, %slice3A_897, %gt3A_899 : vector<20x8xf32>
    %convert_element_type3A_901 = arith.extui %gt3A_900 : vector<20x8xi1> to vector<20x8xi32>
    %convert_element_type3A_902 = arith.sitofp %convert_element_type3A_901 : vector<20x8xi32> to vector<20x8xf32>
    %reduce_sum3A_903 = arith.constant dense<0.000000e+00> : vector<20xf32>
    %reduce_sum3A_904 = vector.multi_reduction <add>, %convert_element_type3A_902, %reduce_sum3A_903 [1] : vector<20x8xf32> to vector<20xf32>
    %gt3A_905 = arith.constant 0.000000e+00 : f32
    %gt3A_906 = vector.broadcast %gt3A_905 : f32 to vector<20xf32>
    %gt3A_907 = arith.cmpf ogt, %reduce_sum3A_904, %gt3A_906 : vector<20xf32>
    %reduce_sum3A_908 = arith.constant dense<0.000000e+00> : vector<20xf32>
    %reduce_sum3A_909 = vector.multi_reduction <add>, %slice3A_897, %reduce_sum3A_908 [1] : vector<20x8xf32> to vector<20xf32>
    %max3A_910 = arith.constant 1.000000e+00 : f32
    %max3A_911 = vector.broadcast %max3A_910 : f32 to vector<20xf32>
    %max3A_912 = arith.maximumf %reduce_sum3A_904, %max3A_911 : vector<20xf32>
    %div3A_913 = arith.divf %reduce_sum3A_909, %max3A_912 : vector<20xf32>
    %jit3A_914 = arith.constant 0.000000e+00 : f32
    %broadcast_in_dim3A_915 = vector.broadcast %jit3A_914 : f32 to vector<20xf32>
    %select_n3A_916 = arith.select %gt3A_907, %div3A_913, %broadcast_in_dim3A_915 : vector<20xi1>, vector<20xf32>
    %sub3A_917 = arith.constant 1.000000e+00 : f32
    %sub3A_918 = vector.broadcast %sub3A_917 : f32 to vector<20xf32>
    %sub3A_919 = arith.subf %sub3A_918, %select_n3A_916 : vector<20xf32>
    %jit3A_920 = arith.constant 0.000000e+00 : f32
    %broadcast_in_dim3A_921 = vector.broadcast %jit3A_920 : f32 to vector<20xf32>
    %select_n3A_922 = arith.select %gt3A_907, %sub3A_919, %broadcast_in_dim3A_921 : vector<20xi1>, vector<20xf32>
    %max3A_923 = arith.constant 0.000000e+00 : f32
    %max3A_924 = vector.broadcast %max3A_923 : f32 to vector<20xf32>
    %max3A_925 = arith.maximumf %select_n3A_922, %max3A_924 : vector<20xf32>
    %add3A_926 = arith.addf %add3A_896, %max3A_925 : vector<20xf32>
    %slice3A_927 = vector.extract_strided_slice %reshape3A_593 {offsets = [0, 24], sizes = [20, 8], strides = [1, 1]} : vector<20x64xf32> to vector<20x8xf32>
    %gt3A_928 = arith.constant 0.000000e+00 : f32
    %gt3A_929 = vector.broadcast %gt3A_928 : f32 to vector<20x8xf32>
    %gt3A_930 = arith.cmpf ogt, %slice3A_927, %gt3A_929 : vector<20x8xf32>
    %convert_element_type3A_931 = arith.extui %gt3A_930 : vector<20x8xi1> to vector<20x8xi32>
    %convert_element_type3A_932 = arith.sitofp %convert_element_type3A_931 : vector<20x8xi32> to vector<20x8xf32>
    %reduce_sum3A_933 = arith.constant dense<0.000000e+00> : vector<20xf32>
    %reduce_sum3A_934 = vector.multi_reduction <add>, %convert_element_type3A_932, %reduce_sum3A_933 [1] : vector<20x8xf32> to vector<20xf32>
    %gt3A_935 = arith.constant 0.000000e+00 : f32
    %gt3A_936 = vector.broadcast %gt3A_935 : f32 to vector<20xf32>
    %gt3A_937 = arith.cmpf ogt, %reduce_sum3A_934, %gt3A_936 : vector<20xf32>
    %reduce_sum3A_938 = arith.constant dense<0.000000e+00> : vector<20xf32>
    %reduce_sum3A_939 = vector.multi_reduction <add>, %slice3A_927, %reduce_sum3A_938 [1] : vector<20x8xf32> to vector<20xf32>
    %max3A_940 = arith.constant 1.000000e+00 : f32
    %max3A_941 = vector.broadcast %max3A_940 : f32 to vector<20xf32>
    %max3A_942 = arith.maximumf %reduce_sum3A_934, %max3A_941 : vector<20xf32>
    %div3A_943 = arith.divf %reduce_sum3A_939, %max3A_942 : vector<20xf32>
    %jit3A_944 = arith.constant 0.000000e+00 : f32
    %broadcast_in_dim3A_945 = vector.broadcast %jit3A_944 : f32 to vector<20xf32>
    %select_n3A_946 = arith.select %gt3A_937, %div3A_943, %broadcast_in_dim3A_945 : vector<20xi1>, vector<20xf32>
    %sub3A_947 = arith.constant 1.000000e+00 : f32
    %sub3A_948 = vector.broadcast %sub3A_947 : f32 to vector<20xf32>
    %sub3A_949 = arith.subf %sub3A_948, %select_n3A_946 : vector<20xf32>
    %jit3A_950 = arith.constant 0.000000e+00 : f32
    %broadcast_in_dim3A_951 = vector.broadcast %jit3A_950 : f32 to vector<20xf32>
    %select_n3A_952 = arith.select %gt3A_937, %sub3A_949, %broadcast_in_dim3A_951 : vector<20xi1>, vector<20xf32>
    %max3A_953 = arith.constant 0.000000e+00 : f32
    %max3A_954 = vector.broadcast %max3A_953 : f32 to vector<20xf32>
    %max3A_955 = arith.maximumf %select_n3A_952, %max3A_954 : vector<20xf32>
    %add3A_956 = arith.addf %add3A_926, %max3A_955 : vector<20xf32>
    %slice3A_957 = vector.extract_strided_slice %reshape3A_593 {offsets = [0, 32], sizes = [20, 8], strides = [1, 1]} : vector<20x64xf32> to vector<20x8xf32>
    %gt3A_958 = arith.constant 0.000000e+00 : f32
    %gt3A_959 = vector.broadcast %gt3A_958 : f32 to vector<20x8xf32>
    %gt3A_960 = arith.cmpf ogt, %slice3A_957, %gt3A_959 : vector<20x8xf32>
    %convert_element_type3A_961 = arith.extui %gt3A_960 : vector<20x8xi1> to vector<20x8xi32>
    %convert_element_type3A_962 = arith.sitofp %convert_element_type3A_961 : vector<20x8xi32> to vector<20x8xf32>
    %reduce_sum3A_963 = arith.constant dense<0.000000e+00> : vector<20xf32>
    %reduce_sum3A_964 = vector.multi_reduction <add>, %convert_element_type3A_962, %reduce_sum3A_963 [1] : vector<20x8xf32> to vector<20xf32>
    %gt3A_965 = arith.constant 0.000000e+00 : f32
    %gt3A_966 = vector.broadcast %gt3A_965 : f32 to vector<20xf32>
    %gt3A_967 = arith.cmpf ogt, %reduce_sum3A_964, %gt3A_966 : vector<20xf32>
    %reduce_sum3A_968 = arith.constant dense<0.000000e+00> : vector<20xf32>
    %reduce_sum3A_969 = vector.multi_reduction <add>, %slice3A_957, %reduce_sum3A_968 [1] : vector<20x8xf32> to vector<20xf32>
    %max3A_970 = arith.constant 1.000000e+00 : f32
    %max3A_971 = vector.broadcast %max3A_970 : f32 to vector<20xf32>
    %max3A_972 = arith.maximumf %reduce_sum3A_964, %max3A_971 : vector<20xf32>
    %div3A_973 = arith.divf %reduce_sum3A_969, %max3A_972 : vector<20xf32>
    %jit3A_974 = arith.constant 0.000000e+00 : f32
    %broadcast_in_dim3A_975 = vector.broadcast %jit3A_974 : f32 to vector<20xf32>
    %select_n3A_976 = arith.select %gt3A_967, %div3A_973, %broadcast_in_dim3A_975 : vector<20xi1>, vector<20xf32>
    %sub3A_977 = arith.constant 1.000000e+00 : f32
    %sub3A_978 = vector.broadcast %sub3A_977 : f32 to vector<20xf32>
    %sub3A_979 = arith.subf %sub3A_978, %select_n3A_976 : vector<20xf32>
    %jit3A_980 = arith.constant 0.000000e+00 : f32
    %broadcast_in_dim3A_981 = vector.broadcast %jit3A_980 : f32 to vector<20xf32>
    %select_n3A_982 = arith.select %gt3A_967, %sub3A_979, %broadcast_in_dim3A_981 : vector<20xi1>, vector<20xf32>
    %max3A_983 = arith.constant 0.000000e+00 : f32
    %max3A_984 = vector.broadcast %max3A_983 : f32 to vector<20xf32>
    %max3A_985 = arith.maximumf %select_n3A_982, %max3A_984 : vector<20xf32>
    %add3A_986 = arith.addf %add3A_956, %max3A_985 : vector<20xf32>
    %slice3A_987 = vector.extract_strided_slice %reshape3A_593 {offsets = [0, 40], sizes = [20, 8], strides = [1, 1]} : vector<20x64xf32> to vector<20x8xf32>
    %gt3A_988 = arith.constant 0.000000e+00 : f32
    %gt3A_989 = vector.broadcast %gt3A_988 : f32 to vector<20x8xf32>
    %gt3A_990 = arith.cmpf ogt, %slice3A_987, %gt3A_989 : vector<20x8xf32>
    %convert_element_type3A_991 = arith.extui %gt3A_990 : vector<20x8xi1> to vector<20x8xi32>
    %convert_element_type3A_992 = arith.sitofp %convert_element_type3A_991 : vector<20x8xi32> to vector<20x8xf32>
    %reduce_sum3A_993 = arith.constant dense<0.000000e+00> : vector<20xf32>
    %reduce_sum3A_994 = vector.multi_reduction <add>, %convert_element_type3A_992, %reduce_sum3A_993 [1] : vector<20x8xf32> to vector<20xf32>
    %gt3A_995 = arith.constant 0.000000e+00 : f32
    %gt3A_996 = vector.broadcast %gt3A_995 : f32 to vector<20xf32>
    %gt3A_997 = arith.cmpf ogt, %reduce_sum3A_994, %gt3A_996 : vector<20xf32>
    %reduce_sum3A_998 = arith.constant dense<0.000000e+00> : vector<20xf32>
    %reduce_sum3A_999 = vector.multi_reduction <add>, %slice3A_987, %reduce_sum3A_998 [1] : vector<20x8xf32> to vector<20xf32>
    %max3A_1000 = arith.constant 1.000000e+00 : f32
    %max3A_1001 = vector.broadcast %max3A_1000 : f32 to vector<20xf32>
    %max3A_1002 = arith.maximumf %reduce_sum3A_994, %max3A_1001 : vector<20xf32>
    %div3A_1003 = arith.divf %reduce_sum3A_999, %max3A_1002 : vector<20xf32>
    %jit3A_1004 = arith.constant 0.000000e+00 : f32
    %broadcast_in_dim3A_1005 = vector.broadcast %jit3A_1004 : f32 to vector<20xf32>
    %select_n3A_1006 = arith.select %gt3A_997, %div3A_1003, %broadcast_in_dim3A_1005 : vector<20xi1>, vector<20xf32>
    %sub3A_1007 = arith.constant 1.000000e+00 : f32
    %sub3A_1008 = vector.broadcast %sub3A_1007 : f32 to vector<20xf32>
    %sub3A_1009 = arith.subf %sub3A_1008, %select_n3A_1006 : vector<20xf32>
    %jit3A_1010 = arith.constant 0.000000e+00 : f32
    %broadcast_in_dim3A_1011 = vector.broadcast %jit3A_1010 : f32 to vector<20xf32>
    %select_n3A_1012 = arith.select %gt3A_997, %sub3A_1009, %broadcast_in_dim3A_1011 : vector<20xi1>, vector<20xf32>
    %max3A_1013 = arith.constant 0.000000e+00 : f32
    %max3A_1014 = vector.broadcast %max3A_1013 : f32 to vector<20xf32>
    %max3A_1015 = arith.maximumf %select_n3A_1012, %max3A_1014 : vector<20xf32>
    %add3A_1016 = arith.addf %add3A_986, %max3A_1015 : vector<20xf32>
    %slice3A_1017 = vector.extract_strided_slice %reshape3A_593 {offsets = [0, 48], sizes = [20, 8], strides = [1, 1]} : vector<20x64xf32> to vector<20x8xf32>
    %gt3A_1018 = arith.constant 0.000000e+00 : f32
    %gt3A_1019 = vector.broadcast %gt3A_1018 : f32 to vector<20x8xf32>
    %gt3A_1020 = arith.cmpf ogt, %slice3A_1017, %gt3A_1019 : vector<20x8xf32>
    %convert_element_type3A_1021 = arith.extui %gt3A_1020 : vector<20x8xi1> to vector<20x8xi32>
    %convert_element_type3A_1022 = arith.sitofp %convert_element_type3A_1021 : vector<20x8xi32> to vector<20x8xf32>
    %reduce_sum3A_1023 = arith.constant dense<0.000000e+00> : vector<20xf32>
    %reduce_sum3A_1024 = vector.multi_reduction <add>, %convert_element_type3A_1022, %reduce_sum3A_1023 [1] : vector<20x8xf32> to vector<20xf32>
    %gt3A_1025 = arith.constant 0.000000e+00 : f32
    %gt3A_1026 = vector.broadcast %gt3A_1025 : f32 to vector<20xf32>
    %gt3A_1027 = arith.cmpf ogt, %reduce_sum3A_1024, %gt3A_1026 : vector<20xf32>
    %reduce_sum3A_1028 = arith.constant dense<0.000000e+00> : vector<20xf32>
    %reduce_sum3A_1029 = vector.multi_reduction <add>, %slice3A_1017, %reduce_sum3A_1028 [1] : vector<20x8xf32> to vector<20xf32>
    %max3A_1030 = arith.constant 1.000000e+00 : f32
    %max3A_1031 = vector.broadcast %max3A_1030 : f32 to vector<20xf32>
    %max3A_1032 = arith.maximumf %reduce_sum3A_1024, %max3A_1031 : vector<20xf32>
    %div3A_1033 = arith.divf %reduce_sum3A_1029, %max3A_1032 : vector<20xf32>
    %jit3A_1034 = arith.constant 0.000000e+00 : f32
    %broadcast_in_dim3A_1035 = vector.broadcast %jit3A_1034 : f32 to vector<20xf32>
    %select_n3A_1036 = arith.select %gt3A_1027, %div3A_1033, %broadcast_in_dim3A_1035 : vector<20xi1>, vector<20xf32>
    %sub3A_1037 = arith.constant 1.000000e+00 : f32
    %sub3A_1038 = vector.broadcast %sub3A_1037 : f32 to vector<20xf32>
    %sub3A_1039 = arith.subf %sub3A_1038, %select_n3A_1036 : vector<20xf32>
    %jit3A_1040 = arith.constant 0.000000e+00 : f32
    %broadcast_in_dim3A_1041 = vector.broadcast %jit3A_1040 : f32 to vector<20xf32>
    %select_n3A_1042 = arith.select %gt3A_1027, %sub3A_1039, %broadcast_in_dim3A_1041 : vector<20xi1>, vector<20xf32>
    %max3A_1043 = arith.constant 0.000000e+00 : f32
    %max3A_1044 = vector.broadcast %max3A_1043 : f32 to vector<20xf32>
    %max3A_1045 = arith.maximumf %select_n3A_1042, %max3A_1044 : vector<20xf32>
    %add3A_1046 = arith.addf %add3A_1016, %max3A_1045 : vector<20xf32>
    %slice3A_1047 = vector.extract_strided_slice %reshape3A_593 {offsets = [0, 56], sizes = [20, 8], strides = [1, 1]} : vector<20x64xf32> to vector<20x8xf32>
    %gt3A_1048 = arith.constant 0.000000e+00 : f32
    %gt3A_1049 = vector.broadcast %gt3A_1048 : f32 to vector<20x8xf32>
    %gt3A_1050 = arith.cmpf ogt, %slice3A_1047, %gt3A_1049 : vector<20x8xf32>
    %convert_element_type3A_1051 = arith.extui %gt3A_1050 : vector<20x8xi1> to vector<20x8xi32>
    %convert_element_type3A_1052 = arith.sitofp %convert_element_type3A_1051 : vector<20x8xi32> to vector<20x8xf32>
    %reduce_sum3A_1053 = arith.constant dense<0.000000e+00> : vector<20xf32>
    %reduce_sum3A_1054 = vector.multi_reduction <add>, %convert_element_type3A_1052, %reduce_sum3A_1053 [1] : vector<20x8xf32> to vector<20xf32>
    %gt3A_1055 = arith.constant 0.000000e+00 : f32
    %gt3A_1056 = vector.broadcast %gt3A_1055 : f32 to vector<20xf32>
    %gt3A_1057 = arith.cmpf ogt, %reduce_sum3A_1054, %gt3A_1056 : vector<20xf32>
    %reduce_sum3A_1058 = arith.constant dense<0.000000e+00> : vector<20xf32>
    %reduce_sum3A_1059 = vector.multi_reduction <add>, %slice3A_1047, %reduce_sum3A_1058 [1] : vector<20x8xf32> to vector<20xf32>
    %max3A_1060 = arith.constant 1.000000e+00 : f32
    %max3A_1061 = vector.broadcast %max3A_1060 : f32 to vector<20xf32>
    %max3A_1062 = arith.maximumf %reduce_sum3A_1054, %max3A_1061 : vector<20xf32>
    %div3A_1063 = arith.divf %reduce_sum3A_1059, %max3A_1062 : vector<20xf32>
    %jit3A_1064 = arith.constant 0.000000e+00 : f32
    %broadcast_in_dim3A_1065 = vector.broadcast %jit3A_1064 : f32 to vector<20xf32>
    %select_n3A_1066 = arith.select %gt3A_1057, %div3A_1063, %broadcast_in_dim3A_1065 : vector<20xi1>, vector<20xf32>
    %sub3A_1067 = arith.constant 1.000000e+00 : f32
    %sub3A_1068 = vector.broadcast %sub3A_1067 : f32 to vector<20xf32>
    %sub3A_1069 = arith.subf %sub3A_1068, %select_n3A_1066 : vector<20xf32>
    %jit3A_1070 = arith.constant 0.000000e+00 : f32
    %broadcast_in_dim3A_1071 = vector.broadcast %jit3A_1070 : f32 to vector<20xf32>
    %select_n3A_1072 = arith.select %gt3A_1057, %sub3A_1069, %broadcast_in_dim3A_1071 : vector<20xi1>, vector<20xf32>
    %max3A_1073 = arith.constant 0.000000e+00 : f32
    %max3A_1074 = vector.broadcast %max3A_1073 : f32 to vector<20xf32>
    %max3A_1075 = arith.maximumf %select_n3A_1072, %max3A_1074 : vector<20xf32>
    %add3A_1076 = arith.addf %add3A_1046, %max3A_1075 : vector<20xf32>
    %add3A_1077 = arith.addf %add3A_837, %add3A_1076 : vector<20xf32>
    %slice3A_1078 = vector.extract_strided_slice %reshape3A_598 {offsets = [0, 0], sizes = [20, 8], strides = [1, 1]} : vector<20x64xf32> to vector<20x8xf32>
    %gt3A_1079 = arith.constant 0.000000e+00 : f32
    %gt3A_1080 = vector.broadcast %gt3A_1079 : f32 to vector<20x8xf32>
    %gt3A_1081 = arith.cmpf ogt, %slice3A_1078, %gt3A_1080 : vector<20x8xf32>
    %convert_element_type3A_1082 = arith.extui %gt3A_1081 : vector<20x8xi1> to vector<20x8xi32>
    %convert_element_type3A_1083 = arith.sitofp %convert_element_type3A_1082 : vector<20x8xi32> to vector<20x8xf32>
    %reduce_sum3A_1084 = arith.constant dense<0.000000e+00> : vector<20xf32>
    %reduce_sum3A_1085 = vector.multi_reduction <add>, %convert_element_type3A_1083, %reduce_sum3A_1084 [1] : vector<20x8xf32> to vector<20xf32>
    %gt3A_1086 = arith.constant 0.000000e+00 : f32
    %gt3A_1087 = vector.broadcast %gt3A_1086 : f32 to vector<20xf32>
    %gt3A_1088 = arith.cmpf ogt, %reduce_sum3A_1085, %gt3A_1087 : vector<20xf32>
    %reduce_sum3A_1089 = arith.constant dense<0.000000e+00> : vector<20xf32>
    %reduce_sum3A_1090 = vector.multi_reduction <add>, %slice3A_1078, %reduce_sum3A_1089 [1] : vector<20x8xf32> to vector<20xf32>
    %max3A_1091 = arith.constant 1.000000e+00 : f32
    %max3A_1092 = vector.broadcast %max3A_1091 : f32 to vector<20xf32>
    %max3A_1093 = arith.maximumf %reduce_sum3A_1085, %max3A_1092 : vector<20xf32>
    %div3A_1094 = arith.divf %reduce_sum3A_1090, %max3A_1093 : vector<20xf32>
    %jit3A_1095 = arith.constant 0.000000e+00 : f32
    %broadcast_in_dim3A_1096 = vector.broadcast %jit3A_1095 : f32 to vector<20xf32>
    %select_n3A_1097 = arith.select %gt3A_1088, %div3A_1094, %broadcast_in_dim3A_1096 : vector<20xi1>, vector<20xf32>
    %sub3A_1098 = arith.constant 1.000000e+00 : f32
    %sub3A_1099 = vector.broadcast %sub3A_1098 : f32 to vector<20xf32>
    %sub3A_1100 = arith.subf %sub3A_1099, %select_n3A_1097 : vector<20xf32>
    %jit3A_1101 = arith.constant 0.000000e+00 : f32
    %broadcast_in_dim3A_1102 = vector.broadcast %jit3A_1101 : f32 to vector<20xf32>
    %select_n3A_1103 = arith.select %gt3A_1088, %sub3A_1100, %broadcast_in_dim3A_1102 : vector<20xi1>, vector<20xf32>
    %max3A_1104 = arith.constant 0.000000e+00 : f32
    %max3A_1105 = vector.broadcast %max3A_1104 : f32 to vector<20xf32>
    %max3A_1106 = arith.maximumf %select_n3A_1103, %max3A_1105 : vector<20xf32>
    %slice3A_1107 = vector.extract_strided_slice %reshape3A_598 {offsets = [0, 8], sizes = [20, 8], strides = [1, 1]} : vector<20x64xf32> to vector<20x8xf32>
    %gt3A_1108 = arith.constant 0.000000e+00 : f32
    %gt3A_1109 = vector.broadcast %gt3A_1108 : f32 to vector<20x8xf32>
    %gt3A_1110 = arith.cmpf ogt, %slice3A_1107, %gt3A_1109 : vector<20x8xf32>
    %convert_element_type3A_1111 = arith.extui %gt3A_1110 : vector<20x8xi1> to vector<20x8xi32>
    %convert_element_type3A_1112 = arith.sitofp %convert_element_type3A_1111 : vector<20x8xi32> to vector<20x8xf32>
    %reduce_sum3A_1113 = arith.constant dense<0.000000e+00> : vector<20xf32>
    %reduce_sum3A_1114 = vector.multi_reduction <add>, %convert_element_type3A_1112, %reduce_sum3A_1113 [1] : vector<20x8xf32> to vector<20xf32>
    %gt3A_1115 = arith.constant 0.000000e+00 : f32
    %gt3A_1116 = vector.broadcast %gt3A_1115 : f32 to vector<20xf32>
    %gt3A_1117 = arith.cmpf ogt, %reduce_sum3A_1114, %gt3A_1116 : vector<20xf32>
    %reduce_sum3A_1118 = arith.constant dense<0.000000e+00> : vector<20xf32>
    %reduce_sum3A_1119 = vector.multi_reduction <add>, %slice3A_1107, %reduce_sum3A_1118 [1] : vector<20x8xf32> to vector<20xf32>
    %max3A_1120 = arith.constant 1.000000e+00 : f32
    %max3A_1121 = vector.broadcast %max3A_1120 : f32 to vector<20xf32>
    %max3A_1122 = arith.maximumf %reduce_sum3A_1114, %max3A_1121 : vector<20xf32>
    %div3A_1123 = arith.divf %reduce_sum3A_1119, %max3A_1122 : vector<20xf32>
    %jit3A_1124 = arith.constant 0.000000e+00 : f32
    %broadcast_in_dim3A_1125 = vector.broadcast %jit3A_1124 : f32 to vector<20xf32>
    %select_n3A_1126 = arith.select %gt3A_1117, %div3A_1123, %broadcast_in_dim3A_1125 : vector<20xi1>, vector<20xf32>
    %sub3A_1127 = arith.constant 1.000000e+00 : f32
    %sub3A_1128 = vector.broadcast %sub3A_1127 : f32 to vector<20xf32>
    %sub3A_1129 = arith.subf %sub3A_1128, %select_n3A_1126 : vector<20xf32>
    %jit3A_1130 = arith.constant 0.000000e+00 : f32
    %broadcast_in_dim3A_1131 = vector.broadcast %jit3A_1130 : f32 to vector<20xf32>
    %select_n3A_1132 = arith.select %gt3A_1117, %sub3A_1129, %broadcast_in_dim3A_1131 : vector<20xi1>, vector<20xf32>
    %max3A_1133 = arith.constant 0.000000e+00 : f32
    %max3A_1134 = vector.broadcast %max3A_1133 : f32 to vector<20xf32>
    %max3A_1135 = arith.maximumf %select_n3A_1132, %max3A_1134 : vector<20xf32>
    %add3A_1136 = arith.addf %max3A_1106, %max3A_1135 : vector<20xf32>
    %slice3A_1137 = vector.extract_strided_slice %reshape3A_598 {offsets = [0, 16], sizes = [20, 8], strides = [1, 1]} : vector<20x64xf32> to vector<20x8xf32>
    %gt3A_1138 = arith.constant 0.000000e+00 : f32
    %gt3A_1139 = vector.broadcast %gt3A_1138 : f32 to vector<20x8xf32>
    %gt3A_1140 = arith.cmpf ogt, %slice3A_1137, %gt3A_1139 : vector<20x8xf32>
    %convert_element_type3A_1141 = arith.extui %gt3A_1140 : vector<20x8xi1> to vector<20x8xi32>
    %convert_element_type3A_1142 = arith.sitofp %convert_element_type3A_1141 : vector<20x8xi32> to vector<20x8xf32>
    %reduce_sum3A_1143 = arith.constant dense<0.000000e+00> : vector<20xf32>
    %reduce_sum3A_1144 = vector.multi_reduction <add>, %convert_element_type3A_1142, %reduce_sum3A_1143 [1] : vector<20x8xf32> to vector<20xf32>
    %gt3A_1145 = arith.constant 0.000000e+00 : f32
    %gt3A_1146 = vector.broadcast %gt3A_1145 : f32 to vector<20xf32>
    %gt3A_1147 = arith.cmpf ogt, %reduce_sum3A_1144, %gt3A_1146 : vector<20xf32>
    %reduce_sum3A_1148 = arith.constant dense<0.000000e+00> : vector<20xf32>
    %reduce_sum3A_1149 = vector.multi_reduction <add>, %slice3A_1137, %reduce_sum3A_1148 [1] : vector<20x8xf32> to vector<20xf32>
    %max3A_1150 = arith.constant 1.000000e+00 : f32
    %max3A_1151 = vector.broadcast %max3A_1150 : f32 to vector<20xf32>
    %max3A_1152 = arith.maximumf %reduce_sum3A_1144, %max3A_1151 : vector<20xf32>
    %div3A_1153 = arith.divf %reduce_sum3A_1149, %max3A_1152 : vector<20xf32>
    %jit3A_1154 = arith.constant 0.000000e+00 : f32
    %broadcast_in_dim3A_1155 = vector.broadcast %jit3A_1154 : f32 to vector<20xf32>
    %select_n3A_1156 = arith.select %gt3A_1147, %div3A_1153, %broadcast_in_dim3A_1155 : vector<20xi1>, vector<20xf32>
    %sub3A_1157 = arith.constant 1.000000e+00 : f32
    %sub3A_1158 = vector.broadcast %sub3A_1157 : f32 to vector<20xf32>
    %sub3A_1159 = arith.subf %sub3A_1158, %select_n3A_1156 : vector<20xf32>
    %jit3A_1160 = arith.constant 0.000000e+00 : f32
    %broadcast_in_dim3A_1161 = vector.broadcast %jit3A_1160 : f32 to vector<20xf32>
    %select_n3A_1162 = arith.select %gt3A_1147, %sub3A_1159, %broadcast_in_dim3A_1161 : vector<20xi1>, vector<20xf32>
    %max3A_1163 = arith.constant 0.000000e+00 : f32
    %max3A_1164 = vector.broadcast %max3A_1163 : f32 to vector<20xf32>
    %max3A_1165 = arith.maximumf %select_n3A_1162, %max3A_1164 : vector<20xf32>
    %add3A_1166 = arith.addf %add3A_1136, %max3A_1165 : vector<20xf32>
    %slice3A_1167 = vector.extract_strided_slice %reshape3A_598 {offsets = [0, 24], sizes = [20, 8], strides = [1, 1]} : vector<20x64xf32> to vector<20x8xf32>
    %gt3A_1168 = arith.constant 0.000000e+00 : f32
    %gt3A_1169 = vector.broadcast %gt3A_1168 : f32 to vector<20x8xf32>
    %gt3A_1170 = arith.cmpf ogt, %slice3A_1167, %gt3A_1169 : vector<20x8xf32>
    %convert_element_type3A_1171 = arith.extui %gt3A_1170 : vector<20x8xi1> to vector<20x8xi32>
    %convert_element_type3A_1172 = arith.sitofp %convert_element_type3A_1171 : vector<20x8xi32> to vector<20x8xf32>
    %reduce_sum3A_1173 = arith.constant dense<0.000000e+00> : vector<20xf32>
    %reduce_sum3A_1174 = vector.multi_reduction <add>, %convert_element_type3A_1172, %reduce_sum3A_1173 [1] : vector<20x8xf32> to vector<20xf32>
    %gt3A_1175 = arith.constant 0.000000e+00 : f32
    %gt3A_1176 = vector.broadcast %gt3A_1175 : f32 to vector<20xf32>
    %gt3A_1177 = arith.cmpf ogt, %reduce_sum3A_1174, %gt3A_1176 : vector<20xf32>
    %reduce_sum3A_1178 = arith.constant dense<0.000000e+00> : vector<20xf32>
    %reduce_sum3A_1179 = vector.multi_reduction <add>, %slice3A_1167, %reduce_sum3A_1178 [1] : vector<20x8xf32> to vector<20xf32>
    %max3A_1180 = arith.constant 1.000000e+00 : f32
    %max3A_1181 = vector.broadcast %max3A_1180 : f32 to vector<20xf32>
    %max3A_1182 = arith.maximumf %reduce_sum3A_1174, %max3A_1181 : vector<20xf32>
    %div3A_1183 = arith.divf %reduce_sum3A_1179, %max3A_1182 : vector<20xf32>
    %jit3A_1184 = arith.constant 0.000000e+00 : f32
    %broadcast_in_dim3A_1185 = vector.broadcast %jit3A_1184 : f32 to vector<20xf32>
    %select_n3A_1186 = arith.select %gt3A_1177, %div3A_1183, %broadcast_in_dim3A_1185 : vector<20xi1>, vector<20xf32>
    %sub3A_1187 = arith.constant 1.000000e+00 : f32
    %sub3A_1188 = vector.broadcast %sub3A_1187 : f32 to vector<20xf32>
    %sub3A_1189 = arith.subf %sub3A_1188, %select_n3A_1186 : vector<20xf32>
    %jit3A_1190 = arith.constant 0.000000e+00 : f32
    %broadcast_in_dim3A_1191 = vector.broadcast %jit3A_1190 : f32 to vector<20xf32>
    %select_n3A_1192 = arith.select %gt3A_1177, %sub3A_1189, %broadcast_in_dim3A_1191 : vector<20xi1>, vector<20xf32>
    %max3A_1193 = arith.constant 0.000000e+00 : f32
    %max3A_1194 = vector.broadcast %max3A_1193 : f32 to vector<20xf32>
    %max3A_1195 = arith.maximumf %select_n3A_1192, %max3A_1194 : vector<20xf32>
    %add3A_1196 = arith.addf %add3A_1166, %max3A_1195 : vector<20xf32>
    %slice3A_1197 = vector.extract_strided_slice %reshape3A_598 {offsets = [0, 32], sizes = [20, 8], strides = [1, 1]} : vector<20x64xf32> to vector<20x8xf32>
    %gt3A_1198 = arith.constant 0.000000e+00 : f32
    %gt3A_1199 = vector.broadcast %gt3A_1198 : f32 to vector<20x8xf32>
    %gt3A_1200 = arith.cmpf ogt, %slice3A_1197, %gt3A_1199 : vector<20x8xf32>
    %convert_element_type3A_1201 = arith.extui %gt3A_1200 : vector<20x8xi1> to vector<20x8xi32>
    %convert_element_type3A_1202 = arith.sitofp %convert_element_type3A_1201 : vector<20x8xi32> to vector<20x8xf32>
    %reduce_sum3A_1203 = arith.constant dense<0.000000e+00> : vector<20xf32>
    %reduce_sum3A_1204 = vector.multi_reduction <add>, %convert_element_type3A_1202, %reduce_sum3A_1203 [1] : vector<20x8xf32> to vector<20xf32>
    %gt3A_1205 = arith.constant 0.000000e+00 : f32
    %gt3A_1206 = vector.broadcast %gt3A_1205 : f32 to vector<20xf32>
    %gt3A_1207 = arith.cmpf ogt, %reduce_sum3A_1204, %gt3A_1206 : vector<20xf32>
    %reduce_sum3A_1208 = arith.constant dense<0.000000e+00> : vector<20xf32>
    %reduce_sum3A_1209 = vector.multi_reduction <add>, %slice3A_1197, %reduce_sum3A_1208 [1] : vector<20x8xf32> to vector<20xf32>
    %max3A_1210 = arith.constant 1.000000e+00 : f32
    %max3A_1211 = vector.broadcast %max3A_1210 : f32 to vector<20xf32>
    %max3A_1212 = arith.maximumf %reduce_sum3A_1204, %max3A_1211 : vector<20xf32>
    %div3A_1213 = arith.divf %reduce_sum3A_1209, %max3A_1212 : vector<20xf32>
    %jit3A_1214 = arith.constant 0.000000e+00 : f32
    %broadcast_in_dim3A_1215 = vector.broadcast %jit3A_1214 : f32 to vector<20xf32>
    %select_n3A_1216 = arith.select %gt3A_1207, %div3A_1213, %broadcast_in_dim3A_1215 : vector<20xi1>, vector<20xf32>
    %sub3A_1217 = arith.constant 1.000000e+00 : f32
    %sub3A_1218 = vector.broadcast %sub3A_1217 : f32 to vector<20xf32>
    %sub3A_1219 = arith.subf %sub3A_1218, %select_n3A_1216 : vector<20xf32>
    %jit3A_1220 = arith.constant 0.000000e+00 : f32
    %broadcast_in_dim3A_1221 = vector.broadcast %jit3A_1220 : f32 to vector<20xf32>
    %select_n3A_1222 = arith.select %gt3A_1207, %sub3A_1219, %broadcast_in_dim3A_1221 : vector<20xi1>, vector<20xf32>
    %max3A_1223 = arith.constant 0.000000e+00 : f32
    %max3A_1224 = vector.broadcast %max3A_1223 : f32 to vector<20xf32>
    %max3A_1225 = arith.maximumf %select_n3A_1222, %max3A_1224 : vector<20xf32>
    %add3A_1226 = arith.addf %add3A_1196, %max3A_1225 : vector<20xf32>
    %slice3A_1227 = vector.extract_strided_slice %reshape3A_598 {offsets = [0, 40], sizes = [20, 8], strides = [1, 1]} : vector<20x64xf32> to vector<20x8xf32>
    %gt3A_1228 = arith.constant 0.000000e+00 : f32
    %gt3A_1229 = vector.broadcast %gt3A_1228 : f32 to vector<20x8xf32>
    %gt3A_1230 = arith.cmpf ogt, %slice3A_1227, %gt3A_1229 : vector<20x8xf32>
    %convert_element_type3A_1231 = arith.extui %gt3A_1230 : vector<20x8xi1> to vector<20x8xi32>
    %convert_element_type3A_1232 = arith.sitofp %convert_element_type3A_1231 : vector<20x8xi32> to vector<20x8xf32>
    %reduce_sum3A_1233 = arith.constant dense<0.000000e+00> : vector<20xf32>
    %reduce_sum3A_1234 = vector.multi_reduction <add>, %convert_element_type3A_1232, %reduce_sum3A_1233 [1] : vector<20x8xf32> to vector<20xf32>
    %gt3A_1235 = arith.constant 0.000000e+00 : f32
    %gt3A_1236 = vector.broadcast %gt3A_1235 : f32 to vector<20xf32>
    %gt3A_1237 = arith.cmpf ogt, %reduce_sum3A_1234, %gt3A_1236 : vector<20xf32>
    %reduce_sum3A_1238 = arith.constant dense<0.000000e+00> : vector<20xf32>
    %reduce_sum3A_1239 = vector.multi_reduction <add>, %slice3A_1227, %reduce_sum3A_1238 [1] : vector<20x8xf32> to vector<20xf32>
    %max3A_1240 = arith.constant 1.000000e+00 : f32
    %max3A_1241 = vector.broadcast %max3A_1240 : f32 to vector<20xf32>
    %max3A_1242 = arith.maximumf %reduce_sum3A_1234, %max3A_1241 : vector<20xf32>
    %div3A_1243 = arith.divf %reduce_sum3A_1239, %max3A_1242 : vector<20xf32>
    %jit3A_1244 = arith.constant 0.000000e+00 : f32
    %broadcast_in_dim3A_1245 = vector.broadcast %jit3A_1244 : f32 to vector<20xf32>
    %select_n3A_1246 = arith.select %gt3A_1237, %div3A_1243, %broadcast_in_dim3A_1245 : vector<20xi1>, vector<20xf32>
    %sub3A_1247 = arith.constant 1.000000e+00 : f32
    %sub3A_1248 = vector.broadcast %sub3A_1247 : f32 to vector<20xf32>
    %sub3A_1249 = arith.subf %sub3A_1248, %select_n3A_1246 : vector<20xf32>
    %jit3A_1250 = arith.constant 0.000000e+00 : f32
    %broadcast_in_dim3A_1251 = vector.broadcast %jit3A_1250 : f32 to vector<20xf32>
    %select_n3A_1252 = arith.select %gt3A_1237, %sub3A_1249, %broadcast_in_dim3A_1251 : vector<20xi1>, vector<20xf32>
    %max3A_1253 = arith.constant 0.000000e+00 : f32
    %max3A_1254 = vector.broadcast %max3A_1253 : f32 to vector<20xf32>
    %max3A_1255 = arith.maximumf %select_n3A_1252, %max3A_1254 : vector<20xf32>
    %add3A_1256 = arith.addf %add3A_1226, %max3A_1255 : vector<20xf32>
    %slice3A_1257 = vector.extract_strided_slice %reshape3A_598 {offsets = [0, 48], sizes = [20, 8], strides = [1, 1]} : vector<20x64xf32> to vector<20x8xf32>
    %gt3A_1258 = arith.constant 0.000000e+00 : f32
    %gt3A_1259 = vector.broadcast %gt3A_1258 : f32 to vector<20x8xf32>
    %gt3A_1260 = arith.cmpf ogt, %slice3A_1257, %gt3A_1259 : vector<20x8xf32>
    %convert_element_type3A_1261 = arith.extui %gt3A_1260 : vector<20x8xi1> to vector<20x8xi32>
    %convert_element_type3A_1262 = arith.sitofp %convert_element_type3A_1261 : vector<20x8xi32> to vector<20x8xf32>
    %reduce_sum3A_1263 = arith.constant dense<0.000000e+00> : vector<20xf32>
    %reduce_sum3A_1264 = vector.multi_reduction <add>, %convert_element_type3A_1262, %reduce_sum3A_1263 [1] : vector<20x8xf32> to vector<20xf32>
    %gt3A_1265 = arith.constant 0.000000e+00 : f32
    %gt3A_1266 = vector.broadcast %gt3A_1265 : f32 to vector<20xf32>
    %gt3A_1267 = arith.cmpf ogt, %reduce_sum3A_1264, %gt3A_1266 : vector<20xf32>
    %reduce_sum3A_1268 = arith.constant dense<0.000000e+00> : vector<20xf32>
    %reduce_sum3A_1269 = vector.multi_reduction <add>, %slice3A_1257, %reduce_sum3A_1268 [1] : vector<20x8xf32> to vector<20xf32>
    %max3A_1270 = arith.constant 1.000000e+00 : f32
    %max3A_1271 = vector.broadcast %max3A_1270 : f32 to vector<20xf32>
    %max3A_1272 = arith.maximumf %reduce_sum3A_1264, %max3A_1271 : vector<20xf32>
    %div3A_1273 = arith.divf %reduce_sum3A_1269, %max3A_1272 : vector<20xf32>
    %jit3A_1274 = arith.constant 0.000000e+00 : f32
    %broadcast_in_dim3A_1275 = vector.broadcast %jit3A_1274 : f32 to vector<20xf32>
    %select_n3A_1276 = arith.select %gt3A_1267, %div3A_1273, %broadcast_in_dim3A_1275 : vector<20xi1>, vector<20xf32>
    %sub3A_1277 = arith.constant 1.000000e+00 : f32
    %sub3A_1278 = vector.broadcast %sub3A_1277 : f32 to vector<20xf32>
    %sub3A_1279 = arith.subf %sub3A_1278, %select_n3A_1276 : vector<20xf32>
    %jit3A_1280 = arith.constant 0.000000e+00 : f32
    %broadcast_in_dim3A_1281 = vector.broadcast %jit3A_1280 : f32 to vector<20xf32>
    %select_n3A_1282 = arith.select %gt3A_1267, %sub3A_1279, %broadcast_in_dim3A_1281 : vector<20xi1>, vector<20xf32>
    %max3A_1283 = arith.constant 0.000000e+00 : f32
    %max3A_1284 = vector.broadcast %max3A_1283 : f32 to vector<20xf32>
    %max3A_1285 = arith.maximumf %select_n3A_1282, %max3A_1284 : vector<20xf32>
    %add3A_1286 = arith.addf %add3A_1256, %max3A_1285 : vector<20xf32>
    %slice3A_1287 = vector.extract_strided_slice %reshape3A_598 {offsets = [0, 56], sizes = [20, 8], strides = [1, 1]} : vector<20x64xf32> to vector<20x8xf32>
    %gt3A_1288 = arith.constant 0.000000e+00 : f32
    %gt3A_1289 = vector.broadcast %gt3A_1288 : f32 to vector<20x8xf32>
    %gt3A_1290 = arith.cmpf ogt, %slice3A_1287, %gt3A_1289 : vector<20x8xf32>
    %convert_element_type3A_1291 = arith.extui %gt3A_1290 : vector<20x8xi1> to vector<20x8xi32>
    %convert_element_type3A_1292 = arith.sitofp %convert_element_type3A_1291 : vector<20x8xi32> to vector<20x8xf32>
    %reduce_sum3A_1293 = arith.constant dense<0.000000e+00> : vector<20xf32>
    %reduce_sum3A_1294 = vector.multi_reduction <add>, %convert_element_type3A_1292, %reduce_sum3A_1293 [1] : vector<20x8xf32> to vector<20xf32>
    %gt3A_1295 = arith.constant 0.000000e+00 : f32
    %gt3A_1296 = vector.broadcast %gt3A_1295 : f32 to vector<20xf32>
    %gt3A_1297 = arith.cmpf ogt, %reduce_sum3A_1294, %gt3A_1296 : vector<20xf32>
    %reduce_sum3A_1298 = arith.constant dense<0.000000e+00> : vector<20xf32>
    %reduce_sum3A_1299 = vector.multi_reduction <add>, %slice3A_1287, %reduce_sum3A_1298 [1] : vector<20x8xf32> to vector<20xf32>
    %max3A_1300 = arith.constant 1.000000e+00 : f32
    %max3A_1301 = vector.broadcast %max3A_1300 : f32 to vector<20xf32>
    %max3A_1302 = arith.maximumf %reduce_sum3A_1294, %max3A_1301 : vector<20xf32>
    %div3A_1303 = arith.divf %reduce_sum3A_1299, %max3A_1302 : vector<20xf32>
    %jit3A_1304 = arith.constant 0.000000e+00 : f32
    %broadcast_in_dim3A_1305 = vector.broadcast %jit3A_1304 : f32 to vector<20xf32>
    %select_n3A_1306 = arith.select %gt3A_1297, %div3A_1303, %broadcast_in_dim3A_1305 : vector<20xi1>, vector<20xf32>
    %sub3A_1307 = arith.constant 1.000000e+00 : f32
    %sub3A_1308 = vector.broadcast %sub3A_1307 : f32 to vector<20xf32>
    %sub3A_1309 = arith.subf %sub3A_1308, %select_n3A_1306 : vector<20xf32>
    %jit3A_1310 = arith.constant 0.000000e+00 : f32
    %broadcast_in_dim3A_1311 = vector.broadcast %jit3A_1310 : f32 to vector<20xf32>
    %select_n3A_1312 = arith.select %gt3A_1297, %sub3A_1309, %broadcast_in_dim3A_1311 : vector<20xi1>, vector<20xf32>
    %max3A_1313 = arith.constant 0.000000e+00 : f32
    %max3A_1314 = vector.broadcast %max3A_1313 : f32 to vector<20xf32>
    %max3A_1315 = arith.maximumf %select_n3A_1312, %max3A_1314 : vector<20xf32>
    %add3A_1316 = arith.addf %add3A_1286, %max3A_1315 : vector<20xf32>
    %add3A_1317 = arith.addf %add3A_1077, %add3A_1316 : vector<20xf32>
    %mul3A_1318 = arith.constant 8.000000e+00 : f32
    %mul3A_1319 = vector.broadcast %mul3A_1318 : f32 to vector<20xf32>
    %mul3A_1320 = arith.mulf %add3A_1317, %mul3A_1319 : vector<20xf32>
    %mul3A_1321 = arith.mulf %mul3A_583, %mul3A_583 : vector<4xf32>
    %reduce_sum3A_1322 = vector.shape_cast %mul3A_1321 : vector<4xf32> to vector<1x4xf32>
    %reduce_sum3A_1323 = arith.constant dense<0.000000e+00> : vector<1xf32>
    %reduce_sum3A_1324 = vector.multi_reduction <add>, %reduce_sum3A_1322, %reduce_sum3A_1323 [1] : vector<1x4xf32> to vector<1xf32>
    %reduce_sum3A_1325 = vector.shape_cast %reduce_sum3A_1324 : vector<1xf32> to vector<1x1xf32>
    %reduce_sum3A_1326 = vector.extract %reduce_sum3A_1325[0, 0] : f32 from vector<1x1xf32>
    %mul3A_1327 = arith.mulf %mul3A_1320, %mul3A_1320 : vector<20xf32>
    %reduce_sum3A_1328 = vector.shape_cast %mul3A_1327 : vector<20xf32> to vector<1x20xf32>
    %reduce_sum3A_1329 = arith.constant dense<0.000000e+00> : vector<1xf32>
    %reduce_sum3A_1330 = vector.multi_reduction <add>, %reduce_sum3A_1328, %reduce_sum3A_1329 [1] : vector<1x20xf32> to vector<1xf32>
    %reduce_sum3A_1331 = vector.shape_cast %reduce_sum3A_1330 : vector<1xf32> to vector<1x1xf32>
    %reduce_sum3A_1332 = vector.extract %reduce_sum3A_1331[0, 0] : f32 from vector<1x1xf32>
    %add3A_1333 = arith.addf %reduce_sum3A_1326, %reduce_sum3A_1332 : f32
    %swap3A = arith.constant 0 : index
    %swap3A_1334 = arith.constant 0 : index
    %swap3A_1335 = memref.load %arg6[%swap3A, %swap3A_1334] : memref<1x1xf32, #tpu.memory_space<smem>>
    memref.store %add3A_1333, %arg6[%swap3A, %swap3A_1334] : memref<1x1xf32, #tpu.memory_space<smem>>
    return
  }
}

</mosaic_0001>

<sc_bundles>
// kernel: kernel.5.cloned.1.call-start
scs
__scs_entry_jumppad:
0x0: {  	(pc) =	sbr.rel $0x88, $3  }
0x1: {  	(tag) =	ssettag $0x0;
	lr =	simm.s32 $0x1  }
0x2: {  	[smem:$0x3F9F] =	sst lr;
	_ =	strace $0xD0000000  }
0x3: {  	_ = 	snop  }
0x4: {  	_ = 	snop  }
0x5: {  	_ = 	snop  }
0x6: {  	_ = 	snop  }
0x7: {  	_ = 	snop  }
__scs_overlays_trampoline_lowered:
0x8: {  	[smem:$0x3FAE] =	sst s0  }
0x9: {  	[smem:$0x3FAF] =	sst s1  }
0xa: {  	[smem:$0x3FB0] =	sst s2  }
0xb: {  	[smem:$0x3FB1] =	sst s3  }
0xc: {  	[smem:$0x3FB2] =	sst s4  }
0xd: {  	[smem:$0x3FB3] =	sst s5  }
0xe: {  	[smem:$0x3FB4] =	sst s6  }
0xf: {  	[smem:$0x3FB5] =	sst s7  }
0x10: {  	[smem:$0x3FB6] =	sst s8  }
0x11: {  	[smem:$0x3FB7] =	sst s9;
	s0 =	simm.s32 @!p0 $0x0  }
0x12: {  	s1 =	sld [smem:$0x3F9D];
	s0 =	simm.s32 @p0 $0x1  }
0x13: {  	[smem:$0x3FB8] =	sst s0;
	s0 =	simm.s32 @!p1 $0x0  }
0x14: {  	s2 =	sld [smem:$0x3F9C];
	s0 =	simm.s32 @p1 $0x1  }
0x15: {  	[smem:$0x3FB9] =	sst s0;
	s0 =	simm.s32 @!p2 $0x0  }
0x16: {  	s3 =	sld [smem:$0x3FDB];
	s0 =	simm.s32 @p2 $0x1  }
0x17: {  	s4 =	simm.s32 $0x1BF5;
	[smem:$0x3FBB] =	sst s0  }
0x18: {  	s0 =	sld [smem:$0x3F9E];
	_ =	swait.ge [sflag:s4], $0x0  }
0x19: {  	s7 =	sld [smem:$0x3F9F]  }
0x1a: {  	s8 =	sadd.s32 $0xFFFFE003, lr  }
0x1b: {  	s9 =	sadd.s32 $0xFFFFFEF7, lr;
	s5 =	simm.s32 $0xFFFFFFFF;
	p2 =	slt.u32 s8, $0xFFFFF086  }
0x1c: {  	p1 =	slt.u32 s9, $0xF7A;
	s5 =	simm.s32 @!p2 $0x0  }
0x1d: {  	s5 =	simm.s32 @p1 $0x1;
	p0 =	seq.s32 s7, s2  }
0x1e: {  	s7 =	smul.u32 @!p0 $0xF7A, s2;
	p2 =	seq.s32 @!p0 s5, $0x0  }
0x1f: {  	s9 =	smul.u32 $0xF7A, s1;
	s8 =	simm.s32 @!p0 $0x1BF5;
	p2 =	por !p2, p0  }
0x20: {  	[sflag:s8] =	ssyncset.s32 @!p0 $0xFFFFF086;
	s6 =	sadd.s32 @!p0 s3, s7;
	s7 =	simm.s32 @!p0 $0x108  }
0x21: {  	s3 =	sadd.s32 s3, s9;
	s6 =	sadd.s32 @!p0 $0x88, s6;
	s7 =	simm.s32 @p2 $0x1082  }
0x22: {  	[simem:s7], [sflag:s8] =	dma.local @!p0 [hbm:s6], $0xF7A  }
0x23: {  	s9 =	sor.u32 $0xD0000000, s2;
	s6 =	simm.s32 $0x108;
	_ =	swait.ge @!p0 [sflag:s8], $0x0  }
0x24: {  	s3 =	sadd.s32 $0x88, s3;
	s6 =	simm.s32 @!p1 $0x1082;
	[sflag:s4] =	ssyncset.s32 $0xFFFFF086  }
0x25: {  	[simem:s6], [sflag:s4] =	dma.local [hbm:s3], $0xF7A  }
0x26: {  	[smem:$0x3F9F] =	sst s1;
	(tag) =	ssettag s2;
	_ =	strace s9  }
0x27: {  	s1 =	sld [smem:$0x3FAF]  }
0x28: {  	s2 =	sld [smem:$0x3FB0]  }
0x29: {  	s4 =	sld [smem:$0x3FB2]  }
0x2a: {  	p0 =	seq.s32 s5, $0x0;
	s5 =	sld [smem:$0x3FB3]  }
0x2b: {  	s6 =	sld [smem:$0x3FB4]  }
0x2c: {  	s7 =	sld [smem:$0x3FB5]  }
0x2d: {  	s3 =	simm.s32 $0x108;
	s8 =	sld [smem:$0x3FB6]  }
0x2e: {  	s3 =	simm.s32 @!p0 $0x1082;
	s9 =	sld [smem:$0x3FB7]  }
0x2f: {  	lr =	sadd.s32 s0, s3;
	s0 =	sld [smem:$0x3FAE]  }
0x30: {  	s3 =	sld [smem:$0x3FB1]  }
0x31: {  	[smem:$0x3FBA] =	sst s10  }
0x32: {  	s10 =	sld [smem:$0x3FB8];
	_ =	sdelay $0x3  }
0x33: {  	p0 =	seq.s32 s10, $0x1;
	s10 =	sld [smem:$0x3FBA];
	_ =	sdelay $0x3  }
0x34: {  	[smem:$0x3FBA] =	sst s10  }
0x35: {  	s10 =	sld [smem:$0x3FB9];
	_ =	sdelay $0x3  }
0x36: {  	p1 =	seq.s32 s10, $0x1;
	s10 =	sld [smem:$0x3FBA];
	_ =	sdelay $0x3  }
0x37: {  	[smem:$0x3FBA] =	sst s10  }
0x38: {  	s10 =	sld [smem:$0x3FBB]  }
0x39: {  	_ = 	snop;
	(pc) =	sbr.ind lr, $3  }
0x3a: {  	_ = 	snop  }
0x3b: {  	_ = 	snop  }
0x3c: {  	p2 =	seq.s32 s10, $0x1;
	s10 =	sld [smem:$0x3FBA]  }
0x3d: {  	_ =	shalt  }
0x3e: {  	_ =	shalt  }
0x3f: {  	_ =	shalt  }
0x40: {  	_ =	shalt  }
0x41: {  	_ =	shalt  }
0x42: {  	_ =	shalt  }
0x43: {  	_ =	shalt  }
0x44: {  	_ =	shalt  }
0x45: {  	_ =	shalt  }
0x46: {  	_ =	shalt  }
0x47: {  	_ =	shalt  }
0x48: {  	_ =	shalt  }
0x49: {  	_ =	shalt  }
0x4a: {  	_ =	shalt  }
0x4b: {  	_ =	shalt  }
0x4c: {  	_ =	shalt  }
0x4d: {  	_ =	shalt  }
0x4e: {  	_ =	shalt  }
0x4f: {  	_ =	shalt  }
0x50: {  	_ =	shalt  }
0x51: {  	_ =	shalt  }
0x52: {  	_ =	shalt  }
0x53: {  	_ =	shalt  }
0x54: {  	_ =	shalt  }
0x55: {  	_ =	shalt  }
0x56: {  	_ =	shalt  }
0x57: {  	_ =	shalt  }
0x58: {  	_ =	shalt  }
0x59: {  	_ =	shalt  }
0x5a: {  	_ =	shalt  }
0x5b: {  	_ =	shalt  }
0x5c: {  	_ =	shalt  }
0x5d: {  	_ =	shalt  }
0x5e: {  	_ =	shalt  }
0x5f: {  	_ =	shalt  }
0x60: {  	_ =	shalt  }
0x61: {  	_ =	shalt  }
0x62: {  	_ =	shalt  }
0x63: {  	_ =	shalt  }
0x64: {  	_ =	shalt  }
0x65: {  	_ =	shalt  }
0x66: {  	_ =	shalt  }
0x67: {  	_ =	shalt  }
0x68: {  	_ =	shalt  }
0x69: {  	_ =	shalt  }
0x6a: {  	_ =	shalt  }
0x6b: {  	_ =	shalt  }
0x6c: {  	_ =	shalt  }
0x6d: {  	_ =	shalt  }
0x6e: {  	_ =	shalt  }
0x6f: {  	_ =	shalt  }
0x70: {  	_ =	shalt  }
0x71: {  	_ =	shalt  }
0x72: {  	_ =	shalt  }
0x73: {  	_ =	shalt  }
0x74: {  	_ =	shalt  }
0x75: {  	_ =	shalt  }
0x76: {  	_ =	shalt  }
0x77: {  	_ =	shalt  }
0x78: {  	_ =	shalt  }
0x79: {  	_ =	shalt  }
0x7a: {  	_ =	shalt  }
0x7b: {  	_ =	shalt  }
0x7c: {  	_ =	shalt  }
0x7d: {  	_ =	shalt  }
0x7e: {  	_ =	shalt  }
0x7f: {  	_ =	shalt  }
0x80: {  	_ =	shalt  }
0x81: {  	_ =	shalt  }
0x82: {  	_ =	shalt  }
0x83: {  	_ =	shalt  }
0x84: {  	_ =	shalt  }
0x85: {  	_ =	shalt  }
0x86: {  	_ =	shalt  }
0x87: {  	_ =	shalt  }
.Lfunc_end0:
.L_simem_size_0:
called_computation_lowered:
.L_overlay_start_0:
0x88: {  	s2 =	sld [smem:$0x3FD9]  }
0x89: {  	s3 =	sld [smem:$0x3FFE];
	_ =	sdelay $0x1  }
0x8a: {  	s1 =	srdreg.scid  }
0x8b: {  	s0 =	sand.u32 $0x1, s1  }
0x8c: {  	s17 =	sshll.u32 s0, $0xA;
	s2 =	sadd.s32 s3, s2  }
0x8d: {  	s2 =	sadd.s32 s2, s17  }
0x8e: {  	[smem:$0x3FC6] =	sst s2  }
0x8f: {  	_ = 	snop  }
0x90: {  	s2 =	sld [smem:$0x3FC9]  }
0x91: {  	s18 =	sld [smem:$0x3FC8];
	(tm) =	ssettm $0x1  }
0x92: {  	s4 =	sld [smem:$0x3FFB];
	_ =	sdelay $0x3  }
0x93: {  	_ =	strace s4  }
0x94: {  	s4 =	sld [smem:$0x3FFC];
	_ =	sdelay $0x3  }
0x95: {  	_ =	strace s4  }
0x96: {  	s4 =	sld [smem:$0x3FFD];
	_ =	sdelay $0x3  }
0x97: {  	_ =	strace s4  }
0x98: {  	_ =	strace $0x8FFFFFFF  }
0x99: {  	s19 =	sld [smem:$0x3FDB];
	_ =	sdelay $0x1  }
0x9a: {  	s5 =	simm.s32 $_scs_section_size  }
0x9b: {  	s6 =	simm.s32 $_size__tile_overlayer_lowered;
	s7 =	simm.s32 $_tile_overlayer_lowered  }
0x9c: {  	s22 =	simm.s32 $0x1BFF;
	s21 =	sshll.u32 s7, $0x1;
	s4 =	sadd.s32 s5, s19  }
0x9d: {  	s8 =	simm.s32 $0x0;
	s20 =	sshll.u32 s6, $0x1;
	s6 =	sadd.s32 s21, s4  }
0x9e: {  	[timem:s8], [sflag:s22] =	dma.local [hbm:s6], s20  }
0x9f: {  	_ =	swait.ge [sflag:s22], s20  }
0xa0: {  	s5 =	ssub.s32 $0x0, s20;
	[sflag:s22] =	ssyncset.done $0x0  }
0xa1: {  	[sflag:s22] =	ssyncadd.s32 s5;
	_ =	sdelay $0x1  }
0xa2: {  	s23 =	simm.s32 $0x1B8B  }
0xa3: {  	_ =	swait.ge [sflag:s23], $0x1  }
0xa4: {  	[sflag:s23] =	ssyncset.done $0x0  }
0xa5: {  	s25 =	simm.s32 $0x1B8E;
	s24 =	sld [smem:$0x3FFE];
	[sflag:s23] =	ssyncadd.s32 $0xFFFFFFFF  }
0xa6: {  	s26 =	simm.s32 $execute0_lowered;
	[smem:$0x3FD2] =	sst s25  }
0xa7: {  	s6 =	sshll.u32 s26, $0x1;
	_ =	strace $0x80000046;
	[dreg:$0x1] =	wrdreg $0xFFFFFFFF  }
0xa8: {  	s28 =	simm.s32 $_size_execute0_lowered;
	s4 =	sadd.s32 s4, s6;
	[dreg:$0x0] =	wrdreg $0x0  }
0xa9: {  	s6 =	sshll.u32 s28, $0x1;
	[dreg:$0x2] =	wrdreg s4  }
0xaa: {  	[dreg:$0x3] =	wrdreg s6  }
0xab: {  	[dreg:$0x4] =	wrdreg $0xC0  }
0xac: {  	_ =	task [dreg:s8], $0x5FFFF  }
0xad: {  	[dreg:$0x1] =	wrdreg $0xFFFFFFFF  }
0xae: {  	[dreg:$0x0] =	wrdreg $0x60  }
0xaf: {  	[dreg:$0x2] =	wrdreg s2  }
0xb0: {  	[dreg:$0x3] =	wrdreg s18  }
0xb1: {  	[dreg:$0x4] =	wrdreg s24  }
0xb2: {  	[dreg:$0x5] =	wrdreg $0x9  }
0xb3: {  	_ =	task.clear_ibuf [dreg:s8], $0x6FFFF;
	_ =	strace $0x90000046  }
0xb4: {  	s29 =	simm.s32 $0x9;
	_ =	strace $0x80000048  }
0xb5: {  	_ =	swait.ge [sflag:s29], $0x1  }
0xb6: {  	[sflag:s29] =	ssyncadd.s32 $0xFFFFFFFF  }
0xb7: {  	_ =	strace $0x90000048  }
0xb8: {  	_ =	sfence  }
0xb9: {  	s30 =	sld [smem:$0x0];
	_ =	sdelay $0x2  }
0xba: {  	s31 =	sshll.u32 s1, $0xD;
	s1 =	sshrl.u32 s1, $0x2  }
0xbb: {  	s3 =	sand.u32 $0x4000, s31;
	s1 =	sadd.s32 s1, s30  }
0xbc: {  	s0 =	sor.u32 s3, s0;
	s1 =	sshll.u32 s1, $0x11  }
0xbd: {  	s0 =	sor.u32 s1, s0  }
0xbe: {  	s0 =	sadd.s32 $0x8F2B, s0  }
0xbf: {  	[sflag:s0] =	ssyncadd.remote.s32 $0x1  }
0xc0: {  	_ =	sfence.sel $0xFFFF  }
0xc1: {  	[dreg:$0x0] =	wrdreg $0xFFFFFFFF;
	(pc) =	sbr.abs _section_cstart, $3  }
0xc2: {  	[dreg:$0x1] =	wrdreg $0xFFFFFFFF  }
0xc3: {  	_ =	task.clear_ibuf [dreg:s8], $0x2FFFF;
	_ =	strace $0x9FFFFFFF  }
0xc4: {  	(tm) =	ssettm $0x7FFFFFFF  }
0xc5: {  	_ =	shalt  }
tec
execute0_lowered:
.L_overlay_start_1:
0x0: {  	(tag) =	ssettag $0x1  }
0x1: {  	s1 =	rddreg [dreg:$0x0]  }
0x2: {  	s3 =	rddreg [dreg:$0x1];
	s2 =	srdreg.scid  }
0x3: {  	s0 =	stileid.u32;
	s5 =	rddreg [dreg:$0x2];
	s12 =	simm.s32 $0x8000  }
0x4: {  	s13 =	simm.s32 $0x10000;
	s14 =	simm.s32 $0x10010;
	s15 =	simm.s32 $0x10020  }
0x5: {  	s16 =	simm.s32 $0x10030;
	s17 =	simm.s32 $0x80;
	s18 =	simm.s32 $0x400  }
0x6: {  	s19 =	simm.s32 $0x10080;
	s20 =	simm.s32 $0x10480;
	s21 =	simm.s32 $0x0  }
0x7: {  	s6 =	sand.u32 $0x1, s2;
	s4 =	sshll.u32 s0, $0x1;
	s2 =	rddreg [dreg:$0x3]  }
0x8: {  	s8 =	sshrl.u32 s0, $0x2;
	s31 =	sshll.u32 s0, $0x11;
	s7 =	sor.u32 s6, s4  }
0x9: {  	s4 =	simm.s32 $0x0;
	s10 =	sshll.u32 s8, $0xD;
	s8 =	sshll.u32 s8, $0xA  }
0xa: {  	s30 =	ssub.s32 $0x2, s6;
	s9 =	sshll.u32 s7, $0x7;
	[smem:$0x7FF] =	sst s4  }
0xb: {  	s6 =	sshrl.u32 s30, $0x1;
	s7 =	sshll.u32 s7, $0x10;
	s9 =	sand.u32 $0x380, s9  }
0xc: {  	_ =	strace $0x80000047;
	s11 =	ssub.s32 s30, s6;
	s10 =	sor.u32 s10, s9  }
0xd: {  	s6 =	sand.u32 $0x180000, s31;
	s8 =	sor.u32 s8, s9;
	s28 =	sshrl.u32 s10, $0x3  }
0xe: {  	s8 =	sshrl.u32 s8, $0x3;
	s10 =	smax.u32 s11, $0x1;
	s11 =	simm.s32 $0x1  }
0xf: {  	s9 =	sadd.s32 s28, s5;
	s29 =	sadd.s32 s8, s5;
	s5 =	sand.u32 $0x70000, s7  }
0x10: {  	v0 =	vimm.f32 $0.0e+00;
	s7 =	sadd.s32 $0x2200, s29;
	s8 =	sadd.s32 $0x1200, s9;
	s9 =	sadd.s32 $0x2400, s29  }
.LBB2_1:
0x11: {  	[tilespmem:$0x10000] =	vst v0  }
0x12: {  	[tilespmem:$0x10010] =	vst v0  }
0x13: {  	[tilespmem:$0x10020] =	vst v0  }
0x14: {  	[tilespmem:$0x10030] =	vst v0;
	s22 =	simm.s32 $0x0  }
.LBB2_2:
0x15: {  	p0 =	sne.s32 s22, $0xFC0  }
.Ltmp0:
0x16: {  	_ = 	snop;
	(pc) =	sbr.rel @p0 .LBB2_2-.Ltmp0, $3  }
0x17: {  	_ =	sdelay $0x1  }
0x18: {  	s23 =	sshra.s32 s22, $0x2  }
0x19: {  	s22 =	sadd.s32 $0x40, s22;
	[tilespmem:s23+$0x10080] =	vst v0  }
0x1a: {  	s22 =	simm.s32 $0x0;
	p1 =	por $0x1, $0x1;
	s23 =	simm.s32 $0x0  }
.LBB2_4:
0x1b: {  	s24 =	sshll.u32 s23, $0xF  }
0x1c: {  	s24 =	sor.u32 s5, s24  }
0x1d: {  	s25 =	sshrl.u32 s24, $0x3  }
0x1e: {  	s25 =	sadd.s32 s1, s25  }
0x1f: {  	[tilespmem:s22], [sflag:$0x1] =	stream.linear.gather [hbm4b:s25+s22], $0x8000, $0x38;
	[tilespmem:$0x10500] =	vst v63  }
0x20: {  	s24 =	sor.u32 s6, s24;
	_ =	swait.ge [sflag:s11], $0x8000  }
0x21: {  	s24 =	sshrl.u32 s24, $0x3;
	[sflag:s11] =	ssyncset.done $0x0  }
0x22: {  	s24 =	sadd.s32 s3, s24;
	[sflag:s11] =	ssyncadd.s32 $0xFFFF8000  }
0x23: {  	[tilespmem:s12], [sflag:$0x1] =	stream.linear.gather [hbm4b:s24+s22], $0x8000, $0x38;
	[tilespmem:$0x10500] =	vst v63  }
0x24: {  	_ =	swait.ge [sflag:s11], $0x8000  }
0x25: {  	[sflag:s11] =	ssyncset.done $0x0  }
0x26: {  	s31 =	simm.s32 $0x0;
	[sflag:s11] =	ssyncadd.s32 $0xFFFF8000  }
0x27: {  	v1 =	vld [tilespmem:s31+$0x6000]  }
0x28: {  	v2 =	vld [tilespmem:s31+$0xE000]  }
0x29: {  	v3 =	vld [tilespmem:s31+$0x6010]  }
0x2a: {  	v4 =	vld [tilespmem:s31+$0xE010]  }
0x2b: {  	v5 =	vld [tilespmem:s31+$0x6020]  }
0x2c: {  	v6 =	vld [tilespmem:s31+$0xE020]  }
0x2d: {  	v7 =	vld [tilespmem:s31+$0x4000]  }
0x2e: {  	v8 =	vld [tilespmem:s31+$0xC000]  }
0x2f: {  	v9 =	vld [tilespmem:s31+$0x4010]  }
0x30: {  	v10 =	vld [tilespmem:s31+$0xC010]  }
0x31: {  	v11 =	vld [tilespmem:s31+$0x4020]  }
0x32: {  	v12 =	vld [tilespmem:s31+$0xC020]  }
0x33: {  	v13 =	vld [tilespmem:s31+$0x2000]  }
0x34: {  	v14 =	vld [tilespmem:s31+$0xA000]  }
0x35: {  	v15 =	vld [tilespmem:s31+$0x2010]  }
0x36: {  	v16 =	vld [tilespmem:s31+$0xA010]  }
0x37: {  	v17 =	vld [tilespmem:s31+$0x2020]  }
0x38: {  	v18 =	vld [tilespmem:s31+$0xA020]  }
0x39: {  	v19 =	vld [tilespmem:s31+$0x8000]  }
0x3a: {  	v20 =	vld [tilespmem:s31+$0x0]  }
0x3b: {  	v21 =	vld [tilespmem:s31+$0x10]  }
0x3c: {  	v22 =	vld [tilespmem:s31+$0x8010]  }
0x3d: {  	v23 =	vld [tilespmem:s31+$0x20]  }
0x3e: {  	v24 =	vld [tilespmem:s31+$0x8020]  }
0x3f: {  	v25 =	vld [tilespmem:s31+$0x30]  }
0x40: {  	v26 =	vld [tilespmem:s31+$0x8030]  }
0x41: {  	v27 =	vld [tilespmem:s31+$0x2030];
	v33 =	vmul.f32 v2, v1;
	v2 =	vmul.f32 v4, v3  }
0x42: {  	v1 =	vld [tilespmem:s31+$0xA030];
	v7 =	vmul.f32 v8, v7;
	v8 =	vmul.f32 v10, v9  }
0x43: {  	v29 =	vmul.f32 v14, v13;
	v9 =	vmul.f32 v16, v15;
	v3 =	vld [tilespmem:s31+$0x4030]  }
0x44: {  	v15 =	vmul.f32 v19, v20;
	v30 =	vmul.f32 v22, v21;
	v4 =	vld [tilespmem:s31+$0xC030]  }
0x45: {  	v32 =	vmul.f32 v24, v23;
	v34 =	vmul.f32 v26, v25;
	v10 =	vld [tilespmem:s31+$0x6030]  }
0x46: {  	v21 =	vmul.f32 v18, v17;
	v16 =	vld [tilespmem:s31+$0xE030];
	v13 =	vadd.f32 $0.0e+00, v15;
	v14 =	vadd.f32 $0.0e+00, v30  }
0x47: {  	v17 =	vadd.f32 $0.0e+00, v32;
	v18 =	vadd.f32 $0.0e+00, v34;
	v1 =	vmul.f32 v1, v27  }
0x48: {  	v13 =	vadd.f32 v29, v13;
	v14 =	vadd.f32 v9, v14;
	v27 =	vmul.f32 v12, v11  }
0x49: {  	v11 =	vadd.f32 v21, v17;
	v22 =	vmul.f32 v4, v3;
	v12 =	vadd.f32 v1, v18  }
0x4a: {  	v6 =	vmul.f32 v6, v5;
	v3 =	vadd.f32 v7, v13;
	v4 =	vadd.f32 v8, v14  }
0x4b: {  	v31 =	vmul.f32 v16, v10;
	v5 =	vadd.f32 v27, v11;
	v11 =	vadd.f32 v22, v12  }
0x4c: {  	v3 =	vadd.f32 v33, v3;
	v4 =	vadd.f32 v2, v4  }
0x4d: {  	v5 =	vadd.f32 v6, v5;
	v10 =	vadd.f32 v31, v11;
	_ =	sdelay $0x1  }
0x4e: {  	v3 =	vadd.f32 v4, v3;
	v4 =	vadd.f32 v10, v5;
	_ =	sdelay $0x1  }
0x4f: {  	v3 =	vadd.f32 v4, v3  }
0x50: {  	s24 =	simm.s32 $0x10080  }
0x51: {  	s25 =	simm.s32 $0x80;
	[tilespmem:s24+$0x0] =	vst.add.f32.msk $0xffff, v3  }
0x52: {  	v11 =	vld [tilespmem:s25+$0x6000]  }
0x53: {  	v13 =	vld [tilespmem:s25+$0xE000]  }
0x54: {  	v14 =	vld [tilespmem:s25+$0x6010]  }
0x55: {  	v16 =	vld [tilespmem:s25+$0xE010]  }
0x56: {  	v3 =	vld [tilespmem:s25+$0x6020]  }
0x57: {  	v4 =	vld [tilespmem:s25+$0xE020]  }
0x58: {  	v5 =	vimm.f32 $0.0e+00;
	v17 =	vld [tilespmem:s25+$0x4000]  }
0x59: {  	v10 =	vadd.f32 v7, v5;
	v18 =	vld [tilespmem:s25+$0xC000]  }
0x5a: {  	v19 =	vld [tilespmem:s25+$0x4010]  }
0x5b: {  	v12 =	vadd.f32 v8, v10;
	v20 =	vld [tilespmem:s25+$0xC010]  }
0x5c: {  	v23 =	vadd.f32 v29, v5;
	v10 =	vld [tilespmem:s25+$0x4020]  }
0x5d: {  	v24 =	vadd.f32 v34, v5;
	v28 =	vadd.f32 v27, v12;
	v12 =	vld [tilespmem:s25+$0xC020]  }
0x5e: {  	v25 =	vadd.f32 v32, v5;
	v26 =	vadd.f32 v9, v23;
	v23 =	vld [tilespmem:s25+$0x2000]  }
0x5f: {  	v35 =	vadd.f32 v30, v5;
	v36 =	vadd.f32 v1, v24;
	v24 =	vld [tilespmem:s25+$0xA000]  }
0x60: {  	v39 =	vadd.f32 v33, v5;
	v37 =	vadd.f32 v21, v25;
	v25 =	vld [tilespmem:s25+$0x2010]  }
0x61: {  	v35 =	vadd.f32 v9, v35;
	v38 =	vadd.f32 v21, v26;
	v26 =	vld [tilespmem:s25+$0xA010]  }
0x62: {  	v5 =	vadd.f32 v15, v5;
	v36 =	vadd.f32 v22, v36;
	v21 =	vld [tilespmem:s25+$0x2020]  }
0x63: {  	v37 =	vadd.f32 v27, v37;
	v27 =	vld [tilespmem:s25+$0x8000];
	v35 =	vadd.f32 v8, v35  }
0x64: {  	v8 =	vadd.f32 v30, v5;
	v30 =	vadd.f32 v29, v5;
	v29 =	vld [tilespmem:s25+$0x10]  }
0x65: {  	v9 =	vadd.f32 v22, v28;
	v28 =	vadd.f32 v2, v39;
	v22 =	vld [tilespmem:s25+$0xA020]  }
0x66: {  	v1 =	vadd.f32 v1, v38;
	v7 =	vadd.f32 v7, v30;
	v30 =	vld [tilespmem:s25+$0x20]  }
0x67: {  	v5 =	vadd.f32 v31, v36;
	v63 =	vadd.f32 v32, v8;
	v32 =	vld [tilespmem:s25+$0x8020]  }
0x68: {  	v8 =	vadd.f32 v6, v37;
	v15 =	vadd.f32 v6, v28;
	v28 =	vld [tilespmem:s25+$0x0]  }
0x69: {  	v6 =	vadd.f32 v2, v35;
	v7 =	vadd.f32 v33, v7;
	v33 =	vld [tilespmem:s25+$0x30]  }
0x6a: {  	p0 =	por p1, p1;
	s26 =	simm.s32 $0x400;
	v2 =	vadd.f32 v34, v63;
	v15 =	vadd.f32 v31, v15;
	v31 =	vld [tilespmem:s25+$0x8010]  }
.LBB2_5:
0x6b: {  	p1 =	sne.s32 s26, $0x7E00;
	v34 =	vld [tilespmem:s25+$0x8030]  }
0x6c: {  	v36 =	vmul.f32 v13, v11;
	v37 =	vmul.f32 v16, v14;
	v35 =	vld [tilespmem:s25+$0x2030]  }
0x6d: {  	v38 =	vmul.f32 v18, v17;
	v17 =	vmul.f32 v20, v19;
	v11 =	vld [tilespmem:s25+$0xA030]  }
0x6e: {  	v20 =	vmul.f32 v24, v23;
	v16 =	vmul.f32 v26, v25;
	v14 =	vadd.f32 v36, v15;
	v13 =	vld [tilespmem:s25+$0x4030]  }
0x6f: {  	v18 =	vmul.f32 v27, v28;
	v19 =	vmul.f32 v31, v29;
	v9 =	vadd.f32 v38, v9;
	v15 =	vld [tilespmem:s25+$0xC030]  }
0x70: {  	v23 =	vmul.f32 v32, v30;
	v14 =	vadd.f32 v37, v14;
	v24 =	vmul.f32 v34, v33;
	v25 =	vld [tilespmem:s25+$0x6030]  }
0x71: {  	v21 =	vmul.f32 v22, v21;
	v26 =	vadd.f32 $0.0e+00, v18;
	v27 =	vadd.f32 $0.0e+00, v19;
	v22 =	vld [tilespmem:s25+$0xE030]  }
0x72: {  	v28 =	vadd.f32 $0.0e+00, v23;
	v29 =	vadd.f32 $0.0e+00, v24;
	v30 =	vmul.f32 v11, v35  }
0x73: {  	v10 =	vmul.f32 v12, v10;
	v11 =	vadd.f32 v20, v26;
	v26 =	vadd.f32 v16, v27  }
0x74: {  	v12 =	vadd.f32 v21, v28;
	v27 =	vadd.f32 v30, v29;
	v28 =	vmul.f32 v15, v13  }
0x75: {  	v11 =	vadd.f32 v38, v11;
	v13 =	vadd.f32 v17, v26;
	v26 =	vmul.f32 v4, v3  }
0x76: {  	v3 =	vadd.f32 v10, v12;
	v4 =	vadd.f32 v28, v27;
	v12 =	vmul.f32 v22, v25  }
0x77: {  	v11 =	vadd.f32 v36, v11;
	v13 =	vadd.f32 v37, v13  }
0x78: {  	v3 =	vadd.f32 v26, v3;
	v4 =	vadd.f32 v12, v4  }
0x79: {  	v9 =	vadd.f32 v17, v9;
	v14 =	vadd.f32 v26, v14  }
0x7a: {  	v11 =	vadd.f32 v13, v11;
	v3 =	vadd.f32 v4, v3  }
0x7b: {  	v15 =	vadd.f32 v12, v14;
	v4 =	vadd.f32 v10, v9  }
0x7c: {  	v1 =	vadd.f32 v20, v1;
	v3 =	vadd.f32 v3, v11  }
0x7d: {  	s24 =	sadd.s32 $0x10, s24;
	v5 =	vadd.f32 v24, v5;
	v9 =	vadd.f32 v28, v4  }
0x7e: {  	v1 =	vadd.f32 v16, v1;
	s25 =	sshra.s32 s26, $0x2;
	v4 =	vadd.f32 v23, v8;
	[tilespmem:s24+$0x0] =	vst.add.f32.msk $0xffff, v3  }
0x7f: {  	v5 =	vadd.f32 v30, v5;
	v3 =	vadd.f32 v19, v6;
	v11 =	vld [tilespmem:s25+$0x6000]  }
0x80: {  	v1 =	vadd.f32 v21, v1;
	v4 =	vadd.f32 v21, v4;
	v13 =	vld [tilespmem:s25+$0xE000]  }
0x81: {  	v5 =	vadd.f32 v28, v5;
	v6 =	vadd.f32 v16, v3;
	v14 =	vld [tilespmem:s25+$0x6010]  }
0x82: {  	v1 =	vadd.f32 v30, v1;
	v8 =	vadd.f32 v10, v4;
	v16 =	vld [tilespmem:s25+$0xE010]  }
0x83: {  	v5 =	vadd.f32 v12, v5;
	v6 =	vadd.f32 v17, v6;
	v3 =	vld [tilespmem:s25+$0x6020]  }
0x84: {  	v2 =	vadd.f32 v18, v2;
	v8 =	vadd.f32 v26, v8;
	v4 =	vld [tilespmem:s25+$0xE020]  }
0x85: {  	v7 =	vadd.f32 v18, v7;
	v6 =	vadd.f32 v37, v6;
	v17 =	vld [tilespmem:s25+$0x4000]  }
0x86: {  	v2 =	vadd.f32 v19, v2;
	v18 =	vld [tilespmem:s25+$0xC000]  }
0x87: {  	v7 =	vadd.f32 v20, v7;
	v19 =	vld [tilespmem:s25+$0x4010]  }
0x88: {  	v2 =	vadd.f32 v23, v2;
	v20 =	vld [tilespmem:s25+$0xC010]  }
0x89: {  	v7 =	vadd.f32 v38, v7;
	v10 =	vld [tilespmem:s25+$0x4020]  }
0x8a: {  	v2 =	vadd.f32 v24, v2;
	v12 =	vld [tilespmem:s25+$0xC020]  }
0x8b: {  	v7 =	vadd.f32 v36, v7;
	v23 =	vld [tilespmem:s25+$0x2000]  }
0x8c: {  	v24 =	vld [tilespmem:s25+$0xA000]  }
0x8d: {  	v25 =	vld [tilespmem:s25+$0x2010]  }
0x8e: {  	v26 =	vld [tilespmem:s25+$0xA010]  }
0x8f: {  	v21 =	vld [tilespmem:s25+$0x2020]  }
0x90: {  	v22 =	vld [tilespmem:s25+$0xA020]  }
0x91: {  	v27 =	vld [tilespmem:s25+$0x8000]  }
0x92: {  	v28 =	vld [tilespmem:s25+$0x0]  }
.Ltmp1:
0x93: {  	v29 =	vld [tilespmem:s25+$0x10];
	(pc) =	sbr.rel @p1 .LBB2_5-.Ltmp1, $4  }
0x94: {  	v31 =	vld [tilespmem:s25+$0x8010]  }
0x95: {  	v30 =	vld [tilespmem:s25+$0x20]  }
0x96: {  	v32 =	vld [tilespmem:s25+$0x8020]  }
0x97: {  	s26 =	sadd.s32 $0x200, s26;
	v33 =	vld [tilespmem:s25+$0x30]  }
0x98: {  	v11 =	vmul.f32 v13, v11  }
0x99: {  	v36 =	vmul.f32 v18, v17;
	v41 =	vmul.f32 v27, v28  }
0x9a: {  	v38 =	vmul.f32 v24, v23;
	v15 =	vadd.f32 v11, v15  }
0x9b: {  	v34 =	vld [tilespmem:s25+$0x8030];
	v42 =	vmul.f32 v31, v29;
	v47 =	vadd.f32 $0.0e+00, v41;
	v9 =	vadd.f32 v36, v9  }
0x9c: {  	v35 =	vld [tilespmem:s25+$0x2030];
	v62 =	vmul.f32 v16, v14;
	v1 =	vadd.f32 v38, v1;
	v7 =	vadd.f32 v41, v7  }
0x9d: {  	v63 =	vld [tilespmem:s25+$0xA030];
	v37 =	vmul.f32 v20, v19;
	v2 =	vadd.f32 v41, v2;
	v48 =	vadd.f32 $0.0e+00, v42  }
0x9e: {  	v39 =	vmul.f32 v26, v25;
	v40 =	vld [tilespmem:s25+$0x4030];
	v6 =	vadd.f32 v42, v6;
	v29 =	vadd.f32 v38, v47  }
0x9f: {  	v43 =	vld [tilespmem:s25+$0xC030];
	v44 =	vmul.f32 v32, v30;
	v15 =	vadd.f32 v62, v15;
	v9 =	vadd.f32 v37, v9  }
0xa0: {  	v46 =	vld [tilespmem:s25+$0x6030];
	v1 =	vadd.f32 v39, v1;
	v7 =	vadd.f32 v38, v7;
	v45 =	vmul.f32 v34, v33  }
0xa1: {  	v21 =	vmul.f32 v22, v21;
	v49 =	vld [tilespmem:s25+$0xE030];
	v2 =	vadd.f32 v42, v2;
	v50 =	vadd.f32 $0.0e+00, v44  }
0xa2: {  	v14 =	vmul.f32 v63, v35;
	v30 =	vadd.f32 v39, v48;
	v51 =	vadd.f32 $0.0e+00, v45  }
0xa3: {  	v10 =	vmul.f32 v12, v10;
	v8 =	vadd.f32 v44, v8;
	v6 =	vadd.f32 v39, v6  }
0xa4: {  	v20 =	vmul.f32 v43, v40;
	v52 =	vadd.f32 v21, v50;
	v53 =	vadd.f32 v14, v51  }
0xa5: {  	v3 =	vmul.f32 v4, v3;
	v54 =	vadd.f32 v36, v29;
	v55 =	vadd.f32 v37, v30  }
0xa6: {  	v22 =	vmul.f32 v49, v46;
	v56 =	vadd.f32 v10, v52;
	v57 =	vadd.f32 v20, v53  }
0xa7: {  	v25 =	vadd.f32 v11, v54;
	v58 =	vadd.f32 v62, v55  }
0xa8: {  	v4 =	vadd.f32 v3, v56;
	v12 =	vadd.f32 v22, v57  }
0xa9: {  	v7 =	vadd.f32 v36, v7;
	v5 =	vadd.f32 v45, v5  }
0xaa: {  	v25 =	vadd.f32 v58, v25;
	v4 =	vadd.f32 v12, v4  }
0xab: {  	v8 =	vadd.f32 v21, v8;
	v6 =	vadd.f32 v37, v6  }
0xac: {  	v5 =	vadd.f32 v14, v5;
	v4 =	vadd.f32 v4, v25  }
0xad: {  	s24 =	sadd.s32 $0x10, s24;
	v7 =	vadd.f32 v11, v7;
	v8 =	vadd.f32 v10, v8  }
0xae: {  	v60 =	vadd.f32 v62, v6;
	v59 =	vadd.f32 v20, v5;
	[tilespmem:s24+$0x0] =	vst.add.f32.msk $0xffff, v4  }
0xaf: {  	v2 =	vadd.f32 v44, v2;
	v61 =	vadd.f32 v3, v8;
	[tilespmem:s13+$0x0] =	vst.add.f32.msk $0xffff, v7  }
0xb0: {  	v1 =	vadd.f32 v21, v1;
	v4 =	vadd.f32 v22, v59;
	[tilespmem:s14+$0x0] =	vst.add.f32.msk $0xffff, v60  }
0xb1: {  	s23 =	sshll.u32 s23, $0x6;
	v2 =	vadd.f32 v45, v2;
	v62 =	vadd.f32 v10, v9;
	[tilespmem:s15+$0x0] =	vst.add.f32.msk $0xffff, v61  }
.Ltmp2:
0xb2: {  	s23 =	sand.u32 $0x3FFFFFC0, s23;
	v1 =	vadd.f32 v14, v1;
	v3 =	vadd.f32 v3, v15;
	[tilespmem:s16+$0x0] =	vst.add.f32.msk $0xffff, v4;
	(pc) =	sbr.rel @p0 .LBB2_4-.Ltmp2, $4  }
0xb3: {  	v63 =	vadd.f32 v20, v62;
	[tilespmem:s23+$0x10480] =	vst v2  }
0xb4: {  	v2 =	vadd.f32 v22, v3;
	[tilespmem:s23+$0x10490] =	vst v1  }
0xb5: {  	[tilespmem:s23+$0x104A0] =	vst v63  }
0xb6: {  	p1 =	por $0x0, $0x0;
	[tilespmem:s23+$0x104B0] =	vst v2;
	s23 =	simm.s32 $0x1  }
0xb7: {  	[hbm4b:s7+s4] =	stream.linear.scatter [tilespmem:s13], [sflag:$0x1], $0x80, $0x38;
	[tilespmem:$0x10500] =	vst v63  }
0xb8: {  	_ =	swait.ge [sflag:s11], $0x80  }
0xb9: {  	[sflag:s11] =	ssyncset.done $0x0  }
0xba: {  	[sflag:s11] =	ssyncadd.s32 $0xFFFFFF80  }
0xbb: {  	[hbm4b:s8+s17] =	stream.strided.scatter [tilespmem:s19], [sflag:$0x1], $0x400, s18, s17, $0x38;
	[tilespmem:$0x10500] =	vst v63  }
0xbc: {  	s21 =	sadd.s32 $0x1, s21;
	_ =	swait.ge [sflag:s11], $0x400  }
0xbd: {  	p0 =	sne.s32 s21, s10;
	[sflag:s11] =	ssyncset.done $0x0  }
.Ltmp3:
0xbe: {  	[sflag:s11] =	ssyncadd.s32 $0xFFFFFC00;
	(pc) =	sbr.rel @p0 .LBB2_1-.Ltmp3, $4  }
0xbf: {  	[hbm4b:s9+s4] =	stream.linear.scatter [tilespmem:s20], [sflag:$0x1], $0x80, $0x38;
	[tilespmem:$0x10500] =	vst v63  }
0xc0: {  	_ =	swait.ge [sflag:s11], $0x80  }
0xc1: {  	[sflag:s11] =	ssyncset.done $0x0  }
0xc2: {  	[sflag:s11] =	ssyncadd.s32 $0xFFFFFF80  }
0xc3: {  	_ =	sfence.sel $0x180000  }
0xc4: {  	[bflag:$0x0] =	sbarrier.arrive $0xFFFF  }
0xc5: {  	p0 =	sne.s32 s0, $0x0;
	_ =	strace $0x90000047  }
0xc6: {  	s0 =	sadd.s32 @!p0 $0x100000, s2;
	[bflag:$0x2] =	sbarrier.arrive $0xFFFF  }
0xc7: {  	[sflag:s0] =	ssyncadd.tile.s32 @!p0 $0x1;
	_ =	shalt  }
.Lfunc_end2:
_tile_overlayer_lowered:
.L_overlay_start_2:
0xc8: {  	(tag) =	ssettag $0x2  }
0xc9: {  	s0 =	rddreg [dreg:$0x0];
	s2 =	stileid.u32  }
0xca: {  	s1 =	rddreg [dreg:$0x1];
	p0 =	sne.s32 s2, $0x0  }
0xcb: {  	s3 =	rddreg [dreg:$0x2];
	[bflag:$0x3] =	sbarrier.arrive $0xFFFF;
	s2 =	simm.s32 @!p0 $0x1C01  }
0xcc: {  	[timem:s3], [sflag:s2] =	dma.local @!p0 [hbm:s0], s1  }
0xcd: {  	s0 =	simm.s32 @!p0 $0x1  }
0xce: {  	_ =	swait.ge @!p0 [sflag:s0], s1  }
0xcf: {  	s1 =	ssub.s32 @!p0 $0x0, s1;
	[sflag:s0] =	ssyncset.done @!p0 $0x0  }
0xd0: {  	[sflag:s0] =	ssyncadd.s32 @!p0 s1  }
0xd1: {  	[bflag:$0x3] =	sbarrier.arrive $0xFFFF  }
0xd2: {  	_ =	shalt  }

</sc_bundles>
